<compile_context>
chip_gen: v7x
topology: tpu7x:2x2x1
jax: 0.10.2.dev20260603
libtpu: 0.0.44.dev20260713+nightly
codegen_flags: <defaults>
</compile_context>

<pallas_src>
import functools

import jax
import jax.numpy as jnp
from jax import lax
from jax.experimental import pallas as pl
from jax.experimental.pallas import tpu as pltpu
from jax.experimental.pallas import tpu_sc as plsc

NUM_CORES = 2
NUM_SUBCORES = 16
NW = NUM_CORES * NUM_SUBCORES
BATCH = 16384
BPW = BATCH // NW
NCHUNK = BPW // 128
NBUF = 3

NROWS = 1000000
HEAD = (NROWS // 128) * 128
NTAIL = NROWS - HEAD

ALPHA = 4.0
BETA = 400.0

_LOG1P_C = (
    2.2159764915272586e-07,
    0.9999702432977375,
    -0.49933394898195,
    0.3275117137018214,
    -0.22396689942949047,
    0.13198966239919324,
    -0.05326747773338258,
    0.010243828631143087,
)


def _log1p01(t):
    acc = jnp.full((16,), _LOG1P_C[-1], jnp.float32)
    for c in _LOG1P_C[-2::-1]:
        acc = acc * t + jnp.float32(c)
    return acc


def _sc_body(inst_hbm, pred_hbm, we_hbm, wq_hbm, qp_hbm,
             preds_out, q_out, reg_out,
             idx_i, idx_p, blk, gbuf, qp_v,
             preds_v, q_v, out16_v,
             sem_in, sem_g, sem_out):
    cid = lax.axis_index("c")
    sid = lax.axis_index("s")
    wid = cid * NUM_SUBCORES + sid
    base = wid * BPW
    lanes = lax.iota(jnp.int32, 16)

    cps = [pltpu.async_copy(qp_hbm, qp_v, sem_in)]
    for j in range(NCHUNK):
        cps.append(pltpu.async_copy(
            inst_hbm.at[pl.ds(base + 128 * j, 128)], idx_i.at[j], sem_in))
        cps.append(pltpu.async_copy(
            pred_hbm.at[pl.ds(base + 128 * j, 128)], idx_p.at[j], sem_in))
    for cp in cps:
        cp.wait()

    def blk_body(k, carry):
        row = jnp.full((16,), lax.shift_right_logical(k, 3), jnp.int32)
        col = lax.bitwise_and(k, 7) * 16 + lanes
        v = plsc.load_gather(idx_i, [row, col])
        g = lax.shift_right_logical(v, 4)
        for m in range(2):
            plsc.store_scatter(
                blk, [row, jnp.full((16,), m, jnp.int32), col],
                g + (NROWS // 16) * m)
        for m in range(4):
            plsc.store_scatter(
                blk, [row, jnp.full((16,), 2 + m, jnp.int32), col],
                g + (NROWS // 16) * m)
        return carry

    lax.fori_loop(0, NCHUNK * 8, blk_body, 0)

    def issue(j):
        b = j % NBUF
        out = []
        for m in range(2):
            out.append(pltpu.async_copy(
                we_hbm.at[blk.at[j, m]], gbuf.at[b, m], sem_g.at[b]))
        for m in range(4):
            out.append(pltpu.async_copy(
                wq_hbm.at[blk.at[j, 2 + m]], gbuf.at[b, 2 + m], sem_g.at[b]))
        return out

    inflight = [issue(j) for j in range(NBUF)]

    def pred_body_for(j, b):
        def pred_body(c, carry):
            flat = c * 16 + lanes
            i = lax.bitwise_and(flat, 127)
            cc = lax.shift_right_logical(flat, 7)
            jv = jnp.full((16,), j, jnp.int32)
            bv = jnp.full((16,), b, jnp.int32)
            r = plsc.load_gather(idx_i, [jv, i])
            x = plsc.load_gather(gbuf, [bv, cc, i, lax.bitwise_and(r, 15)])
            t = jnp.exp(-jnp.abs(x))
            preds_v[pl.ds(pl.multiple_of(j * 256 + c * 16, 16), 16)] = (
                jnp.minimum(x, 0.0) - _log1p01(t))
            return carry
        return pred_body

    def q_body_for(j, b):
        def q_body(c, carry):
            ai, ap = carry
            flat = c * 16 + lanes
            i = lax.bitwise_and(flat, 127)
            cc = lax.shift_right_logical(flat, 7)
            ccx = lax.bitwise_xor(cc, 1)
            jv = jnp.full((16,), j, jnp.int32)
            bv = jnp.full((16,), b, jnp.int32)
            r = plsc.load_gather(idx_i, [jv, i])
            rp = plsc.load_gather(idx_p, [jv, i])
            rw = lax.bitwise_and(r, 15)
            vi = plsc.load_gather(gbuf, [bv, 2 + cc, i, rw])
            pi = plsc.load_gather(gbuf, [bv, 2 + ccx, i, rw])
            wp = rp * 4 + cc
            vp = plsc.load_gather(
                qp_v, [lax.shift_right_logical(wp, 4),
                       lax.bitwise_and(wp, 15)])
            wpx = lax.bitwise_xor(wp, 1)
            pp = plsc.load_gather(
                qp_v, [lax.shift_right_logical(wpx, 4),
                       lax.bitwise_and(wpx, 15)])
            q = vi + vp
            qq = pi + pp
            m = jnp.maximum(q, qq)
            t = jnp.exp(-jnp.abs(q - qq))
            off = (j * 256 + c * 16
                   + lax.shift_right_logical(c, 4) * (1024 - 256))
            q_v[pl.ds(pl.multiple_of(off, 16), 16)] = q - m - _log1p01(t)
            return ai + vi * vi, ap + vp * vp
        return q_body

    zero = jnp.zeros((16,), jnp.float32)
    acc_i, acc_p = zero, zero
    for j in range(NCHUNK):
        for cp in inflight[j]:
            cp.wait()
        lax.fori_loop(0, 16, pred_body_for(j, j % NBUF), 0)
        acc_i, acc_p = lax.fori_loop(
            0, 32, q_body_for(j, j % NBUF), (acc_i, acc_p))
        if j + NBUF < NCHUNK:
            inflight.append(issue(j + NBUF))

    cp_p = pltpu.async_copy(preds_v, preds_out.at[pl.ds(wid * 1024, 1024)],
                            sem_out)
    cp_q0 = pltpu.async_copy(q_v.at[pl.ds(0, 1024)],
                             q_out.at[pl.ds(wid * 1024, 1024)], sem_out)
    cp_q1 = pltpu.async_copy(q_v.at[pl.ds(1024, 1024)],
                             q_out.at[pl.ds(BATCH * 2 + wid * 1024, 1024)],
                             sem_out)

    ri = jnp.sum(acc_i) * jnp.float32(BETA / 2.0)
    rp_ = jnp.sum(acc_p) * jnp.float32(ALPHA / 2.0)
    out16_v[pl.ds(0, 16)] = jnp.where(
        lanes == 0, ri, jnp.where(lanes == 1, rp_, jnp.float32(0.0)))
    pltpu.sync_copy(out16_v, reg_out.at[pl.ds(wid * 16, 16)])

    cp_p.wait()
    cp_q0.wait()
    cp_q1.wait()


_sc_call = functools.partial(
    pl.kernel,
    out_type=[
        jax.ShapeDtypeStruct((BATCH * 2,), jnp.float32),
        jax.ShapeDtypeStruct((BATCH * 4,), jnp.float32),
        jax.ShapeDtypeStruct((NW * 16,), jnp.float32),
    ],
    compiler_params=pltpu.CompilerParams(
        needs_layout_passes=False, use_tc_tiling_on_sc=False),
    mesh=plsc.VectorSubcoreMesh(
        core_axis_name="c", subcore_axis_name="s",
        num_cores=NUM_CORES, num_subcores=NUM_SUBCORES),
    scratch_types=[
        pltpu.VMEM((NCHUNK, 128), jnp.int32),
        pltpu.VMEM((NCHUNK, 128), jnp.int32),
        pltpu.VMEM((NCHUNK, 6, 128), jnp.int32),
        pltpu.VMEM((NBUF, 6, 128, 16), jnp.float32),
        pltpu.VMEM((250, 16), jnp.float32),
        pltpu.VMEM((BPW * 2,), jnp.float32),
        pltpu.VMEM((BPW * 4,), jnp.float32),
        pltpu.VMEM((16,), jnp.float32),
        pltpu.SemaphoreType.DMA,
        pltpu.SemaphoreType.DMA((NBUF,)),
        pltpu.SemaphoreType.DMA,
    ],
)(_sc_body)


def kernel(instances, predictors, labels, instance_emb, q_i_table, q_p_table):
    del labels
    we = instance_emb.T.reshape(-1, 16)
    wq = q_i_table.T.reshape(-1, 16)
    qp16 = q_p_table.reshape(-1, 16)
    preds_flat, q_flat, regs = _sc_call(
        instances, predictors, we, wq, qp16)
    predictions = (preds_flat.reshape(BATCH // 128, 2, 128)
                   .transpose(0, 2, 1).reshape(BATCH, 2))
    q_params = (q_flat.reshape(2, BATCH // 128, 2, 128)
                .transpose(1, 3, 0, 2).reshape(BATCH, 2, 2))
    parts = regs.reshape(NW, 16)
    reg_i = parts[:, 0].sum()
    reg_p = parts[:, 1].sum()
    return predictions, q_params, reg_i, reg_p

# --- scband reference (transcript-rebuilt; emitter-appended) ---
"""Pipeline reference for scband-mmce-m-24807731101855 (READ-ONLY COPY).

The authoritative reference and input builder live on the scoring server;
editing this copy changes nothing except your own understanding.
"""

import jax, jax.numpy as jnp
import numpy as np

NUM_INSTANCES = 1000000
NUM_PREDICTORS = 1000
NUM_LABELS = 2
BATCH = 16384
GAMMA = 0.25
AVG_LABELS_PER_WORKER = 1000.0
AVG_LABELS_PER_ITEM = 10.0


def setup_inputs(seed: int = 0) -> dict:
    key = jax.random.key(seed)
    k1, k2, k3, k4, k5, k6 = jax.random.split(key, 6)
    instances = jax.random.randint(k1, (BATCH,), 0, NUM_INSTANCES, dtype=jnp.int32)
    predictors = jax.random.randint(k2, (BATCH,), 0, NUM_PREDICTORS, dtype=jnp.int32)
    labels = jax.random.randint(k3, (BATCH,), 0, NUM_LABELS, dtype=jnp.int32)
    instance_emb = jax.random.normal(k4, (NUM_INSTANCES, NUM_LABELS), dtype=jnp.float32) * 0.1
    q_i_table = jax.random.normal(k5, (NUM_INSTANCES, 4), dtype=jnp.float32) * 0.1
    q_p_table = jax.random.normal(k6, (NUM_PREDICTORS, 4), dtype=jnp.float32) * 0.1
    return {
        "instances": instances,
        "predictors": predictors,
        "labels": labels,
        "instance_emb": instance_emb,
        "q_i_table": q_i_table,
        "q_p_table": q_p_table,
    }


def reference(instances, predictors, labels, instance_emb, q_i_table, q_p_table):
    # predictions = log_sigmoid(Embedding(instances))
    predictions = jax.nn.log_sigmoid(jnp.take(instance_emb, instances, axis=0))
    # q_i = Embedding(instances) reshaped to [-1, 2, 2]
    q_i = jnp.take(q_i_table, instances, axis=0).reshape(-1, 2, 2)
    # q_p = Embedding(predictors) reshaped to [-1, 2, 2]
    q_p = jnp.take(q_p_table, predictors, axis=0).reshape(-1, 2, 2)
    q_params = jax.nn.log_softmax(q_i + q_p, axis=-1)
    alpha = GAMMA * (NUM_LABELS * 2) ** 2
    beta = alpha * AVG_LABELS_PER_WORKER / AVG_LABELS_PER_ITEM
    reg_i = beta * jnp.sum(q_i * q_i) / 2.0
    reg_p = alpha * jnp.sum(q_p * q_p) / 2.0
    return predictions, q_params, reg_i, reg_p

if __name__ == "__main__":
    import jax
    _d = setup_inputs()
    print(jax.jit(kernel)(*tuple(_d.values())))

</pallas_src>

<mosaic_0001>
#map = affine_map<(d0, d1) -> (0)>
#map1 = affine_map<(d0, d1) -> (0, 0)>
module attributes {stable_mosaic.version = 14 : i64} {
  func.func @_sc_body(%arg0: i32, %arg1: i32, %arg2: memref<16384xi32, #tpu.memory_space<hbm>>, %arg3: memref<16384xi32, #tpu.memory_space<hbm>>, %arg4: memref<125000x16xf32, #tpu.memory_space<hbm>>, %arg5: memref<250000x16xf32, #tpu.memory_space<hbm>>, %arg6: memref<250x16xf32, #tpu.memory_space<hbm>>, %arg7: memref<32768xf32, #tpu.memory_space<hbm>>, %arg8: memref<65536xf32, #tpu.memory_space<hbm>>, %arg9: memref<512xf32, #tpu.memory_space<hbm>>, %arg10: memref<4x128xi32, #tpu.memory_space<vmem>>, %arg11: memref<4x128xi32, #tpu.memory_space<vmem>>, %arg12: memref<4x6x128xi32, #tpu.memory_space<vmem>>, %arg13: memref<3x6x128x16xf32, #tpu.memory_space<vmem>>, %arg14: memref<250x16xf32, #tpu.memory_space<vmem>>, %arg15: memref<1024xf32, #tpu.memory_space<vmem>>, %arg16: memref<2048xf32, #tpu.memory_space<vmem>>, %arg17: memref<16xf32, #tpu.memory_space<vmem>>, %arg18: memref<!tpu.dma_semaphore, #tpu.memory_space<semaphore_mem>>, %arg19: memref<3x!tpu.dma_semaphore, #tpu.memory_space<semaphore_mem>>, %arg20: memref<!tpu.dma_semaphore, #tpu.memory_space<semaphore_mem>>) attributes {dimension_semantics = [#tpu.dimension_semantics<core_parallel>, #tpu.dimension_semantics<subcore_parallel>], iteration_bounds = array<i64: 2, 16>, scalar_prefetch = 0 : i64, scratch_operands = 11 : i64, tpu.core_type = #tpu.core_type<sc_vector_subcore>, window_params = [{transform_indices = #map}, {transform_indices = #map}, {transform_indices = #map1}, {transform_indices = #map1}, {transform_indices = #map1}, {transform_indices = #map}, {transform_indices = #map}, {transform_indices = #map}]} {
    %mul3A = arith.constant 16 : i32
    %mul3A_0 = arith.muli %arg0, %mul3A : i32
    %add3A = arith.addi %mul3A_0, %arg1 : i32
    %mul3A_1 = arith.constant 512 : i32
    %mul3A_2 = arith.muli %add3A, %mul3A_1 : i32
    %iota3A = tpu.iota {dimensions = array<i32: 0>} : vector<16xi32>
    tpu.enqueue_dma source(%arg6 : memref<250x16xf32, #tpu.memory_space<hbm>>) target(%arg14 : memref<250x16xf32, #tpu.memory_space<vmem>>) target_semaphore(%arg18 : memref<!tpu.dma_semaphore, #tpu.memory_space<semaphore_mem>>)
    %add3A_3 = arith.constant 0 : i32
    %add3A_4 = arith.addi %mul3A_2, %add3A_3 : i32
    %dma_start3A = arith.constant 0 : i32
    %dma_start3A_5 = arith.constant 0 : i32
    %dma_start3A_6 = tpu.memref_slice %arg10[%dma_start3A, %dma_start3A_5] : memref<4x128xi32, #tpu.memory_space<vmem>> -> memref<1x128xi32, #tpu.memory_space<vmem>>
    %dma_start3A_7 = tpu.memref_squeeze %dma_start3A_6 : memref<1x128xi32, #tpu.memory_space<vmem>> -> memref<128xi32, #tpu.memory_space<vmem>>
    %dma_start3A_8 = tpu.memref_slice %arg2[%add3A_4] : memref<16384xi32, #tpu.memory_space<hbm>> -> memref<128xi32, #tpu.memory_space<hbm>>
    %dma_start3A_9 = arith.constant 0 : i32
    %dma_start3A_10 = tpu.memref_slice %arg10[%dma_start3A, %dma_start3A_9] : memref<4x128xi32, #tpu.memory_space<vmem>> -> memref<1x128xi32, #tpu.memory_space<vmem>>
    %dma_start3A_11 = tpu.memref_squeeze %dma_start3A_10 : memref<1x128xi32, #tpu.memory_space<vmem>> -> memref<128xi32, #tpu.memory_space<vmem>>
    %dma_start3A_12 = tpu.memref_slice %arg2[%add3A_4] : memref<16384xi32, #tpu.memory_space<hbm>> -> memref<128xi32, #tpu.memory_space<hbm>>
    tpu.enqueue_dma source(%dma_start3A_12 : memref<128xi32, #tpu.memory_space<hbm>>) target(%dma_start3A_11 : memref<128xi32, #tpu.memory_space<vmem>>) target_semaphore(%arg18 : memref<!tpu.dma_semaphore, #tpu.memory_space<semaphore_mem>>)
    %add3A_13 = arith.constant 0 : i32
    %add3A_14 = arith.addi %mul3A_2, %add3A_13 : i32
    %dma_start3A_15 = arith.constant 0 : i32
    %dma_start3A_16 = arith.constant 0 : i32
    %dma_start3A_17 = tpu.memref_slice %arg11[%dma_start3A_15, %dma_start3A_16] : memref<4x128xi32, #tpu.memory_space<vmem>> -> memref<1x128xi32, #tpu.memory_space<vmem>>
    %dma_start3A_18 = tpu.memref_squeeze %dma_start3A_17 : memref<1x128xi32, #tpu.memory_space<vmem>> -> memref<128xi32, #tpu.memory_space<vmem>>
    %dma_start3A_19 = tpu.memref_slice %arg3[%add3A_14] : memref<16384xi32, #tpu.memory_space<hbm>> -> memref<128xi32, #tpu.memory_space<hbm>>
    %dma_start3A_20 = arith.constant 0 : i32
    %dma_start3A_21 = tpu.memref_slice %arg11[%dma_start3A_15, %dma_start3A_20] : memref<4x128xi32, #tpu.memory_space<vmem>> -> memref<1x128xi32, #tpu.memory_space<vmem>>
    %dma_start3A_22 = tpu.memref_squeeze %dma_start3A_21 : memref<1x128xi32, #tpu.memory_space<vmem>> -> memref<128xi32, #tpu.memory_space<vmem>>
    %dma_start3A_23 = tpu.memref_slice %arg3[%add3A_14] : memref<16384xi32, #tpu.memory_space<hbm>> -> memref<128xi32, #tpu.memory_space<hbm>>
    tpu.enqueue_dma source(%dma_start3A_23 : memref<128xi32, #tpu.memory_space<hbm>>) target(%dma_start3A_22 : memref<128xi32, #tpu.memory_space<vmem>>) target_semaphore(%arg18 : memref<!tpu.dma_semaphore, #tpu.memory_space<semaphore_mem>>)
    %add3A_24 = arith.constant 128 : i32
    %add3A_25 = arith.addi %mul3A_2, %add3A_24 : i32
    %dma_start3A_26 = arith.constant 1 : i32
    %dma_start3A_27 = arith.constant 0 : i32
    %dma_start3A_28 = tpu.memref_slice %arg10[%dma_start3A_26, %dma_start3A_27] : memref<4x128xi32, #tpu.memory_space<vmem>> -> memref<1x128xi32, #tpu.memory_space<vmem>>
    %dma_start3A_29 = tpu.memref_squeeze %dma_start3A_28 : memref<1x128xi32, #tpu.memory_space<vmem>> -> memref<128xi32, #tpu.memory_space<vmem>>
    %dma_start3A_30 = tpu.memref_slice %arg2[%add3A_25] : memref<16384xi32, #tpu.memory_space<hbm>> -> memref<128xi32, #tpu.memory_space<hbm>>
    %dma_start3A_31 = arith.constant 0 : i32
    %dma_start3A_32 = tpu.memref_slice %arg10[%dma_start3A_26, %dma_start3A_31] : memref<4x128xi32, #tpu.memory_space<vmem>> -> memref<1x128xi32, #tpu.memory_space<vmem>>
    %dma_start3A_33 = tpu.memref_squeeze %dma_start3A_32 : memref<1x128xi32, #tpu.memory_space<vmem>> -> memref<128xi32, #tpu.memory_space<vmem>>
    %dma_start3A_34 = tpu.memref_slice %arg2[%add3A_25] : memref<16384xi32, #tpu.memory_space<hbm>> -> memref<128xi32, #tpu.memory_space<hbm>>
    tpu.enqueue_dma source(%dma_start3A_34 : memref<128xi32, #tpu.memory_space<hbm>>) target(%dma_start3A_33 : memref<128xi32, #tpu.memory_space<vmem>>) target_semaphore(%arg18 : memref<!tpu.dma_semaphore, #tpu.memory_space<semaphore_mem>>)
    %add3A_35 = arith.constant 128 : i32
    %add3A_36 = arith.addi %mul3A_2, %add3A_35 : i32
    %dma_start3A_37 = arith.constant 1 : i32
    %dma_start3A_38 = arith.constant 0 : i32
    %dma_start3A_39 = tpu.memref_slice %arg11[%dma_start3A_37, %dma_start3A_38] : memref<4x128xi32, #tpu.memory_space<vmem>> -> memref<1x128xi32, #tpu.memory_space<vmem>>
    %dma_start3A_40 = tpu.memref_squeeze %dma_start3A_39 : memref<1x128xi32, #tpu.memory_space<vmem>> -> memref<128xi32, #tpu.memory_space<vmem>>
    %dma_start3A_41 = tpu.memref_slice %arg3[%add3A_36] : memref<16384xi32, #tpu.memory_space<hbm>> -> memref<128xi32, #tpu.memory_space<hbm>>
    %dma_start3A_42 = arith.constant 0 : i32
    %dma_start3A_43 = tpu.memref_slice %arg11[%dma_start3A_37, %dma_start3A_42] : memref<4x128xi32, #tpu.memory_space<vmem>> -> memref<1x128xi32, #tpu.memory_space<vmem>>
    %dma_start3A_44 = tpu.memref_squeeze %dma_start3A_43 : memref<1x128xi32, #tpu.memory_space<vmem>> -> memref<128xi32, #tpu.memory_space<vmem>>
    %dma_start3A_45 = tpu.memref_slice %arg3[%add3A_36] : memref<16384xi32, #tpu.memory_space<hbm>> -> memref<128xi32, #tpu.memory_space<hbm>>
    tpu.enqueue_dma source(%dma_start3A_45 : memref<128xi32, #tpu.memory_space<hbm>>) target(%dma_start3A_44 : memref<128xi32, #tpu.memory_space<vmem>>) target_semaphore(%arg18 : memref<!tpu.dma_semaphore, #tpu.memory_space<semaphore_mem>>)
    %add3A_46 = arith.constant 256 : i32
    %add3A_47 = arith.addi %mul3A_2, %add3A_46 : i32
    %dma_start3A_48 = arith.constant 2 : i32
    %dma_start3A_49 = arith.constant 0 : i32
    %dma_start3A_50 = tpu.memref_slice %arg10[%dma_start3A_48, %dma_start3A_49] : memref<4x128xi32, #tpu.memory_space<vmem>> -> memref<1x128xi32, #tpu.memory_space<vmem>>
    %dma_start3A_51 = tpu.memref_squeeze %dma_start3A_50 : memref<1x128xi32, #tpu.memory_space<vmem>> -> memref<128xi32, #tpu.memory_space<vmem>>
    %dma_start3A_52 = tpu.memref_slice %arg2[%add3A_47] : memref<16384xi32, #tpu.memory_space<hbm>> -> memref<128xi32, #tpu.memory_space<hbm>>
    %dma_start3A_53 = arith.constant 0 : i32
    %dma_start3A_54 = tpu.memref_slice %arg10[%dma_start3A_48, %dma_start3A_53] : memref<4x128xi32, #tpu.memory_space<vmem>> -> memref<1x128xi32, #tpu.memory_space<vmem>>
    %dma_start3A_55 = tpu.memref_squeeze %dma_start3A_54 : memref<1x128xi32, #tpu.memory_space<vmem>> -> memref<128xi32, #tpu.memory_space<vmem>>
    %dma_start3A_56 = tpu.memref_slice %arg2[%add3A_47] : memref<16384xi32, #tpu.memory_space<hbm>> -> memref<128xi32, #tpu.memory_space<hbm>>
    tpu.enqueue_dma source(%dma_start3A_56 : memref<128xi32, #tpu.memory_space<hbm>>) target(%dma_start3A_55 : memref<128xi32, #tpu.memory_space<vmem>>) target_semaphore(%arg18 : memref<!tpu.dma_semaphore, #tpu.memory_space<semaphore_mem>>)
    %add3A_57 = arith.constant 256 : i32
    %add3A_58 = arith.addi %mul3A_2, %add3A_57 : i32
    %dma_start3A_59 = arith.constant 2 : i32
    %dma_start3A_60 = arith.constant 0 : i32
    %dma_start3A_61 = tpu.memref_slice %arg11[%dma_start3A_59, %dma_start3A_60] : memref<4x128xi32, #tpu.memory_space<vmem>> -> memref<1x128xi32, #tpu.memory_space<vmem>>
    %dma_start3A_62 = tpu.memref_squeeze %dma_start3A_61 : memref<1x128xi32, #tpu.memory_space<vmem>> -> memref<128xi32, #tpu.memory_space<vmem>>
    %dma_start3A_63 = tpu.memref_slice %arg3[%add3A_58] : memref<16384xi32, #tpu.memory_space<hbm>> -> memref<128xi32, #tpu.memory_space<hbm>>
    %dma_start3A_64 = arith.constant 0 : i32
    %dma_start3A_65 = tpu.memref_slice %arg11[%dma_start3A_59, %dma_start3A_64] : memref<4x128xi32, #tpu.memory_space<vmem>> -> memref<1x128xi32, #tpu.memory_space<vmem>>
    %dma_start3A_66 = tpu.memref_squeeze %dma_start3A_65 : memref<1x128xi32, #tpu.memory_space<vmem>> -> memref<128xi32, #tpu.memory_space<vmem>>
    %dma_start3A_67 = tpu.memref_slice %arg3[%add3A_58] : memref<16384xi32, #tpu.memory_space<hbm>> -> memref<128xi32, #tpu.memory_space<hbm>>
    tpu.enqueue_dma source(%dma_start3A_67 : memref<128xi32, #tpu.memory_space<hbm>>) target(%dma_start3A_66 : memref<128xi32, #tpu.memory_space<vmem>>) target_semaphore(%arg18 : memref<!tpu.dma_semaphore, #tpu.memory_space<semaphore_mem>>)
    %add3A_68 = arith.constant 384 : i32
    %add3A_69 = arith.addi %mul3A_2, %add3A_68 : i32
    %dma_start3A_70 = arith.constant 3 : i32
    %dma_start3A_71 = arith.constant 0 : i32
    %dma_start3A_72 = tpu.memref_slice %arg10[%dma_start3A_70, %dma_start3A_71] : memref<4x128xi32, #tpu.memory_space<vmem>> -> memref<1x128xi32, #tpu.memory_space<vmem>>
    %dma_start3A_73 = tpu.memref_squeeze %dma_start3A_72 : memref<1x128xi32, #tpu.memory_space<vmem>> -> memref<128xi32, #tpu.memory_space<vmem>>
    %dma_start3A_74 = tpu.memref_slice %arg2[%add3A_69] : memref<16384xi32, #tpu.memory_space<hbm>> -> memref<128xi32, #tpu.memory_space<hbm>>
    %dma_start3A_75 = arith.constant 0 : i32
    %dma_start3A_76 = tpu.memref_slice %arg10[%dma_start3A_70, %dma_start3A_75] : memref<4x128xi32, #tpu.memory_space<vmem>> -> memref<1x128xi32, #tpu.memory_space<vmem>>
    %dma_start3A_77 = tpu.memref_squeeze %dma_start3A_76 : memref<1x128xi32, #tpu.memory_space<vmem>> -> memref<128xi32, #tpu.memory_space<vmem>>
    %dma_start3A_78 = tpu.memref_slice %arg2[%add3A_69] : memref<16384xi32, #tpu.memory_space<hbm>> -> memref<128xi32, #tpu.memory_space<hbm>>
    tpu.enqueue_dma source(%dma_start3A_78 : memref<128xi32, #tpu.memory_space<hbm>>) target(%dma_start3A_77 : memref<128xi32, #tpu.memory_space<vmem>>) target_semaphore(%arg18 : memref<!tpu.dma_semaphore, #tpu.memory_space<semaphore_mem>>)
    %add3A_79 = arith.constant 384 : i32
    %add3A_80 = arith.addi %mul3A_2, %add3A_79 : i32
    %dma_start3A_81 = arith.constant 3 : i32
    %dma_start3A_82 = arith.constant 0 : i32
    %dma_start3A_83 = tpu.memref_slice %arg11[%dma_start3A_81, %dma_start3A_82] : memref<4x128xi32, #tpu.memory_space<vmem>> -> memref<1x128xi32, #tpu.memory_space<vmem>>
    %dma_start3A_84 = tpu.memref_squeeze %dma_start3A_83 : memref<1x128xi32, #tpu.memory_space<vmem>> -> memref<128xi32, #tpu.memory_space<vmem>>
    %dma_start3A_85 = tpu.memref_slice %arg3[%add3A_80] : memref<16384xi32, #tpu.memory_space<hbm>> -> memref<128xi32, #tpu.memory_space<hbm>>
    %dma_start3A_86 = arith.constant 0 : i32
    %dma_start3A_87 = tpu.memref_slice %arg11[%dma_start3A_81, %dma_start3A_86] : memref<4x128xi32, #tpu.memory_space<vmem>> -> memref<1x128xi32, #tpu.memory_space<vmem>>
    %dma_start3A_88 = tpu.memref_squeeze %dma_start3A_87 : memref<1x128xi32, #tpu.memory_space<vmem>> -> memref<128xi32, #tpu.memory_space<vmem>>
    %dma_start3A_89 = tpu.memref_slice %arg3[%add3A_80] : memref<16384xi32, #tpu.memory_space<hbm>> -> memref<128xi32, #tpu.memory_space<hbm>>
    tpu.enqueue_dma source(%dma_start3A_89 : memref<128xi32, #tpu.memory_space<hbm>>) target(%dma_start3A_88 : memref<128xi32, #tpu.memory_space<vmem>>) target_semaphore(%arg18 : memref<!tpu.dma_semaphore, #tpu.memory_space<semaphore_mem>>)
    tpu.wait_dma2 semaphore(%arg18 : memref<!tpu.dma_semaphore, #tpu.memory_space<semaphore_mem>>) src(%arg6 : memref<250x16xf32, #tpu.memory_space<hbm>>) dst(%arg14 : memref<250x16xf32, #tpu.memory_space<vmem>>)
    %dma_wait3A = arith.constant 0 : i32
    %dma_wait3A_90 = arith.constant 0 : i32
    %dma_wait3A_91 = tpu.memref_slice %arg10[%dma_wait3A, %dma_wait3A_90] : memref<4x128xi32, #tpu.memory_space<vmem>> -> memref<1x128xi32, #tpu.memory_space<vmem>>
    %dma_wait3A_92 = tpu.memref_squeeze %dma_wait3A_91 : memref<1x128xi32, #tpu.memory_space<vmem>> -> memref<128xi32, #tpu.memory_space<vmem>>
    %dma_wait3A_93 = tpu.memref_slice %arg2[%add3A_4] : memref<16384xi32, #tpu.memory_space<hbm>> -> memref<128xi32, #tpu.memory_space<hbm>>
    %dma_wait3A_94 = arith.constant 0 : i32
    %dma_wait3A_95 = tpu.memref_slice %arg10[%dma_wait3A, %dma_wait3A_94] : memref<4x128xi32, #tpu.memory_space<vmem>> -> memref<1x128xi32, #tpu.memory_space<vmem>>
    %dma_wait3A_96 = tpu.memref_squeeze %dma_wait3A_95 : memref<1x128xi32, #tpu.memory_space<vmem>> -> memref<128xi32, #tpu.memory_space<vmem>>
    %dma_wait3A_97 = tpu.memref_slice %arg2[%add3A_4] : memref<16384xi32, #tpu.memory_space<hbm>> -> memref<128xi32, #tpu.memory_space<hbm>>
    tpu.wait_dma2 semaphore(%arg18 : memref<!tpu.dma_semaphore, #tpu.memory_space<semaphore_mem>>) src(%dma_wait3A_97 : memref<128xi32, #tpu.memory_space<hbm>>) dst(%dma_wait3A_96 : memref<128xi32, #tpu.memory_space<vmem>>)
    %dma_wait3A_98 = arith.constant 0 : i32
    %dma_wait3A_99 = arith.constant 0 : i32
    %dma_wait3A_100 = tpu.memref_slice %arg11[%dma_wait3A_98, %dma_wait3A_99] : memref<4x128xi32, #tpu.memory_space<vmem>> -> memref<1x128xi32, #tpu.memory_space<vmem>>
    %dma_wait3A_101 = tpu.memref_squeeze %dma_wait3A_100 : memref<1x128xi32, #tpu.memory_space<vmem>> -> memref<128xi32, #tpu.memory_space<vmem>>
    %dma_wait3A_102 = tpu.memref_slice %arg3[%add3A_14] : memref<16384xi32, #tpu.memory_space<hbm>> -> memref<128xi32, #tpu.memory_space<hbm>>
    %dma_wait3A_103 = arith.constant 0 : i32
    %dma_wait3A_104 = tpu.memref_slice %arg11[%dma_wait3A_98, %dma_wait3A_103] : memref<4x128xi32, #tpu.memory_space<vmem>> -> memref<1x128xi32, #tpu.memory_space<vmem>>
    %dma_wait3A_105 = tpu.memref_squeeze %dma_wait3A_104 : memref<1x128xi32, #tpu.memory_space<vmem>> -> memref<128xi32, #tpu.memory_space<vmem>>
    %dma_wait3A_106 = tpu.memref_slice %arg3[%add3A_14] : memref<16384xi32, #tpu.memory_space<hbm>> -> memref<128xi32, #tpu.memory_space<hbm>>
    tpu.wait_dma2 semaphore(%arg18 : memref<!tpu.dma_semaphore, #tpu.memory_space<semaphore_mem>>) src(%dma_wait3A_106 : memref<128xi32, #tpu.memory_space<hbm>>) dst(%dma_wait3A_105 : memref<128xi32, #tpu.memory_space<vmem>>)
    %dma_wait3A_107 = arith.constant 1 : i32
    %dma_wait3A_108 = arith.constant 0 : i32
    %dma_wait3A_109 = tpu.memref_slice %arg10[%dma_wait3A_107, %dma_wait3A_108] : memref<4x128xi32, #tpu.memory_space<vmem>> -> memref<1x128xi32, #tpu.memory_space<vmem>>
    %dma_wait3A_110 = tpu.memref_squeeze %dma_wait3A_109 : memref<1x128xi32, #tpu.memory_space<vmem>> -> memref<128xi32, #tpu.memory_space<vmem>>
    %dma_wait3A_111 = tpu.memref_slice %arg2[%add3A_25] : memref<16384xi32, #tpu.memory_space<hbm>> -> memref<128xi32, #tpu.memory_space<hbm>>
    %dma_wait3A_112 = arith.constant 0 : i32
    %dma_wait3A_113 = tpu.memref_slice %arg10[%dma_wait3A_107, %dma_wait3A_112] : memref<4x128xi32, #tpu.memory_space<vmem>> -> memref<1x128xi32, #tpu.memory_space<vmem>>
    %dma_wait3A_114 = tpu.memref_squeeze %dma_wait3A_113 : memref<1x128xi32, #tpu.memory_space<vmem>> -> memref<128xi32, #tpu.memory_space<vmem>>
    %dma_wait3A_115 = tpu.memref_slice %arg2[%add3A_25] : memref<16384xi32, #tpu.memory_space<hbm>> -> memref<128xi32, #tpu.memory_space<hbm>>
    tpu.wait_dma2 semaphore(%arg18 : memref<!tpu.dma_semaphore, #tpu.memory_space<semaphore_mem>>) src(%dma_wait3A_115 : memref<128xi32, #tpu.memory_space<hbm>>) dst(%dma_wait3A_114 : memref<128xi32, #tpu.memory_space<vmem>>)
    %dma_wait3A_116 = arith.constant 1 : i32
    %dma_wait3A_117 = arith.constant 0 : i32
    %dma_wait3A_118 = tpu.memref_slice %arg11[%dma_wait3A_116, %dma_wait3A_117] : memref<4x128xi32, #tpu.memory_space<vmem>> -> memref<1x128xi32, #tpu.memory_space<vmem>>
    %dma_wait3A_119 = tpu.memref_squeeze %dma_wait3A_118 : memref<1x128xi32, #tpu.memory_space<vmem>> -> memref<128xi32, #tpu.memory_space<vmem>>
    %dma_wait3A_120 = tpu.memref_slice %arg3[%add3A_36] : memref<16384xi32, #tpu.memory_space<hbm>> -> memref<128xi32, #tpu.memory_space<hbm>>
    %dma_wait3A_121 = arith.constant 0 : i32
    %dma_wait3A_122 = tpu.memref_slice %arg11[%dma_wait3A_116, %dma_wait3A_121] : memref<4x128xi32, #tpu.memory_space<vmem>> -> memref<1x128xi32, #tpu.memory_space<vmem>>
    %dma_wait3A_123 = tpu.memref_squeeze %dma_wait3A_122 : memref<1x128xi32, #tpu.memory_space<vmem>> -> memref<128xi32, #tpu.memory_space<vmem>>
    %dma_wait3A_124 = tpu.memref_slice %arg3[%add3A_36] : memref<16384xi32, #tpu.memory_space<hbm>> -> memref<128xi32, #tpu.memory_space<hbm>>
    tpu.wait_dma2 semaphore(%arg18 : memref<!tpu.dma_semaphore, #tpu.memory_space<semaphore_mem>>) src(%dma_wait3A_124 : memref<128xi32, #tpu.memory_space<hbm>>) dst(%dma_wait3A_123 : memref<128xi32, #tpu.memory_space<vmem>>)
    %dma_wait3A_125 = arith.constant 2 : i32
    %dma_wait3A_126 = arith.constant 0 : i32
    %dma_wait3A_127 = tpu.memref_slice %arg10[%dma_wait3A_125, %dma_wait3A_126] : memref<4x128xi32, #tpu.memory_space<vmem>> -> memref<1x128xi32, #tpu.memory_space<vmem>>
    %dma_wait3A_128 = tpu.memref_squeeze %dma_wait3A_127 : memref<1x128xi32, #tpu.memory_space<vmem>> -> memref<128xi32, #tpu.memory_space<vmem>>
    %dma_wait3A_129 = tpu.memref_slice %arg2[%add3A_47] : memref<16384xi32, #tpu.memory_space<hbm>> -> memref<128xi32, #tpu.memory_space<hbm>>
    %dma_wait3A_130 = arith.constant 0 : i32
    %dma_wait3A_131 = tpu.memref_slice %arg10[%dma_wait3A_125, %dma_wait3A_130] : memref<4x128xi32, #tpu.memory_space<vmem>> -> memref<1x128xi32, #tpu.memory_space<vmem>>
    %dma_wait3A_132 = tpu.memref_squeeze %dma_wait3A_131 : memref<1x128xi32, #tpu.memory_space<vmem>> -> memref<128xi32, #tpu.memory_space<vmem>>
    %dma_wait3A_133 = tpu.memref_slice %arg2[%add3A_47] : memref<16384xi32, #tpu.memory_space<hbm>> -> memref<128xi32, #tpu.memory_space<hbm>>
    tpu.wait_dma2 semaphore(%arg18 : memref<!tpu.dma_semaphore, #tpu.memory_space<semaphore_mem>>) src(%dma_wait3A_133 : memref<128xi32, #tpu.memory_space<hbm>>) dst(%dma_wait3A_132 : memref<128xi32, #tpu.memory_space<vmem>>)
    %dma_wait3A_134 = arith.constant 2 : i32
    %dma_wait3A_135 = arith.constant 0 : i32
    %dma_wait3A_136 = tpu.memref_slice %arg11[%dma_wait3A_134, %dma_wait3A_135] : memref<4x128xi32, #tpu.memory_space<vmem>> -> memref<1x128xi32, #tpu.memory_space<vmem>>
    %dma_wait3A_137 = tpu.memref_squeeze %dma_wait3A_136 : memref<1x128xi32, #tpu.memory_space<vmem>> -> memref<128xi32, #tpu.memory_space<vmem>>
    %dma_wait3A_138 = tpu.memref_slice %arg3[%add3A_58] : memref<16384xi32, #tpu.memory_space<hbm>> -> memref<128xi32, #tpu.memory_space<hbm>>
    %dma_wait3A_139 = arith.constant 0 : i32
    %dma_wait3A_140 = tpu.memref_slice %arg11[%dma_wait3A_134, %dma_wait3A_139] : memref<4x128xi32, #tpu.memory_space<vmem>> -> memref<1x128xi32, #tpu.memory_space<vmem>>
    %dma_wait3A_141 = tpu.memref_squeeze %dma_wait3A_140 : memref<1x128xi32, #tpu.memory_space<vmem>> -> memref<128xi32, #tpu.memory_space<vmem>>
    %dma_wait3A_142 = tpu.memref_slice %arg3[%add3A_58] : memref<16384xi32, #tpu.memory_space<hbm>> -> memref<128xi32, #tpu.memory_space<hbm>>
    tpu.wait_dma2 semaphore(%arg18 : memref<!tpu.dma_semaphore, #tpu.memory_space<semaphore_mem>>) src(%dma_wait3A_142 : memref<128xi32, #tpu.memory_space<hbm>>) dst(%dma_wait3A_141 : memref<128xi32, #tpu.memory_space<vmem>>)
    %dma_wait3A_143 = arith.constant 3 : i32
    %dma_wait3A_144 = arith.constant 0 : i32
    %dma_wait3A_145 = tpu.memref_slice %arg10[%dma_wait3A_143, %dma_wait3A_144] : memref<4x128xi32, #tpu.memory_space<vmem>> -> memref<1x128xi32, #tpu.memory_space<vmem>>
    %dma_wait3A_146 = tpu.memref_squeeze %dma_wait3A_145 : memref<1x128xi32, #tpu.memory_space<vmem>> -> memref<128xi32, #tpu.memory_space<vmem>>
    %dma_wait3A_147 = tpu.memref_slice %arg2[%add3A_69] : memref<16384xi32, #tpu.memory_space<hbm>> -> memref<128xi32, #tpu.memory_space<hbm>>
    %dma_wait3A_148 = arith.constant 0 : i32
    %dma_wait3A_149 = tpu.memref_slice %arg10[%dma_wait3A_143, %dma_wait3A_148] : memref<4x128xi32, #tpu.memory_space<vmem>> -> memref<1x128xi32, #tpu.memory_space<vmem>>
    %dma_wait3A_150 = tpu.memref_squeeze %dma_wait3A_149 : memref<1x128xi32, #tpu.memory_space<vmem>> -> memref<128xi32, #tpu.memory_space<vmem>>
    %dma_wait3A_151 = tpu.memref_slice %arg2[%add3A_69] : memref<16384xi32, #tpu.memory_space<hbm>> -> memref<128xi32, #tpu.memory_space<hbm>>
    tpu.wait_dma2 semaphore(%arg18 : memref<!tpu.dma_semaphore, #tpu.memory_space<semaphore_mem>>) src(%dma_wait3A_151 : memref<128xi32, #tpu.memory_space<hbm>>) dst(%dma_wait3A_150 : memref<128xi32, #tpu.memory_space<vmem>>)
    %dma_wait3A_152 = arith.constant 3 : i32
    %dma_wait3A_153 = arith.constant 0 : i32
    %dma_wait3A_154 = tpu.memref_slice %arg11[%dma_wait3A_152, %dma_wait3A_153] : memref<4x128xi32, #tpu.memory_space<vmem>> -> memref<1x128xi32, #tpu.memory_space<vmem>>
    %dma_wait3A_155 = tpu.memref_squeeze %dma_wait3A_154 : memref<1x128xi32, #tpu.memory_space<vmem>> -> memref<128xi32, #tpu.memory_space<vmem>>
    %dma_wait3A_156 = tpu.memref_slice %arg3[%add3A_80] : memref<16384xi32, #tpu.memory_space<hbm>> -> memref<128xi32, #tpu.memory_space<hbm>>
    %dma_wait3A_157 = arith.constant 0 : i32
    %dma_wait3A_158 = tpu.memref_slice %arg11[%dma_wait3A_152, %dma_wait3A_157] : memref<4x128xi32, #tpu.memory_space<vmem>> -> memref<1x128xi32, #tpu.memory_space<vmem>>
    %dma_wait3A_159 = tpu.memref_squeeze %dma_wait3A_158 : memref<1x128xi32, #tpu.memory_space<vmem>> -> memref<128xi32, #tpu.memory_space<vmem>>
    %dma_wait3A_160 = tpu.memref_slice %arg3[%add3A_80] : memref<16384xi32, #tpu.memory_space<hbm>> -> memref<128xi32, #tpu.memory_space<hbm>>
    tpu.wait_dma2 semaphore(%arg18 : memref<!tpu.dma_semaphore, #tpu.memory_space<semaphore_mem>>) src(%dma_wait3A_160 : memref<128xi32, #tpu.memory_space<hbm>>) dst(%dma_wait3A_159 : memref<128xi32, #tpu.memory_space<vmem>>)
    %scan3A = arith.constant 0 : i32
    %scan3A_161 = arith.constant 0 : i32
    %scan3A_162 = arith.constant 32 : i32
    %scan3A_163 = arith.addi %scan3A_161, %scan3A_162 : i32
    %scan3A_164 = arith.constant 1 : i32
    scf.for %scan3A_1090 = %scan3A_161 to %scan3A_163 step %scan3A_164  : i32 {
      %shift_right_logical3A = arith.constant 3 : i32
      %shift_right_logical3A_1091 = arith.shrui %scan3A_1090, %shift_right_logical3A : i32
      %broadcast_in_dim3A_1092 = vector.broadcast %shift_right_logical3A_1091 : i32 to vector<16xi32>
      %and3A = arith.constant 7 : i32
      %and3A_1093 = arith.andi %scan3A_1090, %and3A : i32
      %mul3A_1094 = arith.constant 16 : i32
      %mul3A_1095 = arith.muli %and3A_1093, %mul3A_1094 : i32
      %add3A_1096 = vector.broadcast %mul3A_1095 : i32 to vector<16xi32>
      %add3A_1097 = arith.addi %add3A_1096, %iota3A : vector<16xi32>
      %gather3A = tpu.vector_load_idx %arg10[%broadcast_in_dim3A_1092, %add3A_1097] : memref<4x128xi32, #tpu.memory_space<vmem>>[vector<16xi32>, vector<16xi32>], vector<16xi32>,
      %shift_right_logical3A_1098 = arith.constant 4 : i32
      %shift_right_logical3A_1099 = vector.broadcast %shift_right_logical3A_1098 : i32 to vector<16xi32>
      %shift_right_logical3A_1100 = arith.shrui %gather3A, %shift_right_logical3A_1099 : vector<16xi32>
      %broadcast_in_dim3A_1101 = arith.constant 0 : i32
      %broadcast_in_dim3A_1102 = vector.broadcast %broadcast_in_dim3A_1101 : i32 to vector<16xi32>
      %add3A_1103 = arith.constant 0 : i32
      %add3A_1104 = vector.broadcast %add3A_1103 : i32 to vector<16xi32>
      %add3A_1105 = arith.addi %shift_right_logical3A_1100, %add3A_1104 : vector<16xi32>
      tpu.vector_store_idx %arg12[%broadcast_in_dim3A_1092, %broadcast_in_dim3A_1102, %add3A_1097], %add3A_1105 : memref<4x6x128xi32, #tpu.memory_space<vmem>>[vector<16xi32>, vector<16xi32>, vector<16xi32>], vector<16xi32>,
      %broadcast_in_dim3A_1106 = arith.constant 1 : i32
      %broadcast_in_dim3A_1107 = vector.broadcast %broadcast_in_dim3A_1106 : i32 to vector<16xi32>
      %add3A_1108 = arith.constant 62500 : i32
      %add3A_1109 = vector.broadcast %add3A_1108 : i32 to vector<16xi32>
      %add3A_1110 = arith.addi %shift_right_logical3A_1100, %add3A_1109 : vector<16xi32>
      tpu.vector_store_idx %arg12[%broadcast_in_dim3A_1092, %broadcast_in_dim3A_1107, %add3A_1097], %add3A_1110 : memref<4x6x128xi32, #tpu.memory_space<vmem>>[vector<16xi32>, vector<16xi32>, vector<16xi32>], vector<16xi32>,
      %broadcast_in_dim3A_1111 = arith.constant 2 : i32
      %broadcast_in_dim3A_1112 = vector.broadcast %broadcast_in_dim3A_1111 : i32 to vector<16xi32>
      %add3A_1113 = arith.constant 0 : i32
      %add3A_1114 = vector.broadcast %add3A_1113 : i32 to vector<16xi32>
      %add3A_1115 = arith.addi %shift_right_logical3A_1100, %add3A_1114 : vector<16xi32>
      tpu.vector_store_idx %arg12[%broadcast_in_dim3A_1092, %broadcast_in_dim3A_1112, %add3A_1097], %add3A_1115 : memref<4x6x128xi32, #tpu.memory_space<vmem>>[vector<16xi32>, vector<16xi32>, vector<16xi32>], vector<16xi32>,
      %broadcast_in_dim3A_1116 = arith.constant 3 : i32
      %broadcast_in_dim3A_1117 = vector.broadcast %broadcast_in_dim3A_1116 : i32 to vector<16xi32>
      %add3A_1118 = arith.constant 62500 : i32
      %add3A_1119 = vector.broadcast %add3A_1118 : i32 to vector<16xi32>
      %add3A_1120 = arith.addi %shift_right_logical3A_1100, %add3A_1119 : vector<16xi32>
      tpu.vector_store_idx %arg12[%broadcast_in_dim3A_1092, %broadcast_in_dim3A_1117, %add3A_1097], %add3A_1120 : memref<4x6x128xi32, #tpu.memory_space<vmem>>[vector<16xi32>, vector<16xi32>, vector<16xi32>], vector<16xi32>,
      %broadcast_in_dim3A_1121 = arith.constant 4 : i32
      %broadcast_in_dim3A_1122 = vector.broadcast %broadcast_in_dim3A_1121 : i32 to vector<16xi32>
      %add3A_1123 = arith.constant 125000 : i32
      %add3A_1124 = vector.broadcast %add3A_1123 : i32 to vector<16xi32>
      %add3A_1125 = arith.addi %shift_right_logical3A_1100, %add3A_1124 : vector<16xi32>
      tpu.vector_store_idx %arg12[%broadcast_in_dim3A_1092, %broadcast_in_dim3A_1122, %add3A_1097], %add3A_1125 : memref<4x6x128xi32, #tpu.memory_space<vmem>>[vector<16xi32>, vector<16xi32>, vector<16xi32>], vector<16xi32>,
      %broadcast_in_dim3A_1126 = arith.constant 5 : i32
      %broadcast_in_dim3A_1127 = vector.broadcast %broadcast_in_dim3A_1126 : i32 to vector<16xi32>
      %add3A_1128 = arith.constant 187500 : i32
      %add3A_1129 = vector.broadcast %add3A_1128 : i32 to vector<16xi32>
      %add3A_1130 = arith.addi %shift_right_logical3A_1100, %add3A_1129 : vector<16xi32>
      tpu.vector_store_idx %arg12[%broadcast_in_dim3A_1092, %broadcast_in_dim3A_1127, %add3A_1097], %add3A_1130 : memref<4x6x128xi32, #tpu.memory_space<vmem>>[vector<16xi32>, vector<16xi32>, vector<16xi32>], vector<16xi32>,
    }
    %scan3A_165 = arith.constant 32 : i32
    %dma_start3A_166 = arith.constant 0 : i32
    %dma_start3A_167 = arith.constant 0 : i32
    %dma_start3A_168 = arith.constant 0 : i32
    %dma_start3A_169 = arith.constant 0 : i32
    %dma_start3A_170 = arith.constant 0 : i32
    %dma_start3A_171 = arith.constant 0 : i32
    %dma_start3A_172 = arith.constant 0 : i32
    %dma_start3A_173 = tpu.memref_slice %arg13[%dma_start3A_168, %dma_start3A_169, %dma_start3A_171, %dma_start3A_172] : memref<3x6x128x16xf32, #tpu.memory_space<vmem>> -> memref<1x1x128x16xf32, #tpu.memory_space<vmem>>
    %dma_start3A_174 = tpu.memref_squeeze %dma_start3A_173 : memref<1x1x128x16xf32, #tpu.memory_space<vmem>> -> memref<128x16xf32, #tpu.memory_space<vmem>>
    %dma_start3A_175 = arith.constant 0 : i32
    %dma_start3A_176 = tpu.memref_slice %arg12[%dma_start3A_166, %dma_start3A_167, %dma_start3A_175] : memref<4x6x128xi32, #tpu.memory_space<vmem>> -> memref<1x1x128xi32, #tpu.memory_space<vmem>>
    %dma_start3A_177 = tpu.memref_squeeze %dma_start3A_176 : memref<1x1x128xi32, #tpu.memory_space<vmem>> -> memref<128xi32, #tpu.memory_space<vmem>>
    %dma_start3A_178 = arith.constant 0 : i32
    %dma_start3A_179 = arith.constant 0 : i32
    %dma_start3A_180 = tpu.memref_slice %arg4[%dma_start3A_178, %dma_start3A_179] : memref<125000x16xf32, #tpu.memory_space<hbm>> -> memref<125000x16xf32, #tpu.memory_space<hbm>>
    %dma_start3A_181 = tpu.memref_slice %arg19[%dma_start3A_170] : memref<3x!tpu.dma_semaphore, #tpu.memory_space<semaphore_mem>> -> memref<1x!tpu.dma_semaphore, #tpu.memory_space<semaphore_mem>>
    %dma_start3A_182 = tpu.memref_squeeze %dma_start3A_181 : memref<1x!tpu.dma_semaphore, #tpu.memory_space<semaphore_mem>> -> memref<!tpu.dma_semaphore, #tpu.memory_space<semaphore_mem>>
    tpu.enqueue_indirect_dma source(%dma_start3A_180 : memref<125000x16xf32, #tpu.memory_space<hbm>>) target(%dma_start3A_174 : memref<128x16xf32, #tpu.memory_space<vmem>>) offsets(%dma_start3A_177 : memref<128xi32, #tpu.memory_space<vmem>>) semaphore(%dma_start3A_182 : memref<!tpu.dma_semaphore, #tpu.memory_space<semaphore_mem>>)
    %dma_start3A_183 = arith.constant 0 : i32
    %dma_start3A_184 = arith.constant 1 : i32
    %dma_start3A_185 = arith.constant 0 : i32
    %dma_start3A_186 = arith.constant 1 : i32
    %dma_start3A_187 = arith.constant 0 : i32
    %dma_start3A_188 = arith.constant 0 : i32
    %dma_start3A_189 = arith.constant 0 : i32
    %dma_start3A_190 = tpu.memref_slice %arg13[%dma_start3A_185, %dma_start3A_186, %dma_start3A_188, %dma_start3A_189] : memref<3x6x128x16xf32, #tpu.memory_space<vmem>> -> memref<1x1x128x16xf32, #tpu.memory_space<vmem>>
    %dma_start3A_191 = tpu.memref_squeeze %dma_start3A_190 : memref<1x1x128x16xf32, #tpu.memory_space<vmem>> -> memref<128x16xf32, #tpu.memory_space<vmem>>
    %dma_start3A_192 = arith.constant 0 : i32
    %dma_start3A_193 = tpu.memref_slice %arg12[%dma_start3A_183, %dma_start3A_184, %dma_start3A_192] : memref<4x6x128xi32, #tpu.memory_space<vmem>> -> memref<1x1x128xi32, #tpu.memory_space<vmem>>
    %dma_start3A_194 = tpu.memref_squeeze %dma_start3A_193 : memref<1x1x128xi32, #tpu.memory_space<vmem>> -> memref<128xi32, #tpu.memory_space<vmem>>
    %dma_start3A_195 = arith.constant 0 : i32
    %dma_start3A_196 = arith.constant 0 : i32
    %dma_start3A_197 = tpu.memref_slice %arg4[%dma_start3A_195, %dma_start3A_196] : memref<125000x16xf32, #tpu.memory_space<hbm>> -> memref<125000x16xf32, #tpu.memory_space<hbm>>
    %dma_start3A_198 = tpu.memref_slice %arg19[%dma_start3A_187] : memref<3x!tpu.dma_semaphore, #tpu.memory_space<semaphore_mem>> -> memref<1x!tpu.dma_semaphore, #tpu.memory_space<semaphore_mem>>
    %dma_start3A_199 = tpu.memref_squeeze %dma_start3A_198 : memref<1x!tpu.dma_semaphore, #tpu.memory_space<semaphore_mem>> -> memref<!tpu.dma_semaphore, #tpu.memory_space<semaphore_mem>>
    tpu.enqueue_indirect_dma source(%dma_start3A_197 : memref<125000x16xf32, #tpu.memory_space<hbm>>) target(%dma_start3A_191 : memref<128x16xf32, #tpu.memory_space<vmem>>) offsets(%dma_start3A_194 : memref<128xi32, #tpu.memory_space<vmem>>) semaphore(%dma_start3A_199 : memref<!tpu.dma_semaphore, #tpu.memory_space<semaphore_mem>>)
    %dma_start3A_200 = arith.constant 0 : i32
    %dma_start3A_201 = arith.constant 2 : i32
    %dma_start3A_202 = arith.constant 0 : i32
    %dma_start3A_203 = arith.constant 2 : i32
    %dma_start3A_204 = arith.constant 0 : i32
    %dma_start3A_205 = arith.constant 0 : i32
    %dma_start3A_206 = arith.constant 0 : i32
    %dma_start3A_207 = tpu.memref_slice %arg13[%dma_start3A_202, %dma_start3A_203, %dma_start3A_205, %dma_start3A_206] : memref<3x6x128x16xf32, #tpu.memory_space<vmem>> -> memref<1x1x128x16xf32, #tpu.memory_space<vmem>>
    %dma_start3A_208 = tpu.memref_squeeze %dma_start3A_207 : memref<1x1x128x16xf32, #tpu.memory_space<vmem>> -> memref<128x16xf32, #tpu.memory_space<vmem>>
    %dma_start3A_209 = arith.constant 0 : i32
    %dma_start3A_210 = tpu.memref_slice %arg12[%dma_start3A_200, %dma_start3A_201, %dma_start3A_209] : memref<4x6x128xi32, #tpu.memory_space<vmem>> -> memref<1x1x128xi32, #tpu.memory_space<vmem>>
    %dma_start3A_211 = tpu.memref_squeeze %dma_start3A_210 : memref<1x1x128xi32, #tpu.memory_space<vmem>> -> memref<128xi32, #tpu.memory_space<vmem>>
    %dma_start3A_212 = arith.constant 0 : i32
    %dma_start3A_213 = arith.constant 0 : i32
    %dma_start3A_214 = tpu.memref_slice %arg5[%dma_start3A_212, %dma_start3A_213] : memref<250000x16xf32, #tpu.memory_space<hbm>> -> memref<250000x16xf32, #tpu.memory_space<hbm>>
    %dma_start3A_215 = tpu.memref_slice %arg19[%dma_start3A_204] : memref<3x!tpu.dma_semaphore, #tpu.memory_space<semaphore_mem>> -> memref<1x!tpu.dma_semaphore, #tpu.memory_space<semaphore_mem>>
    %dma_start3A_216 = tpu.memref_squeeze %dma_start3A_215 : memref<1x!tpu.dma_semaphore, #tpu.memory_space<semaphore_mem>> -> memref<!tpu.dma_semaphore, #tpu.memory_space<semaphore_mem>>
    tpu.enqueue_indirect_dma source(%dma_start3A_214 : memref<250000x16xf32, #tpu.memory_space<hbm>>) target(%dma_start3A_208 : memref<128x16xf32, #tpu.memory_space<vmem>>) offsets(%dma_start3A_211 : memref<128xi32, #tpu.memory_space<vmem>>) semaphore(%dma_start3A_216 : memref<!tpu.dma_semaphore, #tpu.memory_space<semaphore_mem>>)
    %dma_start3A_217 = arith.constant 0 : i32
    %dma_start3A_218 = arith.constant 3 : i32
    %dma_start3A_219 = arith.constant 0 : i32
    %dma_start3A_220 = arith.constant 3 : i32
    %dma_start3A_221 = arith.constant 0 : i32
    %dma_start3A_222 = arith.constant 0 : i32
    %dma_start3A_223 = arith.constant 0 : i32
    %dma_start3A_224 = tpu.memref_slice %arg13[%dma_start3A_219, %dma_start3A_220, %dma_start3A_222, %dma_start3A_223] : memref<3x6x128x16xf32, #tpu.memory_space<vmem>> -> memref<1x1x128x16xf32, #tpu.memory_space<vmem>>
    %dma_start3A_225 = tpu.memref_squeeze %dma_start3A_224 : memref<1x1x128x16xf32, #tpu.memory_space<vmem>> -> memref<128x16xf32, #tpu.memory_space<vmem>>
    %dma_start3A_226 = arith.constant 0 : i32
    %dma_start3A_227 = tpu.memref_slice %arg12[%dma_start3A_217, %dma_start3A_218, %dma_start3A_226] : memref<4x6x128xi32, #tpu.memory_space<vmem>> -> memref<1x1x128xi32, #tpu.memory_space<vmem>>
    %dma_start3A_228 = tpu.memref_squeeze %dma_start3A_227 : memref<1x1x128xi32, #tpu.memory_space<vmem>> -> memref<128xi32, #tpu.memory_space<vmem>>
    %dma_start3A_229 = arith.constant 0 : i32
    %dma_start3A_230 = arith.constant 0 : i32
    %dma_start3A_231 = tpu.memref_slice %arg5[%dma_start3A_229, %dma_start3A_230] : memref<250000x16xf32, #tpu.memory_space<hbm>> -> memref<250000x16xf32, #tpu.memory_space<hbm>>
    %dma_start3A_232 = tpu.memref_slice %arg19[%dma_start3A_221] : memref<3x!tpu.dma_semaphore, #tpu.memory_space<semaphore_mem>> -> memref<1x!tpu.dma_semaphore, #tpu.memory_space<semaphore_mem>>
    %dma_start3A_233 = tpu.memref_squeeze %dma_start3A_232 : memref<1x!tpu.dma_semaphore, #tpu.memory_space<semaphore_mem>> -> memref<!tpu.dma_semaphore, #tpu.memory_space<semaphore_mem>>
    tpu.enqueue_indirect_dma source(%dma_start3A_231 : memref<250000x16xf32, #tpu.memory_space<hbm>>) target(%dma_start3A_225 : memref<128x16xf32, #tpu.memory_space<vmem>>) offsets(%dma_start3A_228 : memref<128xi32, #tpu.memory_space<vmem>>) semaphore(%dma_start3A_233 : memref<!tpu.dma_semaphore, #tpu.memory_space<semaphore_mem>>)
    %dma_start3A_234 = arith.constant 0 : i32
    %dma_start3A_235 = arith.constant 4 : i32
    %dma_start3A_236 = arith.constant 0 : i32
    %dma_start3A_237 = arith.constant 4 : i32
    %dma_start3A_238 = arith.constant 0 : i32
    %dma_start3A_239 = arith.constant 0 : i32
    %dma_start3A_240 = arith.constant 0 : i32
    %dma_start3A_241 = tpu.memref_slice %arg13[%dma_start3A_236, %dma_start3A_237, %dma_start3A_239, %dma_start3A_240] : memref<3x6x128x16xf32, #tpu.memory_space<vmem>> -> memref<1x1x128x16xf32, #tpu.memory_space<vmem>>
    %dma_start3A_242 = tpu.memref_squeeze %dma_start3A_241 : memref<1x1x128x16xf32, #tpu.memory_space<vmem>> -> memref<128x16xf32, #tpu.memory_space<vmem>>
    %dma_start3A_243 = arith.constant 0 : i32
    %dma_start3A_244 = tpu.memref_slice %arg12[%dma_start3A_234, %dma_start3A_235, %dma_start3A_243] : memref<4x6x128xi32, #tpu.memory_space<vmem>> -> memref<1x1x128xi32, #tpu.memory_space<vmem>>
    %dma_start3A_245 = tpu.memref_squeeze %dma_start3A_244 : memref<1x1x128xi32, #tpu.memory_space<vmem>> -> memref<128xi32, #tpu.memory_space<vmem>>
    %dma_start3A_246 = arith.constant 0 : i32
    %dma_start3A_247 = arith.constant 0 : i32
    %dma_start3A_248 = tpu.memref_slice %arg5[%dma_start3A_246, %dma_start3A_247] : memref<250000x16xf32, #tpu.memory_space<hbm>> -> memref<250000x16xf32, #tpu.memory_space<hbm>>
    %dma_start3A_249 = tpu.memref_slice %arg19[%dma_start3A_238] : memref<3x!tpu.dma_semaphore, #tpu.memory_space<semaphore_mem>> -> memref<1x!tpu.dma_semaphore, #tpu.memory_space<semaphore_mem>>
    %dma_start3A_250 = tpu.memref_squeeze %dma_start3A_249 : memref<1x!tpu.dma_semaphore, #tpu.memory_space<semaphore_mem>> -> memref<!tpu.dma_semaphore, #tpu.memory_space<semaphore_mem>>
    tpu.enqueue_indirect_dma source(%dma_start3A_248 : memref<250000x16xf32, #tpu.memory_space<hbm>>) target(%dma_start3A_242 : memref<128x16xf32, #tpu.memory_space<vmem>>) offsets(%dma_start3A_245 : memref<128xi32, #tpu.memory_space<vmem>>) semaphore(%dma_start3A_250 : memref<!tpu.dma_semaphore, #tpu.memory_space<semaphore_mem>>)
    %dma_start3A_251 = arith.constant 0 : i32
    %dma_start3A_252 = arith.constant 5 : i32
    %dma_start3A_253 = arith.constant 0 : i32
    %dma_start3A_254 = arith.constant 5 : i32
    %dma_start3A_255 = arith.constant 0 : i32
    %dma_start3A_256 = arith.constant 0 : i32
    %dma_start3A_257 = arith.constant 0 : i32
    %dma_start3A_258 = tpu.memref_slice %arg13[%dma_start3A_253, %dma_start3A_254, %dma_start3A_256, %dma_start3A_257] : memref<3x6x128x16xf32, #tpu.memory_space<vmem>> -> memref<1x1x128x16xf32, #tpu.memory_space<vmem>>
    %dma_start3A_259 = tpu.memref_squeeze %dma_start3A_258 : memref<1x1x128x16xf32, #tpu.memory_space<vmem>> -> memref<128x16xf32, #tpu.memory_space<vmem>>
    %dma_start3A_260 = arith.constant 0 : i32
    %dma_start3A_261 = tpu.memref_slice %arg12[%dma_start3A_251, %dma_start3A_252, %dma_start3A_260] : memref<4x6x128xi32, #tpu.memory_space<vmem>> -> memref<1x1x128xi32, #tpu.memory_space<vmem>>
    %dma_start3A_262 = tpu.memref_squeeze %dma_start3A_261 : memref<1x1x128xi32, #tpu.memory_space<vmem>> -> memref<128xi32, #tpu.memory_space<vmem>>
    %dma_start3A_263 = arith.constant 0 : i32
    %dma_start3A_264 = arith.constant 0 : i32
    %dma_start3A_265 = tpu.memref_slice %arg5[%dma_start3A_263, %dma_start3A_264] : memref<250000x16xf32, #tpu.memory_space<hbm>> -> memref<250000x16xf32, #tpu.memory_space<hbm>>
    %dma_start3A_266 = tpu.memref_slice %arg19[%dma_start3A_255] : memref<3x!tpu.dma_semaphore, #tpu.memory_space<semaphore_mem>> -> memref<1x!tpu.dma_semaphore, #tpu.memory_space<semaphore_mem>>
    %dma_start3A_267 = tpu.memref_squeeze %dma_start3A_266 : memref<1x!tpu.dma_semaphore, #tpu.memory_space<semaphore_mem>> -> memref<!tpu.dma_semaphore, #tpu.memory_space<semaphore_mem>>
    tpu.enqueue_indirect_dma source(%dma_start3A_265 : memref<250000x16xf32, #tpu.memory_space<hbm>>) target(%dma_start3A_259 : memref<128x16xf32, #tpu.memory_space<vmem>>) offsets(%dma_start3A_262 : memref<128xi32, #tpu.memory_space<vmem>>) semaphore(%dma_start3A_267 : memref<!tpu.dma_semaphore, #tpu.memory_space<semaphore_mem>>)
    %dma_start3A_268 = arith.constant 1 : i32
    %dma_start3A_269 = arith.constant 0 : i32
    %dma_start3A_270 = arith.constant 1 : i32
    %dma_start3A_271 = arith.constant 0 : i32
    %dma_start3A_272 = arith.constant 1 : i32
    %dma_start3A_273 = arith.constant 0 : i32
    %dma_start3A_274 = arith.constant 0 : i32
    %dma_start3A_275 = tpu.memref_slice %arg13[%dma_start3A_270, %dma_start3A_271, %dma_start3A_273, %dma_start3A_274] : memref<3x6x128x16xf32, #tpu.memory_space<vmem>> -> memref<1x1x128x16xf32, #tpu.memory_space<vmem>>
    %dma_start3A_276 = tpu.memref_squeeze %dma_start3A_275 : memref<1x1x128x16xf32, #tpu.memory_space<vmem>> -> memref<128x16xf32, #tpu.memory_space<vmem>>
    %dma_start3A_277 = arith.constant 0 : i32
    %dma_start3A_278 = tpu.memref_slice %arg12[%dma_start3A_268, %dma_start3A_269, %dma_start3A_277] : memref<4x6x128xi32, #tpu.memory_space<vmem>> -> memref<1x1x128xi32, #tpu.memory_space<vmem>>
    %dma_start3A_279 = tpu.memref_squeeze %dma_start3A_278 : memref<1x1x128xi32, #tpu.memory_space<vmem>> -> memref<128xi32, #tpu.memory_space<vmem>>
    %dma_start3A_280 = arith.constant 0 : i32
    %dma_start3A_281 = arith.constant 0 : i32
    %dma_start3A_282 = tpu.memref_slice %arg4[%dma_start3A_280, %dma_start3A_281] : memref<125000x16xf32, #tpu.memory_space<hbm>> -> memref<125000x16xf32, #tpu.memory_space<hbm>>
    %dma_start3A_283 = tpu.memref_slice %arg19[%dma_start3A_272] : memref<3x!tpu.dma_semaphore, #tpu.memory_space<semaphore_mem>> -> memref<1x!tpu.dma_semaphore, #tpu.memory_space<semaphore_mem>>
    %dma_start3A_284 = tpu.memref_squeeze %dma_start3A_283 : memref<1x!tpu.dma_semaphore, #tpu.memory_space<semaphore_mem>> -> memref<!tpu.dma_semaphore, #tpu.memory_space<semaphore_mem>>
    tpu.enqueue_indirect_dma source(%dma_start3A_282 : memref<125000x16xf32, #tpu.memory_space<hbm>>) target(%dma_start3A_276 : memref<128x16xf32, #tpu.memory_space<vmem>>) offsets(%dma_start3A_279 : memref<128xi32, #tpu.memory_space<vmem>>) semaphore(%dma_start3A_284 : memref<!tpu.dma_semaphore, #tpu.memory_space<semaphore_mem>>)
    %dma_start3A_285 = arith.constant 1 : i32
    %dma_start3A_286 = arith.constant 1 : i32
    %dma_start3A_287 = arith.constant 1 : i32
    %dma_start3A_288 = arith.constant 1 : i32
    %dma_start3A_289 = arith.constant 1 : i32
    %dma_start3A_290 = arith.constant 0 : i32
    %dma_start3A_291 = arith.constant 0 : i32
    %dma_start3A_292 = tpu.memref_slice %arg13[%dma_start3A_287, %dma_start3A_288, %dma_start3A_290, %dma_start3A_291] : memref<3x6x128x16xf32, #tpu.memory_space<vmem>> -> memref<1x1x128x16xf32, #tpu.memory_space<vmem>>
    %dma_start3A_293 = tpu.memref_squeeze %dma_start3A_292 : memref<1x1x128x16xf32, #tpu.memory_space<vmem>> -> memref<128x16xf32, #tpu.memory_space<vmem>>
    %dma_start3A_294 = arith.constant 0 : i32
    %dma_start3A_295 = tpu.memref_slice %arg12[%dma_start3A_285, %dma_start3A_286, %dma_start3A_294] : memref<4x6x128xi32, #tpu.memory_space<vmem>> -> memref<1x1x128xi32, #tpu.memory_space<vmem>>
    %dma_start3A_296 = tpu.memref_squeeze %dma_start3A_295 : memref<1x1x128xi32, #tpu.memory_space<vmem>> -> memref<128xi32, #tpu.memory_space<vmem>>
    %dma_start3A_297 = arith.constant 0 : i32
    %dma_start3A_298 = arith.constant 0 : i32
    %dma_start3A_299 = tpu.memref_slice %arg4[%dma_start3A_297, %dma_start3A_298] : memref<125000x16xf32, #tpu.memory_space<hbm>> -> memref<125000x16xf32, #tpu.memory_space<hbm>>
    %dma_start3A_300 = tpu.memref_slice %arg19[%dma_start3A_289] : memref<3x!tpu.dma_semaphore, #tpu.memory_space<semaphore_mem>> -> memref<1x!tpu.dma_semaphore, #tpu.memory_space<semaphore_mem>>
    %dma_start3A_301 = tpu.memref_squeeze %dma_start3A_300 : memref<1x!tpu.dma_semaphore, #tpu.memory_space<semaphore_mem>> -> memref<!tpu.dma_semaphore, #tpu.memory_space<semaphore_mem>>
    tpu.enqueue_indirect_dma source(%dma_start3A_299 : memref<125000x16xf32, #tpu.memory_space<hbm>>) target(%dma_start3A_293 : memref<128x16xf32, #tpu.memory_space<vmem>>) offsets(%dma_start3A_296 : memref<128xi32, #tpu.memory_space<vmem>>) semaphore(%dma_start3A_301 : memref<!tpu.dma_semaphore, #tpu.memory_space<semaphore_mem>>)
    %dma_start3A_302 = arith.constant 1 : i32
    %dma_start3A_303 = arith.constant 2 : i32
    %dma_start3A_304 = arith.constant 1 : i32
    %dma_start3A_305 = arith.constant 2 : i32
    %dma_start3A_306 = arith.constant 1 : i32
    %dma_start3A_307 = arith.constant 0 : i32
    %dma_start3A_308 = arith.constant 0 : i32
    %dma_start3A_309 = tpu.memref_slice %arg13[%dma_start3A_304, %dma_start3A_305, %dma_start3A_307, %dma_start3A_308] : memref<3x6x128x16xf32, #tpu.memory_space<vmem>> -> memref<1x1x128x16xf32, #tpu.memory_space<vmem>>
    %dma_start3A_310 = tpu.memref_squeeze %dma_start3A_309 : memref<1x1x128x16xf32, #tpu.memory_space<vmem>> -> memref<128x16xf32, #tpu.memory_space<vmem>>
    %dma_start3A_311 = arith.constant 0 : i32
    %dma_start3A_312 = tpu.memref_slice %arg12[%dma_start3A_302, %dma_start3A_303, %dma_start3A_311] : memref<4x6x128xi32, #tpu.memory_space<vmem>> -> memref<1x1x128xi32, #tpu.memory_space<vmem>>
    %dma_start3A_313 = tpu.memref_squeeze %dma_start3A_312 : memref<1x1x128xi32, #tpu.memory_space<vmem>> -> memref<128xi32, #tpu.memory_space<vmem>>
    %dma_start3A_314 = arith.constant 0 : i32
    %dma_start3A_315 = arith.constant 0 : i32
    %dma_start3A_316 = tpu.memref_slice %arg5[%dma_start3A_314, %dma_start3A_315] : memref<250000x16xf32, #tpu.memory_space<hbm>> -> memref<250000x16xf32, #tpu.memory_space<hbm>>
    %dma_start3A_317 = tpu.memref_slice %arg19[%dma_start3A_306] : memref<3x!tpu.dma_semaphore, #tpu.memory_space<semaphore_mem>> -> memref<1x!tpu.dma_semaphore, #tpu.memory_space<semaphore_mem>>
    %dma_start3A_318 = tpu.memref_squeeze %dma_start3A_317 : memref<1x!tpu.dma_semaphore, #tpu.memory_space<semaphore_mem>> -> memref<!tpu.dma_semaphore, #tpu.memory_space<semaphore_mem>>
    tpu.enqueue_indirect_dma source(%dma_start3A_316 : memref<250000x16xf32, #tpu.memory_space<hbm>>) target(%dma_start3A_310 : memref<128x16xf32, #tpu.memory_space<vmem>>) offsets(%dma_start3A_313 : memref<128xi32, #tpu.memory_space<vmem>>) semaphore(%dma_start3A_318 : memref<!tpu.dma_semaphore, #tpu.memory_space<semaphore_mem>>)
    %dma_start3A_319 = arith.constant 1 : i32
    %dma_start3A_320 = arith.constant 3 : i32
    %dma_start3A_321 = arith.constant 1 : i32
    %dma_start3A_322 = arith.constant 3 : i32
    %dma_start3A_323 = arith.constant 1 : i32
    %dma_start3A_324 = arith.constant 0 : i32
    %dma_start3A_325 = arith.constant 0 : i32
    %dma_start3A_326 = tpu.memref_slice %arg13[%dma_start3A_321, %dma_start3A_322, %dma_start3A_324, %dma_start3A_325] : memref<3x6x128x16xf32, #tpu.memory_space<vmem>> -> memref<1x1x128x16xf32, #tpu.memory_space<vmem>>
    %dma_start3A_327 = tpu.memref_squeeze %dma_start3A_326 : memref<1x1x128x16xf32, #tpu.memory_space<vmem>> -> memref<128x16xf32, #tpu.memory_space<vmem>>
    %dma_start3A_328 = arith.constant 0 : i32
    %dma_start3A_329 = tpu.memref_slice %arg12[%dma_start3A_319, %dma_start3A_320, %dma_start3A_328] : memref<4x6x128xi32, #tpu.memory_space<vmem>> -> memref<1x1x128xi32, #tpu.memory_space<vmem>>
    %dma_start3A_330 = tpu.memref_squeeze %dma_start3A_329 : memref<1x1x128xi32, #tpu.memory_space<vmem>> -> memref<128xi32, #tpu.memory_space<vmem>>
    %dma_start3A_331 = arith.constant 0 : i32
    %dma_start3A_332 = arith.constant 0 : i32
    %dma_start3A_333 = tpu.memref_slice %arg5[%dma_start3A_331, %dma_start3A_332] : memref<250000x16xf32, #tpu.memory_space<hbm>> -> memref<250000x16xf32, #tpu.memory_space<hbm>>
    %dma_start3A_334 = tpu.memref_slice %arg19[%dma_start3A_323] : memref<3x!tpu.dma_semaphore, #tpu.memory_space<semaphore_mem>> -> memref<1x!tpu.dma_semaphore, #tpu.memory_space<semaphore_mem>>
    %dma_start3A_335 = tpu.memref_squeeze %dma_start3A_334 : memref<1x!tpu.dma_semaphore, #tpu.memory_space<semaphore_mem>> -> memref<!tpu.dma_semaphore, #tpu.memory_space<semaphore_mem>>
    tpu.enqueue_indirect_dma source(%dma_start3A_333 : memref<250000x16xf32, #tpu.memory_space<hbm>>) target(%dma_start3A_327 : memref<128x16xf32, #tpu.memory_space<vmem>>) offsets(%dma_start3A_330 : memref<128xi32, #tpu.memory_space<vmem>>) semaphore(%dma_start3A_335 : memref<!tpu.dma_semaphore, #tpu.memory_space<semaphore_mem>>)
    %dma_start3A_336 = arith.constant 1 : i32
    %dma_start3A_337 = arith.constant 4 : i32
    %dma_start3A_338 = arith.constant 1 : i32
    %dma_start3A_339 = arith.constant 4 : i32
    %dma_start3A_340 = arith.constant 1 : i32
    %dma_start3A_341 = arith.constant 0 : i32
    %dma_start3A_342 = arith.constant 0 : i32
    %dma_start3A_343 = tpu.memref_slice %arg13[%dma_start3A_338, %dma_start3A_339, %dma_start3A_341, %dma_start3A_342] : memref<3x6x128x16xf32, #tpu.memory_space<vmem>> -> memref<1x1x128x16xf32, #tpu.memory_space<vmem>>
    %dma_start3A_344 = tpu.memref_squeeze %dma_start3A_343 : memref<1x1x128x16xf32, #tpu.memory_space<vmem>> -> memref<128x16xf32, #tpu.memory_space<vmem>>
    %dma_start3A_345 = arith.constant 0 : i32
    %dma_start3A_346 = tpu.memref_slice %arg12[%dma_start3A_336, %dma_start3A_337, %dma_start3A_345] : memref<4x6x128xi32, #tpu.memory_space<vmem>> -> memref<1x1x128xi32, #tpu.memory_space<vmem>>
    %dma_start3A_347 = tpu.memref_squeeze %dma_start3A_346 : memref<1x1x128xi32, #tpu.memory_space<vmem>> -> memref<128xi32, #tpu.memory_space<vmem>>
    %dma_start3A_348 = arith.constant 0 : i32
    %dma_start3A_349 = arith.constant 0 : i32
    %dma_start3A_350 = tpu.memref_slice %arg5[%dma_start3A_348, %dma_start3A_349] : memref<250000x16xf32, #tpu.memory_space<hbm>> -> memref<250000x16xf32, #tpu.memory_space<hbm>>
    %dma_start3A_351 = tpu.memref_slice %arg19[%dma_start3A_340] : memref<3x!tpu.dma_semaphore, #tpu.memory_space<semaphore_mem>> -> memref<1x!tpu.dma_semaphore, #tpu.memory_space<semaphore_mem>>
    %dma_start3A_352 = tpu.memref_squeeze %dma_start3A_351 : memref<1x!tpu.dma_semaphore, #tpu.memory_space<semaphore_mem>> -> memref<!tpu.dma_semaphore, #tpu.memory_space<semaphore_mem>>
    tpu.enqueue_indirect_dma source(%dma_start3A_350 : memref<250000x16xf32, #tpu.memory_space<hbm>>) target(%dma_start3A_344 : memref<128x16xf32, #tpu.memory_space<vmem>>) offsets(%dma_start3A_347 : memref<128xi32, #tpu.memory_space<vmem>>) semaphore(%dma_start3A_352 : memref<!tpu.dma_semaphore, #tpu.memory_space<semaphore_mem>>)
    %dma_start3A_353 = arith.constant 1 : i32
    %dma_start3A_354 = arith.constant 5 : i32
    %dma_start3A_355 = arith.constant 1 : i32
    %dma_start3A_356 = arith.constant 5 : i32
    %dma_start3A_357 = arith.constant 1 : i32
    %dma_start3A_358 = arith.constant 0 : i32
    %dma_start3A_359 = arith.constant 0 : i32
    %dma_start3A_360 = tpu.memref_slice %arg13[%dma_start3A_355, %dma_start3A_356, %dma_start3A_358, %dma_start3A_359] : memref<3x6x128x16xf32, #tpu.memory_space<vmem>> -> memref<1x1x128x16xf32, #tpu.memory_space<vmem>>
    %dma_start3A_361 = tpu.memref_squeeze %dma_start3A_360 : memref<1x1x128x16xf32, #tpu.memory_space<vmem>> -> memref<128x16xf32, #tpu.memory_space<vmem>>
    %dma_start3A_362 = arith.constant 0 : i32
    %dma_start3A_363 = tpu.memref_slice %arg12[%dma_start3A_353, %dma_start3A_354, %dma_start3A_362] : memref<4x6x128xi32, #tpu.memory_space<vmem>> -> memref<1x1x128xi32, #tpu.memory_space<vmem>>
    %dma_start3A_364 = tpu.memref_squeeze %dma_start3A_363 : memref<1x1x128xi32, #tpu.memory_space<vmem>> -> memref<128xi32, #tpu.memory_space<vmem>>
    %dma_start3A_365 = arith.constant 0 : i32
    %dma_start3A_366 = arith.constant 0 : i32
    %dma_start3A_367 = tpu.memref_slice %arg5[%dma_start3A_365, %dma_start3A_366] : memref<250000x16xf32, #tpu.memory_space<hbm>> -> memref<250000x16xf32, #tpu.memory_space<hbm>>
    %dma_start3A_368 = tpu.memref_slice %arg19[%dma_start3A_357] : memref<3x!tpu.dma_semaphore, #tpu.memory_space<semaphore_mem>> -> memref<1x!tpu.dma_semaphore, #tpu.memory_space<semaphore_mem>>
    %dma_start3A_369 = tpu.memref_squeeze %dma_start3A_368 : memref<1x!tpu.dma_semaphore, #tpu.memory_space<semaphore_mem>> -> memref<!tpu.dma_semaphore, #tpu.memory_space<semaphore_mem>>
    tpu.enqueue_indirect_dma source(%dma_start3A_367 : memref<250000x16xf32, #tpu.memory_space<hbm>>) target(%dma_start3A_361 : memref<128x16xf32, #tpu.memory_space<vmem>>) offsets(%dma_start3A_364 : memref<128xi32, #tpu.memory_space<vmem>>) semaphore(%dma_start3A_369 : memref<!tpu.dma_semaphore, #tpu.memory_space<semaphore_mem>>)
    %dma_start3A_370 = arith.constant 2 : i32
    %dma_start3A_371 = arith.constant 0 : i32
    %dma_start3A_372 = arith.constant 2 : i32
    %dma_start3A_373 = arith.constant 0 : i32
    %dma_start3A_374 = arith.constant 2 : i32
    %dma_start3A_375 = arith.constant 0 : i32
    %dma_start3A_376 = arith.constant 0 : i32
    %dma_start3A_377 = tpu.memref_slice %arg13[%dma_start3A_372, %dma_start3A_373, %dma_start3A_375, %dma_start3A_376] : memref<3x6x128x16xf32, #tpu.memory_space<vmem>> -> memref<1x1x128x16xf32, #tpu.memory_space<vmem>>
    %dma_start3A_378 = tpu.memref_squeeze %dma_start3A_377 : memref<1x1x128x16xf32, #tpu.memory_space<vmem>> -> memref<128x16xf32, #tpu.memory_space<vmem>>
    %dma_start3A_379 = arith.constant 0 : i32
    %dma_start3A_380 = tpu.memref_slice %arg12[%dma_start3A_370, %dma_start3A_371, %dma_start3A_379] : memref<4x6x128xi32, #tpu.memory_space<vmem>> -> memref<1x1x128xi32, #tpu.memory_space<vmem>>
    %dma_start3A_381 = tpu.memref_squeeze %dma_start3A_380 : memref<1x1x128xi32, #tpu.memory_space<vmem>> -> memref<128xi32, #tpu.memory_space<vmem>>
    %dma_start3A_382 = arith.constant 0 : i32
    %dma_start3A_383 = arith.constant 0 : i32
    %dma_start3A_384 = tpu.memref_slice %arg4[%dma_start3A_382, %dma_start3A_383] : memref<125000x16xf32, #tpu.memory_space<hbm>> -> memref<125000x16xf32, #tpu.memory_space<hbm>>
    %dma_start3A_385 = tpu.memref_slice %arg19[%dma_start3A_374] : memref<3x!tpu.dma_semaphore, #tpu.memory_space<semaphore_mem>> -> memref<1x!tpu.dma_semaphore, #tpu.memory_space<semaphore_mem>>
    %dma_start3A_386 = tpu.memref_squeeze %dma_start3A_385 : memref<1x!tpu.dma_semaphore, #tpu.memory_space<semaphore_mem>> -> memref<!tpu.dma_semaphore, #tpu.memory_space<semaphore_mem>>
    tpu.enqueue_indirect_dma source(%dma_start3A_384 : memref<125000x16xf32, #tpu.memory_space<hbm>>) target(%dma_start3A_378 : memref<128x16xf32, #tpu.memory_space<vmem>>) offsets(%dma_start3A_381 : memref<128xi32, #tpu.memory_space<vmem>>) semaphore(%dma_start3A_386 : memref<!tpu.dma_semaphore, #tpu.memory_space<semaphore_mem>>)
    %dma_start3A_387 = arith.constant 2 : i32
    %dma_start3A_388 = arith.constant 1 : i32
    %dma_start3A_389 = arith.constant 2 : i32
    %dma_start3A_390 = arith.constant 1 : i32
    %dma_start3A_391 = arith.constant 2 : i32
    %dma_start3A_392 = arith.constant 0 : i32
    %dma_start3A_393 = arith.constant 0 : i32
    %dma_start3A_394 = tpu.memref_slice %arg13[%dma_start3A_389, %dma_start3A_390, %dma_start3A_392, %dma_start3A_393] : memref<3x6x128x16xf32, #tpu.memory_space<vmem>> -> memref<1x1x128x16xf32, #tpu.memory_space<vmem>>
    %dma_start3A_395 = tpu.memref_squeeze %dma_start3A_394 : memref<1x1x128x16xf32, #tpu.memory_space<vmem>> -> memref<128x16xf32, #tpu.memory_space<vmem>>
    %dma_start3A_396 = arith.constant 0 : i32
    %dma_start3A_397 = tpu.memref_slice %arg12[%dma_start3A_387, %dma_start3A_388, %dma_start3A_396] : memref<4x6x128xi32, #tpu.memory_space<vmem>> -> memref<1x1x128xi32, #tpu.memory_space<vmem>>
    %dma_start3A_398 = tpu.memref_squeeze %dma_start3A_397 : memref<1x1x128xi32, #tpu.memory_space<vmem>> -> memref<128xi32, #tpu.memory_space<vmem>>
    %dma_start3A_399 = arith.constant 0 : i32
    %dma_start3A_400 = arith.constant 0 : i32
    %dma_start3A_401 = tpu.memref_slice %arg4[%dma_start3A_399, %dma_start3A_400] : memref<125000x16xf32, #tpu.memory_space<hbm>> -> memref<125000x16xf32, #tpu.memory_space<hbm>>
    %dma_start3A_402 = tpu.memref_slice %arg19[%dma_start3A_391] : memref<3x!tpu.dma_semaphore, #tpu.memory_space<semaphore_mem>> -> memref<1x!tpu.dma_semaphore, #tpu.memory_space<semaphore_mem>>
    %dma_start3A_403 = tpu.memref_squeeze %dma_start3A_402 : memref<1x!tpu.dma_semaphore, #tpu.memory_space<semaphore_mem>> -> memref<!tpu.dma_semaphore, #tpu.memory_space<semaphore_mem>>
    tpu.enqueue_indirect_dma source(%dma_start3A_401 : memref<125000x16xf32, #tpu.memory_space<hbm>>) target(%dma_start3A_395 : memref<128x16xf32, #tpu.memory_space<vmem>>) offsets(%dma_start3A_398 : memref<128xi32, #tpu.memory_space<vmem>>) semaphore(%dma_start3A_403 : memref<!tpu.dma_semaphore, #tpu.memory_space<semaphore_mem>>)
    %dma_start3A_404 = arith.constant 2 : i32
    %dma_start3A_405 = arith.constant 2 : i32
    %dma_start3A_406 = arith.constant 2 : i32
    %dma_start3A_407 = arith.constant 2 : i32
    %dma_start3A_408 = arith.constant 2 : i32
    %dma_start3A_409 = arith.constant 0 : i32
    %dma_start3A_410 = arith.constant 0 : i32
    %dma_start3A_411 = tpu.memref_slice %arg13[%dma_start3A_406, %dma_start3A_407, %dma_start3A_409, %dma_start3A_410] : memref<3x6x128x16xf32, #tpu.memory_space<vmem>> -> memref<1x1x128x16xf32, #tpu.memory_space<vmem>>
    %dma_start3A_412 = tpu.memref_squeeze %dma_start3A_411 : memref<1x1x128x16xf32, #tpu.memory_space<vmem>> -> memref<128x16xf32, #tpu.memory_space<vmem>>
    %dma_start3A_413 = arith.constant 0 : i32
    %dma_start3A_414 = tpu.memref_slice %arg12[%dma_start3A_404, %dma_start3A_405, %dma_start3A_413] : memref<4x6x128xi32, #tpu.memory_space<vmem>> -> memref<1x1x128xi32, #tpu.memory_space<vmem>>
    %dma_start3A_415 = tpu.memref_squeeze %dma_start3A_414 : memref<1x1x128xi32, #tpu.memory_space<vmem>> -> memref<128xi32, #tpu.memory_space<vmem>>
    %dma_start3A_416 = arith.constant 0 : i32
    %dma_start3A_417 = arith.constant 0 : i32
    %dma_start3A_418 = tpu.memref_slice %arg5[%dma_start3A_416, %dma_start3A_417] : memref<250000x16xf32, #tpu.memory_space<hbm>> -> memref<250000x16xf32, #tpu.memory_space<hbm>>
    %dma_start3A_419 = tpu.memref_slice %arg19[%dma_start3A_408] : memref<3x!tpu.dma_semaphore, #tpu.memory_space<semaphore_mem>> -> memref<1x!tpu.dma_semaphore, #tpu.memory_space<semaphore_mem>>
    %dma_start3A_420 = tpu.memref_squeeze %dma_start3A_419 : memref<1x!tpu.dma_semaphore, #tpu.memory_space<semaphore_mem>> -> memref<!tpu.dma_semaphore, #tpu.memory_space<semaphore_mem>>
    tpu.enqueue_indirect_dma source(%dma_start3A_418 : memref<250000x16xf32, #tpu.memory_space<hbm>>) target(%dma_start3A_412 : memref<128x16xf32, #tpu.memory_space<vmem>>) offsets(%dma_start3A_415 : memref<128xi32, #tpu.memory_space<vmem>>) semaphore(%dma_start3A_420 : memref<!tpu.dma_semaphore, #tpu.memory_space<semaphore_mem>>)
    %dma_start3A_421 = arith.constant 2 : i32
    %dma_start3A_422 = arith.constant 3 : i32
    %dma_start3A_423 = arith.constant 2 : i32
    %dma_start3A_424 = arith.constant 3 : i32
    %dma_start3A_425 = arith.constant 2 : i32
    %dma_start3A_426 = arith.constant 0 : i32
    %dma_start3A_427 = arith.constant 0 : i32
    %dma_start3A_428 = tpu.memref_slice %arg13[%dma_start3A_423, %dma_start3A_424, %dma_start3A_426, %dma_start3A_427] : memref<3x6x128x16xf32, #tpu.memory_space<vmem>> -> memref<1x1x128x16xf32, #tpu.memory_space<vmem>>
    %dma_start3A_429 = tpu.memref_squeeze %dma_start3A_428 : memref<1x1x128x16xf32, #tpu.memory_space<vmem>> -> memref<128x16xf32, #tpu.memory_space<vmem>>
    %dma_start3A_430 = arith.constant 0 : i32
    %dma_start3A_431 = tpu.memref_slice %arg12[%dma_start3A_421, %dma_start3A_422, %dma_start3A_430] : memref<4x6x128xi32, #tpu.memory_space<vmem>> -> memref<1x1x128xi32, #tpu.memory_space<vmem>>
    %dma_start3A_432 = tpu.memref_squeeze %dma_start3A_431 : memref<1x1x128xi32, #tpu.memory_space<vmem>> -> memref<128xi32, #tpu.memory_space<vmem>>
    %dma_start3A_433 = arith.constant 0 : i32
    %dma_start3A_434 = arith.constant 0 : i32
    %dma_start3A_435 = tpu.memref_slice %arg5[%dma_start3A_433, %dma_start3A_434] : memref<250000x16xf32, #tpu.memory_space<hbm>> -> memref<250000x16xf32, #tpu.memory_space<hbm>>
    %dma_start3A_436 = tpu.memref_slice %arg19[%dma_start3A_425] : memref<3x!tpu.dma_semaphore, #tpu.memory_space<semaphore_mem>> -> memref<1x!tpu.dma_semaphore, #tpu.memory_space<semaphore_mem>>
    %dma_start3A_437 = tpu.memref_squeeze %dma_start3A_436 : memref<1x!tpu.dma_semaphore, #tpu.memory_space<semaphore_mem>> -> memref<!tpu.dma_semaphore, #tpu.memory_space<semaphore_mem>>
    tpu.enqueue_indirect_dma source(%dma_start3A_435 : memref<250000x16xf32, #tpu.memory_space<hbm>>) target(%dma_start3A_429 : memref<128x16xf32, #tpu.memory_space<vmem>>) offsets(%dma_start3A_432 : memref<128xi32, #tpu.memory_space<vmem>>) semaphore(%dma_start3A_437 : memref<!tpu.dma_semaphore, #tpu.memory_space<semaphore_mem>>)
    %dma_start3A_438 = arith.constant 2 : i32
    %dma_start3A_439 = arith.constant 4 : i32
    %dma_start3A_440 = arith.constant 2 : i32
    %dma_start3A_441 = arith.constant 4 : i32
    %dma_start3A_442 = arith.constant 2 : i32
    %dma_start3A_443 = arith.constant 0 : i32
    %dma_start3A_444 = arith.constant 0 : i32
    %dma_start3A_445 = tpu.memref_slice %arg13[%dma_start3A_440, %dma_start3A_441, %dma_start3A_443, %dma_start3A_444] : memref<3x6x128x16xf32, #tpu.memory_space<vmem>> -> memref<1x1x128x16xf32, #tpu.memory_space<vmem>>
    %dma_start3A_446 = tpu.memref_squeeze %dma_start3A_445 : memref<1x1x128x16xf32, #tpu.memory_space<vmem>> -> memref<128x16xf32, #tpu.memory_space<vmem>>
    %dma_start3A_447 = arith.constant 0 : i32
    %dma_start3A_448 = tpu.memref_slice %arg12[%dma_start3A_438, %dma_start3A_439, %dma_start3A_447] : memref<4x6x128xi32, #tpu.memory_space<vmem>> -> memref<1x1x128xi32, #tpu.memory_space<vmem>>
    %dma_start3A_449 = tpu.memref_squeeze %dma_start3A_448 : memref<1x1x128xi32, #tpu.memory_space<vmem>> -> memref<128xi32, #tpu.memory_space<vmem>>
    %dma_start3A_450 = arith.constant 0 : i32
    %dma_start3A_451 = arith.constant 0 : i32
    %dma_start3A_452 = tpu.memref_slice %arg5[%dma_start3A_450, %dma_start3A_451] : memref<250000x16xf32, #tpu.memory_space<hbm>> -> memref<250000x16xf32, #tpu.memory_space<hbm>>
    %dma_start3A_453 = tpu.memref_slice %arg19[%dma_start3A_442] : memref<3x!tpu.dma_semaphore, #tpu.memory_space<semaphore_mem>> -> memref<1x!tpu.dma_semaphore, #tpu.memory_space<semaphore_mem>>
    %dma_start3A_454 = tpu.memref_squeeze %dma_start3A_453 : memref<1x!tpu.dma_semaphore, #tpu.memory_space<semaphore_mem>> -> memref<!tpu.dma_semaphore, #tpu.memory_space<semaphore_mem>>
    tpu.enqueue_indirect_dma source(%dma_start3A_452 : memref<250000x16xf32, #tpu.memory_space<hbm>>) target(%dma_start3A_446 : memref<128x16xf32, #tpu.memory_space<vmem>>) offsets(%dma_start3A_449 : memref<128xi32, #tpu.memory_space<vmem>>) semaphore(%dma_start3A_454 : memref<!tpu.dma_semaphore, #tpu.memory_space<semaphore_mem>>)
    %dma_start3A_455 = arith.constant 2 : i32
    %dma_start3A_456 = arith.constant 5 : i32
    %dma_start3A_457 = arith.constant 2 : i32
    %dma_start3A_458 = arith.constant 5 : i32
    %dma_start3A_459 = arith.constant 2 : i32
    %dma_start3A_460 = arith.constant 0 : i32
    %dma_start3A_461 = arith.constant 0 : i32
    %dma_start3A_462 = tpu.memref_slice %arg13[%dma_start3A_457, %dma_start3A_458, %dma_start3A_460, %dma_start3A_461] : memref<3x6x128x16xf32, #tpu.memory_space<vmem>> -> memref<1x1x128x16xf32, #tpu.memory_space<vmem>>
    %dma_start3A_463 = tpu.memref_squeeze %dma_start3A_462 : memref<1x1x128x16xf32, #tpu.memory_space<vmem>> -> memref<128x16xf32, #tpu.memory_space<vmem>>
    %dma_start3A_464 = arith.constant 0 : i32
    %dma_start3A_465 = tpu.memref_slice %arg12[%dma_start3A_455, %dma_start3A_456, %dma_start3A_464] : memref<4x6x128xi32, #tpu.memory_space<vmem>> -> memref<1x1x128xi32, #tpu.memory_space<vmem>>
    %dma_start3A_466 = tpu.memref_squeeze %dma_start3A_465 : memref<1x1x128xi32, #tpu.memory_space<vmem>> -> memref<128xi32, #tpu.memory_space<vmem>>
    %dma_start3A_467 = arith.constant 0 : i32
    %dma_start3A_468 = arith.constant 0 : i32
    %dma_start3A_469 = tpu.memref_slice %arg5[%dma_start3A_467, %dma_start3A_468] : memref<250000x16xf32, #tpu.memory_space<hbm>> -> memref<250000x16xf32, #tpu.memory_space<hbm>>
    %dma_start3A_470 = tpu.memref_slice %arg19[%dma_start3A_459] : memref<3x!tpu.dma_semaphore, #tpu.memory_space<semaphore_mem>> -> memref<1x!tpu.dma_semaphore, #tpu.memory_space<semaphore_mem>>
    %dma_start3A_471 = tpu.memref_squeeze %dma_start3A_470 : memref<1x!tpu.dma_semaphore, #tpu.memory_space<semaphore_mem>> -> memref<!tpu.dma_semaphore, #tpu.memory_space<semaphore_mem>>
    tpu.enqueue_indirect_dma source(%dma_start3A_469 : memref<250000x16xf32, #tpu.memory_space<hbm>>) target(%dma_start3A_463 : memref<128x16xf32, #tpu.memory_space<vmem>>) offsets(%dma_start3A_466 : memref<128xi32, #tpu.memory_space<vmem>>) semaphore(%dma_start3A_471 : memref<!tpu.dma_semaphore, #tpu.memory_space<semaphore_mem>>)
    %broadcast_in_dim3A = arith.constant 0.000000e+00 : f32
    %broadcast_in_dim3A_472 = vector.broadcast %broadcast_in_dim3A : f32 to vector<16xf32>
    %dma_wait3A_473 = arith.constant 0 : i32
    %dma_wait3A_474 = arith.constant 0 : i32
    %dma_wait3A_475 = arith.constant 0 : i32
    %dma_wait3A_476 = arith.constant 0 : i32
    %dma_wait3A_477 = arith.constant 0 : i32
    %dma_wait3A_478 = arith.constant 0 : i32
    %dma_wait3A_479 = arith.constant 0 : i32
    %dma_wait3A_480 = tpu.memref_slice %arg13[%dma_wait3A_475, %dma_wait3A_476, %dma_wait3A_478, %dma_wait3A_479] : memref<3x6x128x16xf32, #tpu.memory_space<vmem>> -> memref<1x1x128x16xf32, #tpu.memory_space<vmem>>
    %dma_wait3A_481 = tpu.memref_squeeze %dma_wait3A_480 : memref<1x1x128x16xf32, #tpu.memory_space<vmem>> -> memref<128x16xf32, #tpu.memory_space<vmem>>
    %dma_wait3A_482 = arith.constant 0 : i32
    %dma_wait3A_483 = tpu.memref_slice %arg12[%dma_wait3A_473, %dma_wait3A_474, %dma_wait3A_482] : memref<4x6x128xi32, #tpu.memory_space<vmem>> -> memref<1x1x128xi32, #tpu.memory_space<vmem>>
    %dma_wait3A_484 = tpu.memref_squeeze %dma_wait3A_483 : memref<1x1x128xi32, #tpu.memory_space<vmem>> -> memref<128xi32, #tpu.memory_space<vmem>>
    %dma_wait3A_485 = arith.constant 0 : i32
    %dma_wait3A_486 = arith.constant 0 : i32
    %dma_wait3A_487 = tpu.memref_slice %arg4[%dma_wait3A_485, %dma_wait3A_486] : memref<125000x16xf32, #tpu.memory_space<hbm>> -> memref<125000x16xf32, #tpu.memory_space<hbm>>
    %dma_wait3A_488 = tpu.memref_slice %arg19[%dma_wait3A_477] : memref<3x!tpu.dma_semaphore, #tpu.memory_space<semaphore_mem>> -> memref<1x!tpu.dma_semaphore, #tpu.memory_space<semaphore_mem>>
    %dma_wait3A_489 = tpu.memref_squeeze %dma_wait3A_488 : memref<1x!tpu.dma_semaphore, #tpu.memory_space<semaphore_mem>> -> memref<!tpu.dma_semaphore, #tpu.memory_space<semaphore_mem>>
    tpu.wait_indirect_dma semaphore(%dma_wait3A_489 : memref<!tpu.dma_semaphore, #tpu.memory_space<semaphore_mem>>) src(%dma_wait3A_487 : memref<125000x16xf32, #tpu.memory_space<hbm>>) dst(%dma_wait3A_481 : memref<128x16xf32, #tpu.memory_space<vmem>>)
    %dma_wait3A_490 = arith.constant 0 : i32
    %dma_wait3A_491 = arith.constant 1 : i32
    %dma_wait3A_492 = arith.constant 0 : i32
    %dma_wait3A_493 = arith.constant 1 : i32
    %dma_wait3A_494 = arith.constant 0 : i32
    %dma_wait3A_495 = arith.constant 0 : i32
    %dma_wait3A_496 = arith.constant 0 : i32
    %dma_wait3A_497 = tpu.memref_slice %arg13[%dma_wait3A_492, %dma_wait3A_493, %dma_wait3A_495, %dma_wait3A_496] : memref<3x6x128x16xf32, #tpu.memory_space<vmem>> -> memref<1x1x128x16xf32, #tpu.memory_space<vmem>>
    %dma_wait3A_498 = tpu.memref_squeeze %dma_wait3A_497 : memref<1x1x128x16xf32, #tpu.memory_space<vmem>> -> memref<128x16xf32, #tpu.memory_space<vmem>>
    %dma_wait3A_499 = arith.constant 0 : i32
    %dma_wait3A_500 = tpu.memref_slice %arg12[%dma_wait3A_490, %dma_wait3A_491, %dma_wait3A_499] : memref<4x6x128xi32, #tpu.memory_space<vmem>> -> memref<1x1x128xi32, #tpu.memory_space<vmem>>
    %dma_wait3A_501 = tpu.memref_squeeze %dma_wait3A_500 : memref<1x1x128xi32, #tpu.memory_space<vmem>> -> memref<128xi32, #tpu.memory_space<vmem>>
    %dma_wait3A_502 = arith.constant 0 : i32
    %dma_wait3A_503 = arith.constant 0 : i32
    %dma_wait3A_504 = tpu.memref_slice %arg4[%dma_wait3A_502, %dma_wait3A_503] : memref<125000x16xf32, #tpu.memory_space<hbm>> -> memref<125000x16xf32, #tpu.memory_space<hbm>>
    %dma_wait3A_505 = tpu.memref_slice %arg19[%dma_wait3A_494] : memref<3x!tpu.dma_semaphore, #tpu.memory_space<semaphore_mem>> -> memref<1x!tpu.dma_semaphore, #tpu.memory_space<semaphore_mem>>
    %dma_wait3A_506 = tpu.memref_squeeze %dma_wait3A_505 : memref<1x!tpu.dma_semaphore, #tpu.memory_space<semaphore_mem>> -> memref<!tpu.dma_semaphore, #tpu.memory_space<semaphore_mem>>
    tpu.wait_indirect_dma semaphore(%dma_wait3A_506 : memref<!tpu.dma_semaphore, #tpu.memory_space<semaphore_mem>>) src(%dma_wait3A_504 : memref<125000x16xf32, #tpu.memory_space<hbm>>) dst(%dma_wait3A_498 : memref<128x16xf32, #tpu.memory_space<vmem>>)
    %dma_wait3A_507 = arith.constant 0 : i32
    %dma_wait3A_508 = arith.constant 2 : i32
    %dma_wait3A_509 = arith.constant 0 : i32
    %dma_wait3A_510 = arith.constant 2 : i32
    %dma_wait3A_511 = arith.constant 0 : i32
    %dma_wait3A_512 = arith.constant 0 : i32
    %dma_wait3A_513 = arith.constant 0 : i32
    %dma_wait3A_514 = tpu.memref_slice %arg13[%dma_wait3A_509, %dma_wait3A_510, %dma_wait3A_512, %dma_wait3A_513] : memref<3x6x128x16xf32, #tpu.memory_space<vmem>> -> memref<1x1x128x16xf32, #tpu.memory_space<vmem>>
    %dma_wait3A_515 = tpu.memref_squeeze %dma_wait3A_514 : memref<1x1x128x16xf32, #tpu.memory_space<vmem>> -> memref<128x16xf32, #tpu.memory_space<vmem>>
    %dma_wait3A_516 = arith.constant 0 : i32
    %dma_wait3A_517 = tpu.memref_slice %arg12[%dma_wait3A_507, %dma_wait3A_508, %dma_wait3A_516] : memref<4x6x128xi32, #tpu.memory_space<vmem>> -> memref<1x1x128xi32, #tpu.memory_space<vmem>>
    %dma_wait3A_518 = tpu.memref_squeeze %dma_wait3A_517 : memref<1x1x128xi32, #tpu.memory_space<vmem>> -> memref<128xi32, #tpu.memory_space<vmem>>
    %dma_wait3A_519 = arith.constant 0 : i32
    %dma_wait3A_520 = arith.constant 0 : i32
    %dma_wait3A_521 = tpu.memref_slice %arg5[%dma_wait3A_519, %dma_wait3A_520] : memref<250000x16xf32, #tpu.memory_space<hbm>> -> memref<250000x16xf32, #tpu.memory_space<hbm>>
    %dma_wait3A_522 = tpu.memref_slice %arg19[%dma_wait3A_511] : memref<3x!tpu.dma_semaphore, #tpu.memory_space<semaphore_mem>> -> memref<1x!tpu.dma_semaphore, #tpu.memory_space<semaphore_mem>>
    %dma_wait3A_523 = tpu.memref_squeeze %dma_wait3A_522 : memref<1x!tpu.dma_semaphore, #tpu.memory_space<semaphore_mem>> -> memref<!tpu.dma_semaphore, #tpu.memory_space<semaphore_mem>>
    tpu.wait_indirect_dma semaphore(%dma_wait3A_523 : memref<!tpu.dma_semaphore, #tpu.memory_space<semaphore_mem>>) src(%dma_wait3A_521 : memref<250000x16xf32, #tpu.memory_space<hbm>>) dst(%dma_wait3A_515 : memref<128x16xf32, #tpu.memory_space<vmem>>)
    %dma_wait3A_524 = arith.constant 0 : i32
    %dma_wait3A_525 = arith.constant 3 : i32
    %dma_wait3A_526 = arith.constant 0 : i32
    %dma_wait3A_527 = arith.constant 3 : i32
    %dma_wait3A_528 = arith.constant 0 : i32
    %dma_wait3A_529 = arith.constant 0 : i32
    %dma_wait3A_530 = arith.constant 0 : i32
    %dma_wait3A_531 = tpu.memref_slice %arg13[%dma_wait3A_526, %dma_wait3A_527, %dma_wait3A_529, %dma_wait3A_530] : memref<3x6x128x16xf32, #tpu.memory_space<vmem>> -> memref<1x1x128x16xf32, #tpu.memory_space<vmem>>
    %dma_wait3A_532 = tpu.memref_squeeze %dma_wait3A_531 : memref<1x1x128x16xf32, #tpu.memory_space<vmem>> -> memref<128x16xf32, #tpu.memory_space<vmem>>
    %dma_wait3A_533 = arith.constant 0 : i32
    %dma_wait3A_534 = tpu.memref_slice %arg12[%dma_wait3A_524, %dma_wait3A_525, %dma_wait3A_533] : memref<4x6x128xi32, #tpu.memory_space<vmem>> -> memref<1x1x128xi32, #tpu.memory_space<vmem>>
    %dma_wait3A_535 = tpu.memref_squeeze %dma_wait3A_534 : memref<1x1x128xi32, #tpu.memory_space<vmem>> -> memref<128xi32, #tpu.memory_space<vmem>>
    %dma_wait3A_536 = arith.constant 0 : i32
    %dma_wait3A_537 = arith.constant 0 : i32
    %dma_wait3A_538 = tpu.memref_slice %arg5[%dma_wait3A_536, %dma_wait3A_537] : memref<250000x16xf32, #tpu.memory_space<hbm>> -> memref<250000x16xf32, #tpu.memory_space<hbm>>
    %dma_wait3A_539 = tpu.memref_slice %arg19[%dma_wait3A_528] : memref<3x!tpu.dma_semaphore, #tpu.memory_space<semaphore_mem>> -> memref<1x!tpu.dma_semaphore, #tpu.memory_space<semaphore_mem>>
    %dma_wait3A_540 = tpu.memref_squeeze %dma_wait3A_539 : memref<1x!tpu.dma_semaphore, #tpu.memory_space<semaphore_mem>> -> memref<!tpu.dma_semaphore, #tpu.memory_space<semaphore_mem>>
    tpu.wait_indirect_dma semaphore(%dma_wait3A_540 : memref<!tpu.dma_semaphore, #tpu.memory_space<semaphore_mem>>) src(%dma_wait3A_538 : memref<250000x16xf32, #tpu.memory_space<hbm>>) dst(%dma_wait3A_532 : memref<128x16xf32, #tpu.memory_space<vmem>>)
    %dma_wait3A_541 = arith.constant 0 : i32
    %dma_wait3A_542 = arith.constant 4 : i32
    %dma_wait3A_543 = arith.constant 0 : i32
    %dma_wait3A_544 = arith.constant 4 : i32
    %dma_wait3A_545 = arith.constant 0 : i32
    %dma_wait3A_546 = arith.constant 0 : i32
    %dma_wait3A_547 = arith.constant 0 : i32
    %dma_wait3A_548 = tpu.memref_slice %arg13[%dma_wait3A_543, %dma_wait3A_544, %dma_wait3A_546, %dma_wait3A_547] : memref<3x6x128x16xf32, #tpu.memory_space<vmem>> -> memref<1x1x128x16xf32, #tpu.memory_space<vmem>>
    %dma_wait3A_549 = tpu.memref_squeeze %dma_wait3A_548 : memref<1x1x128x16xf32, #tpu.memory_space<vmem>> -> memref<128x16xf32, #tpu.memory_space<vmem>>
    %dma_wait3A_550 = arith.constant 0 : i32
    %dma_wait3A_551 = tpu.memref_slice %arg12[%dma_wait3A_541, %dma_wait3A_542, %dma_wait3A_550] : memref<4x6x128xi32, #tpu.memory_space<vmem>> -> memref<1x1x128xi32, #tpu.memory_space<vmem>>
    %dma_wait3A_552 = tpu.memref_squeeze %dma_wait3A_551 : memref<1x1x128xi32, #tpu.memory_space<vmem>> -> memref<128xi32, #tpu.memory_space<vmem>>
    %dma_wait3A_553 = arith.constant 0 : i32
    %dma_wait3A_554 = arith.constant 0 : i32
    %dma_wait3A_555 = tpu.memref_slice %arg5[%dma_wait3A_553, %dma_wait3A_554] : memref<250000x16xf32, #tpu.memory_space<hbm>> -> memref<250000x16xf32, #tpu.memory_space<hbm>>
    %dma_wait3A_556 = tpu.memref_slice %arg19[%dma_wait3A_545] : memref<3x!tpu.dma_semaphore, #tpu.memory_space<semaphore_mem>> -> memref<1x!tpu.dma_semaphore, #tpu.memory_space<semaphore_mem>>
    %dma_wait3A_557 = tpu.memref_squeeze %dma_wait3A_556 : memref<1x!tpu.dma_semaphore, #tpu.memory_space<semaphore_mem>> -> memref<!tpu.dma_semaphore, #tpu.memory_space<semaphore_mem>>
    tpu.wait_indirect_dma semaphore(%dma_wait3A_557 : memref<!tpu.dma_semaphore, #tpu.memory_space<semaphore_mem>>) src(%dma_wait3A_555 : memref<250000x16xf32, #tpu.memory_space<hbm>>) dst(%dma_wait3A_549 : memref<128x16xf32, #tpu.memory_space<vmem>>)
    %dma_wait3A_558 = arith.constant 0 : i32
    %dma_wait3A_559 = arith.constant 5 : i32
    %dma_wait3A_560 = arith.constant 0 : i32
    %dma_wait3A_561 = arith.constant 5 : i32
    %dma_wait3A_562 = arith.constant 0 : i32
    %dma_wait3A_563 = arith.constant 0 : i32
    %dma_wait3A_564 = arith.constant 0 : i32
    %dma_wait3A_565 = tpu.memref_slice %arg13[%dma_wait3A_560, %dma_wait3A_561, %dma_wait3A_563, %dma_wait3A_564] : memref<3x6x128x16xf32, #tpu.memory_space<vmem>> -> memref<1x1x128x16xf32, #tpu.memory_space<vmem>>
    %dma_wait3A_566 = tpu.memref_squeeze %dma_wait3A_565 : memref<1x1x128x16xf32, #tpu.memory_space<vmem>> -> memref<128x16xf32, #tpu.memory_space<vmem>>
    %dma_wait3A_567 = arith.constant 0 : i32
    %dma_wait3A_568 = tpu.memref_slice %arg12[%dma_wait3A_558, %dma_wait3A_559, %dma_wait3A_567] : memref<4x6x128xi32, #tpu.memory_space<vmem>> -> memref<1x1x128xi32, #tpu.memory_space<vmem>>
    %dma_wait3A_569 = tpu.memref_squeeze %dma_wait3A_568 : memref<1x1x128xi32, #tpu.memory_space<vmem>> -> memref<128xi32, #tpu.memory_space<vmem>>
    %dma_wait3A_570 = arith.constant 0 : i32
    %dma_wait3A_571 = arith.constant 0 : i32
    %dma_wait3A_572 = tpu.memref_slice %arg5[%dma_wait3A_570, %dma_wait3A_571] : memref<250000x16xf32, #tpu.memory_space<hbm>> -> memref<250000x16xf32, #tpu.memory_space<hbm>>
    %dma_wait3A_573 = tpu.memref_slice %arg19[%dma_wait3A_562] : memref<3x!tpu.dma_semaphore, #tpu.memory_space<semaphore_mem>> -> memref<1x!tpu.dma_semaphore, #tpu.memory_space<semaphore_mem>>
    %dma_wait3A_574 = tpu.memref_squeeze %dma_wait3A_573 : memref<1x!tpu.dma_semaphore, #tpu.memory_space<semaphore_mem>> -> memref<!tpu.dma_semaphore, #tpu.memory_space<semaphore_mem>>
    tpu.wait_indirect_dma semaphore(%dma_wait3A_574 : memref<!tpu.dma_semaphore, #tpu.memory_space<semaphore_mem>>) src(%dma_wait3A_572 : memref<250000x16xf32, #tpu.memory_space<hbm>>) dst(%dma_wait3A_566 : memref<128x16xf32, #tpu.memory_space<vmem>>)
    %scan3A_575 = arith.constant 0 : i32
    %scan3A_576 = arith.constant 0 : i32
    %scan3A_577 = arith.constant 16 : i32
    %scan3A_578 = arith.addi %scan3A_576, %scan3A_577 : i32
    %scan3A_579 = arith.constant 1 : i32
    scf.for %scan3A_1090 = %scan3A_576 to %scan3A_578 step %scan3A_579  : i32 {
      %mul3A_1091 = arith.constant 16 : i32
      %mul3A_1092 = arith.muli %scan3A_1090, %mul3A_1091 : i32
      %add3A_1093 = vector.broadcast %mul3A_1092 : i32 to vector<16xi32>
      %add3A_1094 = arith.addi %add3A_1093, %iota3A : vector<16xi32>
      %and3A = arith.constant 127 : i32
      %and3A_1095 = vector.broadcast %and3A : i32 to vector<16xi32>
      %and3A_1096 = arith.andi %add3A_1094, %and3A_1095 : vector<16xi32>
      %shift_right_logical3A = arith.constant 7 : i32
      %shift_right_logical3A_1097 = vector.broadcast %shift_right_logical3A : i32 to vector<16xi32>
      %shift_right_logical3A_1098 = arith.shrui %add3A_1094, %shift_right_logical3A_1097 : vector<16xi32>
      %broadcast_in_dim3A_1099 = arith.constant 0 : i32
      %broadcast_in_dim3A_1100 = vector.broadcast %broadcast_in_dim3A_1099 : i32 to vector<16xi32>
      %broadcast_in_dim3A_1101 = arith.constant 0 : i32
      %broadcast_in_dim3A_1102 = vector.broadcast %broadcast_in_dim3A_1101 : i32 to vector<16xi32>
      %gather3A = tpu.vector_load_idx %arg10[%broadcast_in_dim3A_1100, %and3A_1096] : memref<4x128xi32, #tpu.memory_space<vmem>>[vector<16xi32>, vector<16xi32>], vector<16xi32>,
      %and3A_1103 = arith.constant 15 : i32
      %and3A_1104 = vector.broadcast %and3A_1103 : i32 to vector<16xi32>
      %and3A_1105 = arith.andi %gather3A, %and3A_1104 : vector<16xi32>
      %gather3A_1106 = tpu.vector_load_idx %arg13[%broadcast_in_dim3A_1102, %shift_right_logical3A_1098, %and3A_1096, %and3A_1105] : memref<3x6x128x16xf32, #tpu.memory_space<vmem>>[vector<16xi32>, vector<16xi32>, vector<16xi32>, vector<16xi32>], vector<16xf32>,
      %abs3A = math.absf %gather3A_1106 : vector<16xf32>
      %neg3A = arith.constant 0.000000e+00 : f32
      %neg3A_1107 = vector.broadcast %neg3A : f32 to vector<16xf32>
      %neg3A_1108 = arith.subf %neg3A_1107, %abs3A : vector<16xf32>
      %exp3A = math.exp %neg3A_1108 : vector<16xf32>
      %min3A = arith.constant 0.000000e+00 : f32
      %min3A_1109 = vector.broadcast %min3A : f32 to vector<16xf32>
      %min3A_1110 = arith.minimumf %gather3A_1106, %min3A_1109 : vector<16xf32>
      %broadcast_in_dim3A_1111 = arith.constant 0.0102438284 : f32
      %broadcast_in_dim3A_1112 = vector.broadcast %broadcast_in_dim3A_1111 : f32 to vector<16xf32>
      %mul3A_1113 = arith.mulf %broadcast_in_dim3A_1112, %exp3A : vector<16xf32>
      %add3A_1114 = arith.constant -0.0532674789 : f32
      %add3A_1115 = vector.broadcast %add3A_1114 : f32 to vector<16xf32>
      %add3A_1116 = arith.addf %mul3A_1113, %add3A_1115 : vector<16xf32>
      %mul3A_1117 = arith.mulf %add3A_1116, %exp3A : vector<16xf32>
      %add3A_1118 = arith.constant 0.131989658 : f32
      %add3A_1119 = vector.broadcast %add3A_1118 : f32 to vector<16xf32>
      %add3A_1120 = arith.addf %mul3A_1117, %add3A_1119 : vector<16xf32>
      %mul3A_1121 = arith.mulf %add3A_1120, %exp3A : vector<16xf32>
      %add3A_1122 = arith.constant -0.223966897 : f32
      %add3A_1123 = vector.broadcast %add3A_1122 : f32 to vector<16xf32>
      %add3A_1124 = arith.addf %mul3A_1121, %add3A_1123 : vector<16xf32>
      %mul3A_1125 = arith.mulf %add3A_1124, %exp3A : vector<16xf32>
      %add3A_1126 = arith.constant 0.327511728 : f32
      %add3A_1127 = vector.broadcast %add3A_1126 : f32 to vector<16xf32>
      %add3A_1128 = arith.addf %mul3A_1125, %add3A_1127 : vector<16xf32>
      %mul3A_1129 = arith.mulf %add3A_1128, %exp3A : vector<16xf32>
      %add3A_1130 = arith.constant -0.499333948 : f32
      %add3A_1131 = vector.broadcast %add3A_1130 : f32 to vector<16xf32>
      %add3A_1132 = arith.addf %mul3A_1129, %add3A_1131 : vector<16xf32>
      %mul3A_1133 = arith.mulf %add3A_1132, %exp3A : vector<16xf32>
      %add3A_1134 = arith.constant 0.999970257 : f32
      %add3A_1135 = vector.broadcast %add3A_1134 : f32 to vector<16xf32>
      %add3A_1136 = arith.addf %mul3A_1133, %add3A_1135 : vector<16xf32>
      %mul3A_1137 = arith.mulf %add3A_1136, %exp3A : vector<16xf32>
      %add3A_1138 = arith.constant 2.21597645E-7 : f32
      %add3A_1139 = vector.broadcast %add3A_1138 : f32 to vector<16xf32>
      %add3A_1140 = arith.addf %mul3A_1137, %add3A_1139 : vector<16xf32>
      %sub3A = arith.subf %min3A_1110, %add3A_1140 : vector<16xf32>
      %mul3A_1141 = arith.constant 16 : i32
      %mul3A_1142 = arith.muli %scan3A_1090, %mul3A_1141 : i32
      %add3A_1143 = arith.constant 0 : i32
      %add3A_1144 = arith.addi %add3A_1143, %mul3A_1142 : i32
      %multiple_of3A = tpu.assume_multiple %add3A_1144, 16 : i32
      %swap3A_1145 = arith.index_cast %multiple_of3A : i32 to index
      %swap3A_1146 = tpu.vector_load %arg15[%swap3A_1145] {strides = array<i32>} : memref<1024xf32, #tpu.memory_space<vmem>>, vector<16xf32>,
      tpu.vector_store %arg15[%swap3A_1145], %sub3A {strides = array<i32>} : memref<1024xf32, #tpu.memory_space<vmem>>, vector<16xf32>,
    }
    %scan3A_580 = arith.constant 16 : i32
    %scan3A_581 = arith.constant 0 : i32
    %scan3A_582 = arith.constant 32 : i32
    %scan3A_583 = arith.addi %scan3A_581, %scan3A_582 : i32
    %scan3A_584 = arith.constant 1 : i32
    %scan3A_585:2 = scf.for %scan3A_1090 = %scan3A_581 to %scan3A_583 step %scan3A_584 iter_args(%scan3A_1091 = %broadcast_in_dim3A_472, %scan3A_1092 = %broadcast_in_dim3A_472) -> (vector<16xf32>, vector<16xf32>)  : i32 {
      %mul3A_1093 = arith.constant 16 : i32
      %mul3A_1094 = arith.muli %scan3A_1090, %mul3A_1093 : i32
      %add3A_1095 = vector.broadcast %mul3A_1094 : i32 to vector<16xi32>
      %add3A_1096 = arith.addi %add3A_1095, %iota3A : vector<16xi32>
      %and3A = arith.constant 127 : i32
      %and3A_1097 = vector.broadcast %and3A : i32 to vector<16xi32>
      %and3A_1098 = arith.andi %add3A_1096, %and3A_1097 : vector<16xi32>
      %shift_right_logical3A = arith.constant 7 : i32
      %shift_right_logical3A_1099 = vector.broadcast %shift_right_logical3A : i32 to vector<16xi32>
      %shift_right_logical3A_1100 = arith.shrui %add3A_1096, %shift_right_logical3A_1099 : vector<16xi32>
      %xor3A = arith.constant 1 : i32
      %xor3A_1101 = vector.broadcast %xor3A : i32 to vector<16xi32>
      %xor3A_1102 = arith.xori %shift_right_logical3A_1100, %xor3A_1101 : vector<16xi32>
      %broadcast_in_dim3A_1103 = arith.constant 0 : i32
      %broadcast_in_dim3A_1104 = vector.broadcast %broadcast_in_dim3A_1103 : i32 to vector<16xi32>
      %broadcast_in_dim3A_1105 = arith.constant 0 : i32
      %broadcast_in_dim3A_1106 = vector.broadcast %broadcast_in_dim3A_1105 : i32 to vector<16xi32>
      %gather3A = tpu.vector_load_idx %arg10[%broadcast_in_dim3A_1104, %and3A_1098] : memref<4x128xi32, #tpu.memory_space<vmem>>[vector<16xi32>, vector<16xi32>], vector<16xi32>,
      %gather3A_1107 = tpu.vector_load_idx %arg11[%broadcast_in_dim3A_1104, %and3A_1098] : memref<4x128xi32, #tpu.memory_space<vmem>>[vector<16xi32>, vector<16xi32>], vector<16xi32>,
      %and3A_1108 = arith.constant 15 : i32
      %and3A_1109 = vector.broadcast %and3A_1108 : i32 to vector<16xi32>
      %and3A_1110 = arith.andi %gather3A, %and3A_1109 : vector<16xi32>
      %add3A_1111 = arith.constant 2 : i32
      %add3A_1112 = vector.broadcast %add3A_1111 : i32 to vector<16xi32>
      %add3A_1113 = arith.addi %add3A_1112, %shift_right_logical3A_1100 : vector<16xi32>
      %gather3A_1114 = tpu.vector_load_idx %arg13[%broadcast_in_dim3A_1106, %add3A_1113, %and3A_1098, %and3A_1110] : memref<3x6x128x16xf32, #tpu.memory_space<vmem>>[vector<16xi32>, vector<16xi32>, vector<16xi32>, vector<16xi32>], vector<16xf32>,
      %add3A_1115 = arith.constant 2 : i32
      %add3A_1116 = vector.broadcast %add3A_1115 : i32 to vector<16xi32>
      %add3A_1117 = arith.addi %add3A_1116, %xor3A_1102 : vector<16xi32>
      %gather3A_1118 = tpu.vector_load_idx %arg13[%broadcast_in_dim3A_1106, %add3A_1117, %and3A_1098, %and3A_1110] : memref<3x6x128x16xf32, #tpu.memory_space<vmem>>[vector<16xi32>, vector<16xi32>, vector<16xi32>, vector<16xi32>], vector<16xf32>,
      %mul3A_1119 = arith.constant 4 : i32
      %mul3A_1120 = vector.broadcast %mul3A_1119 : i32 to vector<16xi32>
      %mul3A_1121 = arith.muli %gather3A_1107, %mul3A_1120 : vector<16xi32>
      %add3A_1122 = arith.addi %mul3A_1121, %shift_right_logical3A_1100 : vector<16xi32>
      %shift_right_logical3A_1123 = arith.constant 4 : i32
      %shift_right_logical3A_1124 = vector.broadcast %shift_right_logical3A_1123 : i32 to vector<16xi32>
      %shift_right_logical3A_1125 = arith.shrui %add3A_1122, %shift_right_logical3A_1124 : vector<16xi32>
      %and3A_1126 = arith.constant 15 : i32
      %and3A_1127 = vector.broadcast %and3A_1126 : i32 to vector<16xi32>
      %and3A_1128 = arith.andi %add3A_1122, %and3A_1127 : vector<16xi32>
      %gather3A_1129 = tpu.vector_load_idx %arg14[%shift_right_logical3A_1125, %and3A_1128] : memref<250x16xf32, #tpu.memory_space<vmem>>[vector<16xi32>, vector<16xi32>], vector<16xf32>,
      %xor3A_1130 = arith.constant 1 : i32
      %xor3A_1131 = vector.broadcast %xor3A_1130 : i32 to vector<16xi32>
      %xor3A_1132 = arith.xori %add3A_1122, %xor3A_1131 : vector<16xi32>
      %shift_right_logical3A_1133 = arith.constant 4 : i32
      %shift_right_logical3A_1134 = vector.broadcast %shift_right_logical3A_1133 : i32 to vector<16xi32>
      %shift_right_logical3A_1135 = arith.shrui %xor3A_1132, %shift_right_logical3A_1134 : vector<16xi32>
      %and3A_1136 = arith.constant 15 : i32
      %and3A_1137 = vector.broadcast %and3A_1136 : i32 to vector<16xi32>
      %and3A_1138 = arith.andi %xor3A_1132, %and3A_1137 : vector<16xi32>
      %gather3A_1139 = tpu.vector_load_idx %arg14[%shift_right_logical3A_1135, %and3A_1138] : memref<250x16xf32, #tpu.memory_space<vmem>>[vector<16xi32>, vector<16xi32>], vector<16xf32>,
      %add3A_1140 = arith.addf %gather3A_1114, %gather3A_1129 : vector<16xf32>
      %add3A_1141 = arith.addf %gather3A_1118, %gather3A_1139 : vector<16xf32>
      %max3A = arith.maximumf %add3A_1140, %add3A_1141 : vector<16xf32>
      %sub3A = arith.subf %add3A_1140, %add3A_1141 : vector<16xf32>
      %abs3A = math.absf %sub3A : vector<16xf32>
      %neg3A = arith.constant 0.000000e+00 : f32
      %neg3A_1142 = vector.broadcast %neg3A : f32 to vector<16xf32>
      %neg3A_1143 = arith.subf %neg3A_1142, %abs3A : vector<16xf32>
      %exp3A = math.exp %neg3A_1143 : vector<16xf32>
      %mul3A_1144 = arith.constant 16 : i32
      %mul3A_1145 = arith.muli %scan3A_1090, %mul3A_1144 : i32
      %add3A_1146 = arith.constant 0 : i32
      %add3A_1147 = arith.addi %add3A_1146, %mul3A_1145 : i32
      %shift_right_logical3A_1148 = arith.constant 4 : i32
      %shift_right_logical3A_1149 = arith.shrui %scan3A_1090, %shift_right_logical3A_1148 : i32
      %mul3A_1150 = arith.constant 768 : i32
      %mul3A_1151 = arith.muli %shift_right_logical3A_1149, %mul3A_1150 : i32
      %add3A_1152 = arith.addi %add3A_1147, %mul3A_1151 : i32
      %sub3A_1153 = arith.subf %add3A_1140, %max3A : vector<16xf32>
      %broadcast_in_dim3A_1154 = arith.constant 0.0102438284 : f32
      %broadcast_in_dim3A_1155 = vector.broadcast %broadcast_in_dim3A_1154 : f32 to vector<16xf32>
      %mul3A_1156 = arith.mulf %broadcast_in_dim3A_1155, %exp3A : vector<16xf32>
      %add3A_1157 = arith.constant -0.0532674789 : f32
      %add3A_1158 = vector.broadcast %add3A_1157 : f32 to vector<16xf32>
      %add3A_1159 = arith.addf %mul3A_1156, %add3A_1158 : vector<16xf32>
      %mul3A_1160 = arith.mulf %add3A_1159, %exp3A : vector<16xf32>
      %add3A_1161 = arith.constant 0.131989658 : f32
      %add3A_1162 = vector.broadcast %add3A_1161 : f32 to vector<16xf32>
      %add3A_1163 = arith.addf %mul3A_1160, %add3A_1162 : vector<16xf32>
      %mul3A_1164 = arith.mulf %add3A_1163, %exp3A : vector<16xf32>
      %add3A_1165 = arith.constant -0.223966897 : f32
      %add3A_1166 = vector.broadcast %add3A_1165 : f32 to vector<16xf32>
      %add3A_1167 = arith.addf %mul3A_1164, %add3A_1166 : vector<16xf32>
      %mul3A_1168 = arith.mulf %add3A_1167, %exp3A : vector<16xf32>
      %add3A_1169 = arith.constant 0.327511728 : f32
      %add3A_1170 = vector.broadcast %add3A_1169 : f32 to vector<16xf32>
      %add3A_1171 = arith.addf %mul3A_1168, %add3A_1170 : vector<16xf32>
      %mul3A_1172 = arith.mulf %add3A_1171, %exp3A : vector<16xf32>
      %add3A_1173 = arith.constant -0.499333948 : f32
      %add3A_1174 = vector.broadcast %add3A_1173 : f32 to vector<16xf32>
      %add3A_1175 = arith.addf %mul3A_1172, %add3A_1174 : vector<16xf32>
      %mul3A_1176 = arith.mulf %add3A_1175, %exp3A : vector<16xf32>
      %add3A_1177 = arith.constant 0.999970257 : f32
      %add3A_1178 = vector.broadcast %add3A_1177 : f32 to vector<16xf32>
      %add3A_1179 = arith.addf %mul3A_1176, %add3A_1178 : vector<16xf32>
      %mul3A_1180 = arith.mulf %add3A_1179, %exp3A : vector<16xf32>
      %add3A_1181 = arith.constant 2.21597645E-7 : f32
      %add3A_1182 = vector.broadcast %add3A_1181 : f32 to vector<16xf32>
      %add3A_1183 = arith.addf %mul3A_1180, %add3A_1182 : vector<16xf32>
      %sub3A_1184 = arith.subf %sub3A_1153, %add3A_1183 : vector<16xf32>
      %multiple_of3A = tpu.assume_multiple %add3A_1152, 16 : i32
      %swap3A_1185 = arith.index_cast %multiple_of3A : i32 to index
      %swap3A_1186 = tpu.vector_load %arg16[%swap3A_1185] {strides = array<i32>} : memref<2048xf32, #tpu.memory_space<vmem>>, vector<16xf32>,
      tpu.vector_store %arg16[%swap3A_1185], %sub3A_1184 {strides = array<i32>} : memref<2048xf32, #tpu.memory_space<vmem>>, vector<16xf32>,
      %mul3A_1187 = arith.mulf %gather3A_1114, %gather3A_1114 : vector<16xf32>
      %add3A_1188 = arith.addf %scan3A_1091, %mul3A_1187 : vector<16xf32>
      %mul3A_1189 = arith.mulf %gather3A_1129, %gather3A_1129 : vector<16xf32>
      %add3A_1190 = arith.addf %scan3A_1092, %mul3A_1189 : vector<16xf32>
      scf.yield %add3A_1188, %add3A_1190 : vector<16xf32>, vector<16xf32>
    }
    %scan3A_586 = arith.constant 32 : i32
    %dma_start3A_587 = arith.constant 3 : i32
    %dma_start3A_588 = arith.constant 0 : i32
    %dma_start3A_589 = arith.constant 0 : i32
    %dma_start3A_590 = arith.constant 0 : i32
    %dma_start3A_591 = arith.constant 0 : i32
    %dma_start3A_592 = arith.constant 0 : i32
    %dma_start3A_593 = arith.constant 0 : i32
    %dma_start3A_594 = tpu.memref_slice %arg13[%dma_start3A_589, %dma_start3A_590, %dma_start3A_592, %dma_start3A_593] : memref<3x6x128x16xf32, #tpu.memory_space<vmem>> -> memref<1x1x128x16xf32, #tpu.memory_space<vmem>>
    %dma_start3A_595 = tpu.memref_squeeze %dma_start3A_594 : memref<1x1x128x16xf32, #tpu.memory_space<vmem>> -> memref<128x16xf32, #tpu.memory_space<vmem>>
    %dma_start3A_596 = arith.constant 0 : i32
    %dma_start3A_597 = tpu.memref_slice %arg12[%dma_start3A_587, %dma_start3A_588, %dma_start3A_596] : memref<4x6x128xi32, #tpu.memory_space<vmem>> -> memref<1x1x128xi32, #tpu.memory_space<vmem>>
    %dma_start3A_598 = tpu.memref_squeeze %dma_start3A_597 : memref<1x1x128xi32, #tpu.memory_space<vmem>> -> memref<128xi32, #tpu.memory_space<vmem>>
    %dma_start3A_599 = arith.constant 0 : i32
    %dma_start3A_600 = arith.constant 0 : i32
    %dma_start3A_601 = tpu.memref_slice %arg4[%dma_start3A_599, %dma_start3A_600] : memref<125000x16xf32, #tpu.memory_space<hbm>> -> memref<125000x16xf32, #tpu.memory_space<hbm>>
    %dma_start3A_602 = tpu.memref_slice %arg19[%dma_start3A_591] : memref<3x!tpu.dma_semaphore, #tpu.memory_space<semaphore_mem>> -> memref<1x!tpu.dma_semaphore, #tpu.memory_space<semaphore_mem>>
    %dma_start3A_603 = tpu.memref_squeeze %dma_start3A_602 : memref<1x!tpu.dma_semaphore, #tpu.memory_space<semaphore_mem>> -> memref<!tpu.dma_semaphore, #tpu.memory_space<semaphore_mem>>
    tpu.enqueue_indirect_dma source(%dma_start3A_601 : memref<125000x16xf32, #tpu.memory_space<hbm>>) target(%dma_start3A_595 : memref<128x16xf32, #tpu.memory_space<vmem>>) offsets(%dma_start3A_598 : memref<128xi32, #tpu.memory_space<vmem>>) semaphore(%dma_start3A_603 : memref<!tpu.dma_semaphore, #tpu.memory_space<semaphore_mem>>)
    %dma_start3A_604 = arith.constant 3 : i32
    %dma_start3A_605 = arith.constant 1 : i32
    %dma_start3A_606 = arith.constant 0 : i32
    %dma_start3A_607 = arith.constant 1 : i32
    %dma_start3A_608 = arith.constant 0 : i32
    %dma_start3A_609 = arith.constant 0 : i32
    %dma_start3A_610 = arith.constant 0 : i32
    %dma_start3A_611 = tpu.memref_slice %arg13[%dma_start3A_606, %dma_start3A_607, %dma_start3A_609, %dma_start3A_610] : memref<3x6x128x16xf32, #tpu.memory_space<vmem>> -> memref<1x1x128x16xf32, #tpu.memory_space<vmem>>
    %dma_start3A_612 = tpu.memref_squeeze %dma_start3A_611 : memref<1x1x128x16xf32, #tpu.memory_space<vmem>> -> memref<128x16xf32, #tpu.memory_space<vmem>>
    %dma_start3A_613 = arith.constant 0 : i32
    %dma_start3A_614 = tpu.memref_slice %arg12[%dma_start3A_604, %dma_start3A_605, %dma_start3A_613] : memref<4x6x128xi32, #tpu.memory_space<vmem>> -> memref<1x1x128xi32, #tpu.memory_space<vmem>>
    %dma_start3A_615 = tpu.memref_squeeze %dma_start3A_614 : memref<1x1x128xi32, #tpu.memory_space<vmem>> -> memref<128xi32, #tpu.memory_space<vmem>>
    %dma_start3A_616 = arith.constant 0 : i32
    %dma_start3A_617 = arith.constant 0 : i32
    %dma_start3A_618 = tpu.memref_slice %arg4[%dma_start3A_616, %dma_start3A_617] : memref<125000x16xf32, #tpu.memory_space<hbm>> -> memref<125000x16xf32, #tpu.memory_space<hbm>>
    %dma_start3A_619 = tpu.memref_slice %arg19[%dma_start3A_608] : memref<3x!tpu.dma_semaphore, #tpu.memory_space<semaphore_mem>> -> memref<1x!tpu.dma_semaphore, #tpu.memory_space<semaphore_mem>>
    %dma_start3A_620 = tpu.memref_squeeze %dma_start3A_619 : memref<1x!tpu.dma_semaphore, #tpu.memory_space<semaphore_mem>> -> memref<!tpu.dma_semaphore, #tpu.memory_space<semaphore_mem>>
    tpu.enqueue_indirect_dma source(%dma_start3A_618 : memref<125000x16xf32, #tpu.memory_space<hbm>>) target(%dma_start3A_612 : memref<128x16xf32, #tpu.memory_space<vmem>>) offsets(%dma_start3A_615 : memref<128xi32, #tpu.memory_space<vmem>>) semaphore(%dma_start3A_620 : memref<!tpu.dma_semaphore, #tpu.memory_space<semaphore_mem>>)
    %dma_start3A_621 = arith.constant 3 : i32
    %dma_start3A_622 = arith.constant 2 : i32
    %dma_start3A_623 = arith.constant 0 : i32
    %dma_start3A_624 = arith.constant 2 : i32
    %dma_start3A_625 = arith.constant 0 : i32
    %dma_start3A_626 = arith.constant 0 : i32
    %dma_start3A_627 = arith.constant 0 : i32
    %dma_start3A_628 = tpu.memref_slice %arg13[%dma_start3A_623, %dma_start3A_624, %dma_start3A_626, %dma_start3A_627] : memref<3x6x128x16xf32, #tpu.memory_space<vmem>> -> memref<1x1x128x16xf32, #tpu.memory_space<vmem>>
    %dma_start3A_629 = tpu.memref_squeeze %dma_start3A_628 : memref<1x1x128x16xf32, #tpu.memory_space<vmem>> -> memref<128x16xf32, #tpu.memory_space<vmem>>
    %dma_start3A_630 = arith.constant 0 : i32
    %dma_start3A_631 = tpu.memref_slice %arg12[%dma_start3A_621, %dma_start3A_622, %dma_start3A_630] : memref<4x6x128xi32, #tpu.memory_space<vmem>> -> memref<1x1x128xi32, #tpu.memory_space<vmem>>
    %dma_start3A_632 = tpu.memref_squeeze %dma_start3A_631 : memref<1x1x128xi32, #tpu.memory_space<vmem>> -> memref<128xi32, #tpu.memory_space<vmem>>
    %dma_start3A_633 = arith.constant 0 : i32
    %dma_start3A_634 = arith.constant 0 : i32
    %dma_start3A_635 = tpu.memref_slice %arg5[%dma_start3A_633, %dma_start3A_634] : memref<250000x16xf32, #tpu.memory_space<hbm>> -> memref<250000x16xf32, #tpu.memory_space<hbm>>
    %dma_start3A_636 = tpu.memref_slice %arg19[%dma_start3A_625] : memref<3x!tpu.dma_semaphore, #tpu.memory_space<semaphore_mem>> -> memref<1x!tpu.dma_semaphore, #tpu.memory_space<semaphore_mem>>
    %dma_start3A_637 = tpu.memref_squeeze %dma_start3A_636 : memref<1x!tpu.dma_semaphore, #tpu.memory_space<semaphore_mem>> -> memref<!tpu.dma_semaphore, #tpu.memory_space<semaphore_mem>>
    tpu.enqueue_indirect_dma source(%dma_start3A_635 : memref<250000x16xf32, #tpu.memory_space<hbm>>) target(%dma_start3A_629 : memref<128x16xf32, #tpu.memory_space<vmem>>) offsets(%dma_start3A_632 : memref<128xi32, #tpu.memory_space<vmem>>) semaphore(%dma_start3A_637 : memref<!tpu.dma_semaphore, #tpu.memory_space<semaphore_mem>>)
    %dma_start3A_638 = arith.constant 3 : i32
    %dma_start3A_639 = arith.constant 3 : i32
    %dma_start3A_640 = arith.constant 0 : i32
    %dma_start3A_641 = arith.constant 3 : i32
    %dma_start3A_642 = arith.constant 0 : i32
    %dma_start3A_643 = arith.constant 0 : i32
    %dma_start3A_644 = arith.constant 0 : i32
    %dma_start3A_645 = tpu.memref_slice %arg13[%dma_start3A_640, %dma_start3A_641, %dma_start3A_643, %dma_start3A_644] : memref<3x6x128x16xf32, #tpu.memory_space<vmem>> -> memref<1x1x128x16xf32, #tpu.memory_space<vmem>>
    %dma_start3A_646 = tpu.memref_squeeze %dma_start3A_645 : memref<1x1x128x16xf32, #tpu.memory_space<vmem>> -> memref<128x16xf32, #tpu.memory_space<vmem>>
    %dma_start3A_647 = arith.constant 0 : i32
    %dma_start3A_648 = tpu.memref_slice %arg12[%dma_start3A_638, %dma_start3A_639, %dma_start3A_647] : memref<4x6x128xi32, #tpu.memory_space<vmem>> -> memref<1x1x128xi32, #tpu.memory_space<vmem>>
    %dma_start3A_649 = tpu.memref_squeeze %dma_start3A_648 : memref<1x1x128xi32, #tpu.memory_space<vmem>> -> memref<128xi32, #tpu.memory_space<vmem>>
    %dma_start3A_650 = arith.constant 0 : i32
    %dma_start3A_651 = arith.constant 0 : i32
    %dma_start3A_652 = tpu.memref_slice %arg5[%dma_start3A_650, %dma_start3A_651] : memref<250000x16xf32, #tpu.memory_space<hbm>> -> memref<250000x16xf32, #tpu.memory_space<hbm>>
    %dma_start3A_653 = tpu.memref_slice %arg19[%dma_start3A_642] : memref<3x!tpu.dma_semaphore, #tpu.memory_space<semaphore_mem>> -> memref<1x!tpu.dma_semaphore, #tpu.memory_space<semaphore_mem>>
    %dma_start3A_654 = tpu.memref_squeeze %dma_start3A_653 : memref<1x!tpu.dma_semaphore, #tpu.memory_space<semaphore_mem>> -> memref<!tpu.dma_semaphore, #tpu.memory_space<semaphore_mem>>
    tpu.enqueue_indirect_dma source(%dma_start3A_652 : memref<250000x16xf32, #tpu.memory_space<hbm>>) target(%dma_start3A_646 : memref<128x16xf32, #tpu.memory_space<vmem>>) offsets(%dma_start3A_649 : memref<128xi32, #tpu.memory_space<vmem>>) semaphore(%dma_start3A_654 : memref<!tpu.dma_semaphore, #tpu.memory_space<semaphore_mem>>)
    %dma_start3A_655 = arith.constant 3 : i32
    %dma_start3A_656 = arith.constant 4 : i32
    %dma_start3A_657 = arith.constant 0 : i32
    %dma_start3A_658 = arith.constant 4 : i32
    %dma_start3A_659 = arith.constant 0 : i32
    %dma_start3A_660 = arith.constant 0 : i32
    %dma_start3A_661 = arith.constant 0 : i32
    %dma_start3A_662 = tpu.memref_slice %arg13[%dma_start3A_657, %dma_start3A_658, %dma_start3A_660, %dma_start3A_661] : memref<3x6x128x16xf32, #tpu.memory_space<vmem>> -> memref<1x1x128x16xf32, #tpu.memory_space<vmem>>
    %dma_start3A_663 = tpu.memref_squeeze %dma_start3A_662 : memref<1x1x128x16xf32, #tpu.memory_space<vmem>> -> memref<128x16xf32, #tpu.memory_space<vmem>>
    %dma_start3A_664 = arith.constant 0 : i32
    %dma_start3A_665 = tpu.memref_slice %arg12[%dma_start3A_655, %dma_start3A_656, %dma_start3A_664] : memref<4x6x128xi32, #tpu.memory_space<vmem>> -> memref<1x1x128xi32, #tpu.memory_space<vmem>>
    %dma_start3A_666 = tpu.memref_squeeze %dma_start3A_665 : memref<1x1x128xi32, #tpu.memory_space<vmem>> -> memref<128xi32, #tpu.memory_space<vmem>>
    %dma_start3A_667 = arith.constant 0 : i32
    %dma_start3A_668 = arith.constant 0 : i32
    %dma_start3A_669 = tpu.memref_slice %arg5[%dma_start3A_667, %dma_start3A_668] : memref<250000x16xf32, #tpu.memory_space<hbm>> -> memref<250000x16xf32, #tpu.memory_space<hbm>>
    %dma_start3A_670 = tpu.memref_slice %arg19[%dma_start3A_659] : memref<3x!tpu.dma_semaphore, #tpu.memory_space<semaphore_mem>> -> memref<1x!tpu.dma_semaphore, #tpu.memory_space<semaphore_mem>>
    %dma_start3A_671 = tpu.memref_squeeze %dma_start3A_670 : memref<1x!tpu.dma_semaphore, #tpu.memory_space<semaphore_mem>> -> memref<!tpu.dma_semaphore, #tpu.memory_space<semaphore_mem>>
    tpu.enqueue_indirect_dma source(%dma_start3A_669 : memref<250000x16xf32, #tpu.memory_space<hbm>>) target(%dma_start3A_663 : memref<128x16xf32, #tpu.memory_space<vmem>>) offsets(%dma_start3A_666 : memref<128xi32, #tpu.memory_space<vmem>>) semaphore(%dma_start3A_671 : memref<!tpu.dma_semaphore, #tpu.memory_space<semaphore_mem>>)
    %dma_start3A_672 = arith.constant 3 : i32
    %dma_start3A_673 = arith.constant 5 : i32
    %dma_start3A_674 = arith.constant 0 : i32
    %dma_start3A_675 = arith.constant 5 : i32
    %dma_start3A_676 = arith.constant 0 : i32
    %dma_start3A_677 = arith.constant 0 : i32
    %dma_start3A_678 = arith.constant 0 : i32
    %dma_start3A_679 = tpu.memref_slice %arg13[%dma_start3A_674, %dma_start3A_675, %dma_start3A_677, %dma_start3A_678] : memref<3x6x128x16xf32, #tpu.memory_space<vmem>> -> memref<1x1x128x16xf32, #tpu.memory_space<vmem>>
    %dma_start3A_680 = tpu.memref_squeeze %dma_start3A_679 : memref<1x1x128x16xf32, #tpu.memory_space<vmem>> -> memref<128x16xf32, #tpu.memory_space<vmem>>
    %dma_start3A_681 = arith.constant 0 : i32
    %dma_start3A_682 = tpu.memref_slice %arg12[%dma_start3A_672, %dma_start3A_673, %dma_start3A_681] : memref<4x6x128xi32, #tpu.memory_space<vmem>> -> memref<1x1x128xi32, #tpu.memory_space<vmem>>
    %dma_start3A_683 = tpu.memref_squeeze %dma_start3A_682 : memref<1x1x128xi32, #tpu.memory_space<vmem>> -> memref<128xi32, #tpu.memory_space<vmem>>
    %dma_start3A_684 = arith.constant 0 : i32
    %dma_start3A_685 = arith.constant 0 : i32
    %dma_start3A_686 = tpu.memref_slice %arg5[%dma_start3A_684, %dma_start3A_685] : memref<250000x16xf32, #tpu.memory_space<hbm>> -> memref<250000x16xf32, #tpu.memory_space<hbm>>
    %dma_start3A_687 = tpu.memref_slice %arg19[%dma_start3A_676] : memref<3x!tpu.dma_semaphore, #tpu.memory_space<semaphore_mem>> -> memref<1x!tpu.dma_semaphore, #tpu.memory_space<semaphore_mem>>
    %dma_start3A_688 = tpu.memref_squeeze %dma_start3A_687 : memref<1x!tpu.dma_semaphore, #tpu.memory_space<semaphore_mem>> -> memref<!tpu.dma_semaphore, #tpu.memory_space<semaphore_mem>>
    tpu.enqueue_indirect_dma source(%dma_start3A_686 : memref<250000x16xf32, #tpu.memory_space<hbm>>) target(%dma_start3A_680 : memref<128x16xf32, #tpu.memory_space<vmem>>) offsets(%dma_start3A_683 : memref<128xi32, #tpu.memory_space<vmem>>) semaphore(%dma_start3A_688 : memref<!tpu.dma_semaphore, #tpu.memory_space<semaphore_mem>>)
    %dma_wait3A_689 = arith.constant 1 : i32
    %dma_wait3A_690 = arith.constant 0 : i32
    %dma_wait3A_691 = arith.constant 1 : i32
    %dma_wait3A_692 = arith.constant 0 : i32
    %dma_wait3A_693 = arith.constant 1 : i32
    %dma_wait3A_694 = arith.constant 0 : i32
    %dma_wait3A_695 = arith.constant 0 : i32
    %dma_wait3A_696 = tpu.memref_slice %arg13[%dma_wait3A_691, %dma_wait3A_692, %dma_wait3A_694, %dma_wait3A_695] : memref<3x6x128x16xf32, #tpu.memory_space<vmem>> -> memref<1x1x128x16xf32, #tpu.memory_space<vmem>>
    %dma_wait3A_697 = tpu.memref_squeeze %dma_wait3A_696 : memref<1x1x128x16xf32, #tpu.memory_space<vmem>> -> memref<128x16xf32, #tpu.memory_space<vmem>>
    %dma_wait3A_698 = arith.constant 0 : i32
    %dma_wait3A_699 = tpu.memref_slice %arg12[%dma_wait3A_689, %dma_wait3A_690, %dma_wait3A_698] : memref<4x6x128xi32, #tpu.memory_space<vmem>> -> memref<1x1x128xi32, #tpu.memory_space<vmem>>
    %dma_wait3A_700 = tpu.memref_squeeze %dma_wait3A_699 : memref<1x1x128xi32, #tpu.memory_space<vmem>> -> memref<128xi32, #tpu.memory_space<vmem>>
    %dma_wait3A_701 = arith.constant 0 : i32
    %dma_wait3A_702 = arith.constant 0 : i32
    %dma_wait3A_703 = tpu.memref_slice %arg4[%dma_wait3A_701, %dma_wait3A_702] : memref<125000x16xf32, #tpu.memory_space<hbm>> -> memref<125000x16xf32, #tpu.memory_space<hbm>>
    %dma_wait3A_704 = tpu.memref_slice %arg19[%dma_wait3A_693] : memref<3x!tpu.dma_semaphore, #tpu.memory_space<semaphore_mem>> -> memref<1x!tpu.dma_semaphore, #tpu.memory_space<semaphore_mem>>
    %dma_wait3A_705 = tpu.memref_squeeze %dma_wait3A_704 : memref<1x!tpu.dma_semaphore, #tpu.memory_space<semaphore_mem>> -> memref<!tpu.dma_semaphore, #tpu.memory_space<semaphore_mem>>
    tpu.wait_indirect_dma semaphore(%dma_wait3A_705 : memref<!tpu.dma_semaphore, #tpu.memory_space<semaphore_mem>>) src(%dma_wait3A_703 : memref<125000x16xf32, #tpu.memory_space<hbm>>) dst(%dma_wait3A_697 : memref<128x16xf32, #tpu.memory_space<vmem>>)
    %dma_wait3A_706 = arith.constant 1 : i32
    %dma_wait3A_707 = arith.constant 1 : i32
    %dma_wait3A_708 = arith.constant 1 : i32
    %dma_wait3A_709 = arith.constant 1 : i32
    %dma_wait3A_710 = arith.constant 1 : i32
    %dma_wait3A_711 = arith.constant 0 : i32
    %dma_wait3A_712 = arith.constant 0 : i32
    %dma_wait3A_713 = tpu.memref_slice %arg13[%dma_wait3A_708, %dma_wait3A_709, %dma_wait3A_711, %dma_wait3A_712] : memref<3x6x128x16xf32, #tpu.memory_space<vmem>> -> memref<1x1x128x16xf32, #tpu.memory_space<vmem>>
    %dma_wait3A_714 = tpu.memref_squeeze %dma_wait3A_713 : memref<1x1x128x16xf32, #tpu.memory_space<vmem>> -> memref<128x16xf32, #tpu.memory_space<vmem>>
    %dma_wait3A_715 = arith.constant 0 : i32
    %dma_wait3A_716 = tpu.memref_slice %arg12[%dma_wait3A_706, %dma_wait3A_707, %dma_wait3A_715] : memref<4x6x128xi32, #tpu.memory_space<vmem>> -> memref<1x1x128xi32, #tpu.memory_space<vmem>>
    %dma_wait3A_717 = tpu.memref_squeeze %dma_wait3A_716 : memref<1x1x128xi32, #tpu.memory_space<vmem>> -> memref<128xi32, #tpu.memory_space<vmem>>
    %dma_wait3A_718 = arith.constant 0 : i32
    %dma_wait3A_719 = arith.constant 0 : i32
    %dma_wait3A_720 = tpu.memref_slice %arg4[%dma_wait3A_718, %dma_wait3A_719] : memref<125000x16xf32, #tpu.memory_space<hbm>> -> memref<125000x16xf32, #tpu.memory_space<hbm>>
    %dma_wait3A_721 = tpu.memref_slice %arg19[%dma_wait3A_710] : memref<3x!tpu.dma_semaphore, #tpu.memory_space<semaphore_mem>> -> memref<1x!tpu.dma_semaphore, #tpu.memory_space<semaphore_mem>>
    %dma_wait3A_722 = tpu.memref_squeeze %dma_wait3A_721 : memref<1x!tpu.dma_semaphore, #tpu.memory_space<semaphore_mem>> -> memref<!tpu.dma_semaphore, #tpu.memory_space<semaphore_mem>>
    tpu.wait_indirect_dma semaphore(%dma_wait3A_722 : memref<!tpu.dma_semaphore, #tpu.memory_space<semaphore_mem>>) src(%dma_wait3A_720 : memref<125000x16xf32, #tpu.memory_space<hbm>>) dst(%dma_wait3A_714 : memref<128x16xf32, #tpu.memory_space<vmem>>)
    %dma_wait3A_723 = arith.constant 1 : i32
    %dma_wait3A_724 = arith.constant 2 : i32
    %dma_wait3A_725 = arith.constant 1 : i32
    %dma_wait3A_726 = arith.constant 2 : i32
    %dma_wait3A_727 = arith.constant 1 : i32
    %dma_wait3A_728 = arith.constant 0 : i32
    %dma_wait3A_729 = arith.constant 0 : i32
    %dma_wait3A_730 = tpu.memref_slice %arg13[%dma_wait3A_725, %dma_wait3A_726, %dma_wait3A_728, %dma_wait3A_729] : memref<3x6x128x16xf32, #tpu.memory_space<vmem>> -> memref<1x1x128x16xf32, #tpu.memory_space<vmem>>
    %dma_wait3A_731 = tpu.memref_squeeze %dma_wait3A_730 : memref<1x1x128x16xf32, #tpu.memory_space<vmem>> -> memref<128x16xf32, #tpu.memory_space<vmem>>
    %dma_wait3A_732 = arith.constant 0 : i32
    %dma_wait3A_733 = tpu.memref_slice %arg12[%dma_wait3A_723, %dma_wait3A_724, %dma_wait3A_732] : memref<4x6x128xi32, #tpu.memory_space<vmem>> -> memref<1x1x128xi32, #tpu.memory_space<vmem>>
    %dma_wait3A_734 = tpu.memref_squeeze %dma_wait3A_733 : memref<1x1x128xi32, #tpu.memory_space<vmem>> -> memref<128xi32, #tpu.memory_space<vmem>>
    %dma_wait3A_735 = arith.constant 0 : i32
    %dma_wait3A_736 = arith.constant 0 : i32
    %dma_wait3A_737 = tpu.memref_slice %arg5[%dma_wait3A_735, %dma_wait3A_736] : memref<250000x16xf32, #tpu.memory_space<hbm>> -> memref<250000x16xf32, #tpu.memory_space<hbm>>
    %dma_wait3A_738 = tpu.memref_slice %arg19[%dma_wait3A_727] : memref<3x!tpu.dma_semaphore, #tpu.memory_space<semaphore_mem>> -> memref<1x!tpu.dma_semaphore, #tpu.memory_space<semaphore_mem>>
    %dma_wait3A_739 = tpu.memref_squeeze %dma_wait3A_738 : memref<1x!tpu.dma_semaphore, #tpu.memory_space<semaphore_mem>> -> memref<!tpu.dma_semaphore, #tpu.memory_space<semaphore_mem>>
    tpu.wait_indirect_dma semaphore(%dma_wait3A_739 : memref<!tpu.dma_semaphore, #tpu.memory_space<semaphore_mem>>) src(%dma_wait3A_737 : memref<250000x16xf32, #tpu.memory_space<hbm>>) dst(%dma_wait3A_731 : memref<128x16xf32, #tpu.memory_space<vmem>>)
    %dma_wait3A_740 = arith.constant 1 : i32
    %dma_wait3A_741 = arith.constant 3 : i32
    %dma_wait3A_742 = arith.constant 1 : i32
    %dma_wait3A_743 = arith.constant 3 : i32
    %dma_wait3A_744 = arith.constant 1 : i32
    %dma_wait3A_745 = arith.constant 0 : i32
    %dma_wait3A_746 = arith.constant 0 : i32
    %dma_wait3A_747 = tpu.memref_slice %arg13[%dma_wait3A_742, %dma_wait3A_743, %dma_wait3A_745, %dma_wait3A_746] : memref<3x6x128x16xf32, #tpu.memory_space<vmem>> -> memref<1x1x128x16xf32, #tpu.memory_space<vmem>>
    %dma_wait3A_748 = tpu.memref_squeeze %dma_wait3A_747 : memref<1x1x128x16xf32, #tpu.memory_space<vmem>> -> memref<128x16xf32, #tpu.memory_space<vmem>>
    %dma_wait3A_749 = arith.constant 0 : i32
    %dma_wait3A_750 = tpu.memref_slice %arg12[%dma_wait3A_740, %dma_wait3A_741, %dma_wait3A_749] : memref<4x6x128xi32, #tpu.memory_space<vmem>> -> memref<1x1x128xi32, #tpu.memory_space<vmem>>
    %dma_wait3A_751 = tpu.memref_squeeze %dma_wait3A_750 : memref<1x1x128xi32, #tpu.memory_space<vmem>> -> memref<128xi32, #tpu.memory_space<vmem>>
    %dma_wait3A_752 = arith.constant 0 : i32
    %dma_wait3A_753 = arith.constant 0 : i32
    %dma_wait3A_754 = tpu.memref_slice %arg5[%dma_wait3A_752, %dma_wait3A_753] : memref<250000x16xf32, #tpu.memory_space<hbm>> -> memref<250000x16xf32, #tpu.memory_space<hbm>>
    %dma_wait3A_755 = tpu.memref_slice %arg19[%dma_wait3A_744] : memref<3x!tpu.dma_semaphore, #tpu.memory_space<semaphore_mem>> -> memref<1x!tpu.dma_semaphore, #tpu.memory_space<semaphore_mem>>
    %dma_wait3A_756 = tpu.memref_squeeze %dma_wait3A_755 : memref<1x!tpu.dma_semaphore, #tpu.memory_space<semaphore_mem>> -> memref<!tpu.dma_semaphore, #tpu.memory_space<semaphore_mem>>
    tpu.wait_indirect_dma semaphore(%dma_wait3A_756 : memref<!tpu.dma_semaphore, #tpu.memory_space<semaphore_mem>>) src(%dma_wait3A_754 : memref<250000x16xf32, #tpu.memory_space<hbm>>) dst(%dma_wait3A_748 : memref<128x16xf32, #tpu.memory_space<vmem>>)
    %dma_wait3A_757 = arith.constant 1 : i32
    %dma_wait3A_758 = arith.constant 4 : i32
    %dma_wait3A_759 = arith.constant 1 : i32
    %dma_wait3A_760 = arith.constant 4 : i32
    %dma_wait3A_761 = arith.constant 1 : i32
    %dma_wait3A_762 = arith.constant 0 : i32
    %dma_wait3A_763 = arith.constant 0 : i32
    %dma_wait3A_764 = tpu.memref_slice %arg13[%dma_wait3A_759, %dma_wait3A_760, %dma_wait3A_762, %dma_wait3A_763] : memref<3x6x128x16xf32, #tpu.memory_space<vmem>> -> memref<1x1x128x16xf32, #tpu.memory_space<vmem>>
    %dma_wait3A_765 = tpu.memref_squeeze %dma_wait3A_764 : memref<1x1x128x16xf32, #tpu.memory_space<vmem>> -> memref<128x16xf32, #tpu.memory_space<vmem>>
    %dma_wait3A_766 = arith.constant 0 : i32
    %dma_wait3A_767 = tpu.memref_slice %arg12[%dma_wait3A_757, %dma_wait3A_758, %dma_wait3A_766] : memref<4x6x128xi32, #tpu.memory_space<vmem>> -> memref<1x1x128xi32, #tpu.memory_space<vmem>>
    %dma_wait3A_768 = tpu.memref_squeeze %dma_wait3A_767 : memref<1x1x128xi32, #tpu.memory_space<vmem>> -> memref<128xi32, #tpu.memory_space<vmem>>
    %dma_wait3A_769 = arith.constant 0 : i32
    %dma_wait3A_770 = arith.constant 0 : i32
    %dma_wait3A_771 = tpu.memref_slice %arg5[%dma_wait3A_769, %dma_wait3A_770] : memref<250000x16xf32, #tpu.memory_space<hbm>> -> memref<250000x16xf32, #tpu.memory_space<hbm>>
    %dma_wait3A_772 = tpu.memref_slice %arg19[%dma_wait3A_761] : memref<3x!tpu.dma_semaphore, #tpu.memory_space<semaphore_mem>> -> memref<1x!tpu.dma_semaphore, #tpu.memory_space<semaphore_mem>>
    %dma_wait3A_773 = tpu.memref_squeeze %dma_wait3A_772 : memref<1x!tpu.dma_semaphore, #tpu.memory_space<semaphore_mem>> -> memref<!tpu.dma_semaphore, #tpu.memory_space<semaphore_mem>>
    tpu.wait_indirect_dma semaphore(%dma_wait3A_773 : memref<!tpu.dma_semaphore, #tpu.memory_space<semaphore_mem>>) src(%dma_wait3A_771 : memref<250000x16xf32, #tpu.memory_space<hbm>>) dst(%dma_wait3A_765 : memref<128x16xf32, #tpu.memory_space<vmem>>)
    %dma_wait3A_774 = arith.constant 1 : i32
    %dma_wait3A_775 = arith.constant 5 : i32
    %dma_wait3A_776 = arith.constant 1 : i32
    %dma_wait3A_777 = arith.constant 5 : i32
    %dma_wait3A_778 = arith.constant 1 : i32
    %dma_wait3A_779 = arith.constant 0 : i32
    %dma_wait3A_780 = arith.constant 0 : i32
    %dma_wait3A_781 = tpu.memref_slice %arg13[%dma_wait3A_776, %dma_wait3A_777, %dma_wait3A_779, %dma_wait3A_780] : memref<3x6x128x16xf32, #tpu.memory_space<vmem>> -> memref<1x1x128x16xf32, #tpu.memory_space<vmem>>
    %dma_wait3A_782 = tpu.memref_squeeze %dma_wait3A_781 : memref<1x1x128x16xf32, #tpu.memory_space<vmem>> -> memref<128x16xf32, #tpu.memory_space<vmem>>
    %dma_wait3A_783 = arith.constant 0 : i32
    %dma_wait3A_784 = tpu.memref_slice %arg12[%dma_wait3A_774, %dma_wait3A_775, %dma_wait3A_783] : memref<4x6x128xi32, #tpu.memory_space<vmem>> -> memref<1x1x128xi32, #tpu.memory_space<vmem>>
    %dma_wait3A_785 = tpu.memref_squeeze %dma_wait3A_784 : memref<1x1x128xi32, #tpu.memory_space<vmem>> -> memref<128xi32, #tpu.memory_space<vmem>>
    %dma_wait3A_786 = arith.constant 0 : i32
    %dma_wait3A_787 = arith.constant 0 : i32
    %dma_wait3A_788 = tpu.memref_slice %arg5[%dma_wait3A_786, %dma_wait3A_787] : memref<250000x16xf32, #tpu.memory_space<hbm>> -> memref<250000x16xf32, #tpu.memory_space<hbm>>
    %dma_wait3A_789 = tpu.memref_slice %arg19[%dma_wait3A_778] : memref<3x!tpu.dma_semaphore, #tpu.memory_space<semaphore_mem>> -> memref<1x!tpu.dma_semaphore, #tpu.memory_space<semaphore_mem>>
    %dma_wait3A_790 = tpu.memref_squeeze %dma_wait3A_789 : memref<1x!tpu.dma_semaphore, #tpu.memory_space<semaphore_mem>> -> memref<!tpu.dma_semaphore, #tpu.memory_space<semaphore_mem>>
    tpu.wait_indirect_dma semaphore(%dma_wait3A_790 : memref<!tpu.dma_semaphore, #tpu.memory_space<semaphore_mem>>) src(%dma_wait3A_788 : memref<250000x16xf32, #tpu.memory_space<hbm>>) dst(%dma_wait3A_782 : memref<128x16xf32, #tpu.memory_space<vmem>>)
    %scan3A_791 = arith.constant 0 : i32
    %scan3A_792 = arith.constant 0 : i32
    %scan3A_793 = arith.constant 16 : i32
    %scan3A_794 = arith.addi %scan3A_792, %scan3A_793 : i32
    %scan3A_795 = arith.constant 1 : i32
    scf.for %scan3A_1090 = %scan3A_792 to %scan3A_794 step %scan3A_795  : i32 {
      %mul3A_1091 = arith.constant 16 : i32
      %mul3A_1092 = arith.muli %scan3A_1090, %mul3A_1091 : i32
      %add3A_1093 = vector.broadcast %mul3A_1092 : i32 to vector<16xi32>
      %add3A_1094 = arith.addi %add3A_1093, %iota3A : vector<16xi32>
      %and3A = arith.constant 127 : i32
      %and3A_1095 = vector.broadcast %and3A : i32 to vector<16xi32>
      %and3A_1096 = arith.andi %add3A_1094, %and3A_1095 : vector<16xi32>
      %shift_right_logical3A = arith.constant 7 : i32
      %shift_right_logical3A_1097 = vector.broadcast %shift_right_logical3A : i32 to vector<16xi32>
      %shift_right_logical3A_1098 = arith.shrui %add3A_1094, %shift_right_logical3A_1097 : vector<16xi32>
      %broadcast_in_dim3A_1099 = arith.constant 1 : i32
      %broadcast_in_dim3A_1100 = vector.broadcast %broadcast_in_dim3A_1099 : i32 to vector<16xi32>
      %broadcast_in_dim3A_1101 = arith.constant 1 : i32
      %broadcast_in_dim3A_1102 = vector.broadcast %broadcast_in_dim3A_1101 : i32 to vector<16xi32>
      %gather3A = tpu.vector_load_idx %arg10[%broadcast_in_dim3A_1100, %and3A_1096] : memref<4x128xi32, #tpu.memory_space<vmem>>[vector<16xi32>, vector<16xi32>], vector<16xi32>,
      %and3A_1103 = arith.constant 15 : i32
      %and3A_1104 = vector.broadcast %and3A_1103 : i32 to vector<16xi32>
      %and3A_1105 = arith.andi %gather3A, %and3A_1104 : vector<16xi32>
      %gather3A_1106 = tpu.vector_load_idx %arg13[%broadcast_in_dim3A_1102, %shift_right_logical3A_1098, %and3A_1096, %and3A_1105] : memref<3x6x128x16xf32, #tpu.memory_space<vmem>>[vector<16xi32>, vector<16xi32>, vector<16xi32>, vector<16xi32>], vector<16xf32>,
      %abs3A = math.absf %gather3A_1106 : vector<16xf32>
      %neg3A = arith.constant 0.000000e+00 : f32
      %neg3A_1107 = vector.broadcast %neg3A : f32 to vector<16xf32>
      %neg3A_1108 = arith.subf %neg3A_1107, %abs3A : vector<16xf32>
      %exp3A = math.exp %neg3A_1108 : vector<16xf32>
      %min3A = arith.constant 0.000000e+00 : f32
      %min3A_1109 = vector.broadcast %min3A : f32 to vector<16xf32>
      %min3A_1110 = arith.minimumf %gather3A_1106, %min3A_1109 : vector<16xf32>
      %broadcast_in_dim3A_1111 = arith.constant 0.0102438284 : f32
      %broadcast_in_dim3A_1112 = vector.broadcast %broadcast_in_dim3A_1111 : f32 to vector<16xf32>
      %mul3A_1113 = arith.mulf %broadcast_in_dim3A_1112, %exp3A : vector<16xf32>
      %add3A_1114 = arith.constant -0.0532674789 : f32
      %add3A_1115 = vector.broadcast %add3A_1114 : f32 to vector<16xf32>
      %add3A_1116 = arith.addf %mul3A_1113, %add3A_1115 : vector<16xf32>
      %mul3A_1117 = arith.mulf %add3A_1116, %exp3A : vector<16xf32>
      %add3A_1118 = arith.constant 0.131989658 : f32
      %add3A_1119 = vector.broadcast %add3A_1118 : f32 to vector<16xf32>
      %add3A_1120 = arith.addf %mul3A_1117, %add3A_1119 : vector<16xf32>
      %mul3A_1121 = arith.mulf %add3A_1120, %exp3A : vector<16xf32>
      %add3A_1122 = arith.constant -0.223966897 : f32
      %add3A_1123 = vector.broadcast %add3A_1122 : f32 to vector<16xf32>
      %add3A_1124 = arith.addf %mul3A_1121, %add3A_1123 : vector<16xf32>
      %mul3A_1125 = arith.mulf %add3A_1124, %exp3A : vector<16xf32>
      %add3A_1126 = arith.constant 0.327511728 : f32
      %add3A_1127 = vector.broadcast %add3A_1126 : f32 to vector<16xf32>
      %add3A_1128 = arith.addf %mul3A_1125, %add3A_1127 : vector<16xf32>
      %mul3A_1129 = arith.mulf %add3A_1128, %exp3A : vector<16xf32>
      %add3A_1130 = arith.constant -0.499333948 : f32
      %add3A_1131 = vector.broadcast %add3A_1130 : f32 to vector<16xf32>
      %add3A_1132 = arith.addf %mul3A_1129, %add3A_1131 : vector<16xf32>
      %mul3A_1133 = arith.mulf %add3A_1132, %exp3A : vector<16xf32>
      %add3A_1134 = arith.constant 0.999970257 : f32
      %add3A_1135 = vector.broadcast %add3A_1134 : f32 to vector<16xf32>
      %add3A_1136 = arith.addf %mul3A_1133, %add3A_1135 : vector<16xf32>
      %mul3A_1137 = arith.mulf %add3A_1136, %exp3A : vector<16xf32>
      %add3A_1138 = arith.constant 2.21597645E-7 : f32
      %add3A_1139 = vector.broadcast %add3A_1138 : f32 to vector<16xf32>
      %add3A_1140 = arith.addf %mul3A_1137, %add3A_1139 : vector<16xf32>
      %sub3A = arith.subf %min3A_1110, %add3A_1140 : vector<16xf32>
      %mul3A_1141 = arith.constant 16 : i32
      %mul3A_1142 = arith.muli %scan3A_1090, %mul3A_1141 : i32
      %add3A_1143 = arith.constant 256 : i32
      %add3A_1144 = arith.addi %add3A_1143, %mul3A_1142 : i32
      %multiple_of3A = tpu.assume_multiple %add3A_1144, 16 : i32
      %swap3A_1145 = arith.index_cast %multiple_of3A : i32 to index
      %swap3A_1146 = tpu.vector_load %arg15[%swap3A_1145] {strides = array<i32>} : memref<1024xf32, #tpu.memory_space<vmem>>, vector<16xf32>,
      tpu.vector_store %arg15[%swap3A_1145], %sub3A {strides = array<i32>} : memref<1024xf32, #tpu.memory_space<vmem>>, vector<16xf32>,
    }
    %scan3A_796 = arith.constant 16 : i32
    %scan3A_797 = arith.constant 0 : i32
    %scan3A_798 = arith.constant 32 : i32
    %scan3A_799 = arith.addi %scan3A_797, %scan3A_798 : i32
    %scan3A_800 = arith.constant 1 : i32
    %scan3A_801:2 = scf.for %scan3A_1090 = %scan3A_797 to %scan3A_799 step %scan3A_800 iter_args(%scan3A_1091 = %scan3A_585#0, %scan3A_1092 = %scan3A_585#1) -> (vector<16xf32>, vector<16xf32>)  : i32 {
      %mul3A_1093 = arith.constant 16 : i32
      %mul3A_1094 = arith.muli %scan3A_1090, %mul3A_1093 : i32
      %add3A_1095 = vector.broadcast %mul3A_1094 : i32 to vector<16xi32>
      %add3A_1096 = arith.addi %add3A_1095, %iota3A : vector<16xi32>
      %and3A = arith.constant 127 : i32
      %and3A_1097 = vector.broadcast %and3A : i32 to vector<16xi32>
      %and3A_1098 = arith.andi %add3A_1096, %and3A_1097 : vector<16xi32>
      %shift_right_logical3A = arith.constant 7 : i32
      %shift_right_logical3A_1099 = vector.broadcast %shift_right_logical3A : i32 to vector<16xi32>
      %shift_right_logical3A_1100 = arith.shrui %add3A_1096, %shift_right_logical3A_1099 : vector<16xi32>
      %xor3A = arith.constant 1 : i32
      %xor3A_1101 = vector.broadcast %xor3A : i32 to vector<16xi32>
      %xor3A_1102 = arith.xori %shift_right_logical3A_1100, %xor3A_1101 : vector<16xi32>
      %broadcast_in_dim3A_1103 = arith.constant 1 : i32
      %broadcast_in_dim3A_1104 = vector.broadcast %broadcast_in_dim3A_1103 : i32 to vector<16xi32>
      %broadcast_in_dim3A_1105 = arith.constant 1 : i32
      %broadcast_in_dim3A_1106 = vector.broadcast %broadcast_in_dim3A_1105 : i32 to vector<16xi32>
      %gather3A = tpu.vector_load_idx %arg10[%broadcast_in_dim3A_1104, %and3A_1098] : memref<4x128xi32, #tpu.memory_space<vmem>>[vector<16xi32>, vector<16xi32>], vector<16xi32>,
      %gather3A_1107 = tpu.vector_load_idx %arg11[%broadcast_in_dim3A_1104, %and3A_1098] : memref<4x128xi32, #tpu.memory_space<vmem>>[vector<16xi32>, vector<16xi32>], vector<16xi32>,
      %and3A_1108 = arith.constant 15 : i32
      %and3A_1109 = vector.broadcast %and3A_1108 : i32 to vector<16xi32>
      %and3A_1110 = arith.andi %gather3A, %and3A_1109 : vector<16xi32>
      %add3A_1111 = arith.constant 2 : i32
      %add3A_1112 = vector.broadcast %add3A_1111 : i32 to vector<16xi32>
      %add3A_1113 = arith.addi %add3A_1112, %shift_right_logical3A_1100 : vector<16xi32>
      %gather3A_1114 = tpu.vector_load_idx %arg13[%broadcast_in_dim3A_1106, %add3A_1113, %and3A_1098, %and3A_1110] : memref<3x6x128x16xf32, #tpu.memory_space<vmem>>[vector<16xi32>, vector<16xi32>, vector<16xi32>, vector<16xi32>], vector<16xf32>,
      %add3A_1115 = arith.constant 2 : i32
      %add3A_1116 = vector.broadcast %add3A_1115 : i32 to vector<16xi32>
      %add3A_1117 = arith.addi %add3A_1116, %xor3A_1102 : vector<16xi32>
      %gather3A_1118 = tpu.vector_load_idx %arg13[%broadcast_in_dim3A_1106, %add3A_1117, %and3A_1098, %and3A_1110] : memref<3x6x128x16xf32, #tpu.memory_space<vmem>>[vector<16xi32>, vector<16xi32>, vector<16xi32>, vector<16xi32>], vector<16xf32>,
      %mul3A_1119 = arith.constant 4 : i32
      %mul3A_1120 = vector.broadcast %mul3A_1119 : i32 to vector<16xi32>
      %mul3A_1121 = arith.muli %gather3A_1107, %mul3A_1120 : vector<16xi32>
      %add3A_1122 = arith.addi %mul3A_1121, %shift_right_logical3A_1100 : vector<16xi32>
      %shift_right_logical3A_1123 = arith.constant 4 : i32
      %shift_right_logical3A_1124 = vector.broadcast %shift_right_logical3A_1123 : i32 to vector<16xi32>
      %shift_right_logical3A_1125 = arith.shrui %add3A_1122, %shift_right_logical3A_1124 : vector<16xi32>
      %and3A_1126 = arith.constant 15 : i32
      %and3A_1127 = vector.broadcast %and3A_1126 : i32 to vector<16xi32>
      %and3A_1128 = arith.andi %add3A_1122, %and3A_1127 : vector<16xi32>
      %gather3A_1129 = tpu.vector_load_idx %arg14[%shift_right_logical3A_1125, %and3A_1128] : memref<250x16xf32, #tpu.memory_space<vmem>>[vector<16xi32>, vector<16xi32>], vector<16xf32>,
      %xor3A_1130 = arith.constant 1 : i32
      %xor3A_1131 = vector.broadcast %xor3A_1130 : i32 to vector<16xi32>
      %xor3A_1132 = arith.xori %add3A_1122, %xor3A_1131 : vector<16xi32>
      %shift_right_logical3A_1133 = arith.constant 4 : i32
      %shift_right_logical3A_1134 = vector.broadcast %shift_right_logical3A_1133 : i32 to vector<16xi32>
      %shift_right_logical3A_1135 = arith.shrui %xor3A_1132, %shift_right_logical3A_1134 : vector<16xi32>
      %and3A_1136 = arith.constant 15 : i32
      %and3A_1137 = vector.broadcast %and3A_1136 : i32 to vector<16xi32>
      %and3A_1138 = arith.andi %xor3A_1132, %and3A_1137 : vector<16xi32>
      %gather3A_1139 = tpu.vector_load_idx %arg14[%shift_right_logical3A_1135, %and3A_1138] : memref<250x16xf32, #tpu.memory_space<vmem>>[vector<16xi32>, vector<16xi32>], vector<16xf32>,
      %add3A_1140 = arith.addf %gather3A_1114, %gather3A_1129 : vector<16xf32>
      %add3A_1141 = arith.addf %gather3A_1118, %gather3A_1139 : vector<16xf32>
      %max3A = arith.maximumf %add3A_1140, %add3A_1141 : vector<16xf32>
      %sub3A = arith.subf %add3A_1140, %add3A_1141 : vector<16xf32>
      %abs3A = math.absf %sub3A : vector<16xf32>
      %neg3A = arith.constant 0.000000e+00 : f32
      %neg3A_1142 = vector.broadcast %neg3A : f32 to vector<16xf32>
      %neg3A_1143 = arith.subf %neg3A_1142, %abs3A : vector<16xf32>
      %exp3A = math.exp %neg3A_1143 : vector<16xf32>
      %mul3A_1144 = arith.constant 16 : i32
      %mul3A_1145 = arith.muli %scan3A_1090, %mul3A_1144 : i32
      %add3A_1146 = arith.constant 256 : i32
      %add3A_1147 = arith.addi %add3A_1146, %mul3A_1145 : i32
      %shift_right_logical3A_1148 = arith.constant 4 : i32
      %shift_right_logical3A_1149 = arith.shrui %scan3A_1090, %shift_right_logical3A_1148 : i32
      %mul3A_1150 = arith.constant 768 : i32
      %mul3A_1151 = arith.muli %shift_right_logical3A_1149, %mul3A_1150 : i32
      %add3A_1152 = arith.addi %add3A_1147, %mul3A_1151 : i32
      %sub3A_1153 = arith.subf %add3A_1140, %max3A : vector<16xf32>
      %broadcast_in_dim3A_1154 = arith.constant 0.0102438284 : f32
      %broadcast_in_dim3A_1155 = vector.broadcast %broadcast_in_dim3A_1154 : f32 to vector<16xf32>
      %mul3A_1156 = arith.mulf %broadcast_in_dim3A_1155, %exp3A : vector<16xf32>
      %add3A_1157 = arith.constant -0.0532674789 : f32
      %add3A_1158 = vector.broadcast %add3A_1157 : f32 to vector<16xf32>
      %add3A_1159 = arith.addf %mul3A_1156, %add3A_1158 : vector<16xf32>
      %mul3A_1160 = arith.mulf %add3A_1159, %exp3A : vector<16xf32>
      %add3A_1161 = arith.constant 0.131989658 : f32
      %add3A_1162 = vector.broadcast %add3A_1161 : f32 to vector<16xf32>
      %add3A_1163 = arith.addf %mul3A_1160, %add3A_1162 : vector<16xf32>
      %mul3A_1164 = arith.mulf %add3A_1163, %exp3A : vector<16xf32>
      %add3A_1165 = arith.constant -0.223966897 : f32
      %add3A_1166 = vector.broadcast %add3A_1165 : f32 to vector<16xf32>
      %add3A_1167 = arith.addf %mul3A_1164, %add3A_1166 : vector<16xf32>
      %mul3A_1168 = arith.mulf %add3A_1167, %exp3A : vector<16xf32>
      %add3A_1169 = arith.constant 0.327511728 : f32
      %add3A_1170 = vector.broadcast %add3A_1169 : f32 to vector<16xf32>
      %add3A_1171 = arith.addf %mul3A_1168, %add3A_1170 : vector<16xf32>
      %mul3A_1172 = arith.mulf %add3A_1171, %exp3A : vector<16xf32>
      %add3A_1173 = arith.constant -0.499333948 : f32
      %add3A_1174 = vector.broadcast %add3A_1173 : f32 to vector<16xf32>
      %add3A_1175 = arith.addf %mul3A_1172, %add3A_1174 : vector<16xf32>
      %mul3A_1176 = arith.mulf %add3A_1175, %exp3A : vector<16xf32>
      %add3A_1177 = arith.constant 0.999970257 : f32
      %add3A_1178 = vector.broadcast %add3A_1177 : f32 to vector<16xf32>
      %add3A_1179 = arith.addf %mul3A_1176, %add3A_1178 : vector<16xf32>
      %mul3A_1180 = arith.mulf %add3A_1179, %exp3A : vector<16xf32>
      %add3A_1181 = arith.constant 2.21597645E-7 : f32
      %add3A_1182 = vector.broadcast %add3A_1181 : f32 to vector<16xf32>
      %add3A_1183 = arith.addf %mul3A_1180, %add3A_1182 : vector<16xf32>
      %sub3A_1184 = arith.subf %sub3A_1153, %add3A_1183 : vector<16xf32>
      %multiple_of3A = tpu.assume_multiple %add3A_1152, 16 : i32
      %swap3A_1185 = arith.index_cast %multiple_of3A : i32 to index
      %swap3A_1186 = tpu.vector_load %arg16[%swap3A_1185] {strides = array<i32>} : memref<2048xf32, #tpu.memory_space<vmem>>, vector<16xf32>,
      tpu.vector_store %arg16[%swap3A_1185], %sub3A_1184 {strides = array<i32>} : memref<2048xf32, #tpu.memory_space<vmem>>, vector<16xf32>,
      %mul3A_1187 = arith.mulf %gather3A_1114, %gather3A_1114 : vector<16xf32>
      %add3A_1188 = arith.addf %scan3A_1091, %mul3A_1187 : vector<16xf32>
      %mul3A_1189 = arith.mulf %gather3A_1129, %gather3A_1129 : vector<16xf32>
      %add3A_1190 = arith.addf %scan3A_1092, %mul3A_1189 : vector<16xf32>
      scf.yield %add3A_1188, %add3A_1190 : vector<16xf32>, vector<16xf32>
    }
    %scan3A_802 = arith.constant 32 : i32
    %dma_wait3A_803 = arith.constant 2 : i32
    %dma_wait3A_804 = arith.constant 0 : i32
    %dma_wait3A_805 = arith.constant 2 : i32
    %dma_wait3A_806 = arith.constant 0 : i32
    %dma_wait3A_807 = arith.constant 2 : i32
    %dma_wait3A_808 = arith.constant 0 : i32
    %dma_wait3A_809 = arith.constant 0 : i32
    %dma_wait3A_810 = tpu.memref_slice %arg13[%dma_wait3A_805, %dma_wait3A_806, %dma_wait3A_808, %dma_wait3A_809] : memref<3x6x128x16xf32, #tpu.memory_space<vmem>> -> memref<1x1x128x16xf32, #tpu.memory_space<vmem>>
    %dma_wait3A_811 = tpu.memref_squeeze %dma_wait3A_810 : memref<1x1x128x16xf32, #tpu.memory_space<vmem>> -> memref<128x16xf32, #tpu.memory_space<vmem>>
    %dma_wait3A_812 = arith.constant 0 : i32
    %dma_wait3A_813 = tpu.memref_slice %arg12[%dma_wait3A_803, %dma_wait3A_804, %dma_wait3A_812] : memref<4x6x128xi32, #tpu.memory_space<vmem>> -> memref<1x1x128xi32, #tpu.memory_space<vmem>>
    %dma_wait3A_814 = tpu.memref_squeeze %dma_wait3A_813 : memref<1x1x128xi32, #tpu.memory_space<vmem>> -> memref<128xi32, #tpu.memory_space<vmem>>
    %dma_wait3A_815 = arith.constant 0 : i32
    %dma_wait3A_816 = arith.constant 0 : i32
    %dma_wait3A_817 = tpu.memref_slice %arg4[%dma_wait3A_815, %dma_wait3A_816] : memref<125000x16xf32, #tpu.memory_space<hbm>> -> memref<125000x16xf32, #tpu.memory_space<hbm>>
    %dma_wait3A_818 = tpu.memref_slice %arg19[%dma_wait3A_807] : memref<3x!tpu.dma_semaphore, #tpu.memory_space<semaphore_mem>> -> memref<1x!tpu.dma_semaphore, #tpu.memory_space<semaphore_mem>>
    %dma_wait3A_819 = tpu.memref_squeeze %dma_wait3A_818 : memref<1x!tpu.dma_semaphore, #tpu.memory_space<semaphore_mem>> -> memref<!tpu.dma_semaphore, #tpu.memory_space<semaphore_mem>>
    tpu.wait_indirect_dma semaphore(%dma_wait3A_819 : memref<!tpu.dma_semaphore, #tpu.memory_space<semaphore_mem>>) src(%dma_wait3A_817 : memref<125000x16xf32, #tpu.memory_space<hbm>>) dst(%dma_wait3A_811 : memref<128x16xf32, #tpu.memory_space<vmem>>)
    %dma_wait3A_820 = arith.constant 2 : i32
    %dma_wait3A_821 = arith.constant 1 : i32
    %dma_wait3A_822 = arith.constant 2 : i32
    %dma_wait3A_823 = arith.constant 1 : i32
    %dma_wait3A_824 = arith.constant 2 : i32
    %dma_wait3A_825 = arith.constant 0 : i32
    %dma_wait3A_826 = arith.constant 0 : i32
    %dma_wait3A_827 = tpu.memref_slice %arg13[%dma_wait3A_822, %dma_wait3A_823, %dma_wait3A_825, %dma_wait3A_826] : memref<3x6x128x16xf32, #tpu.memory_space<vmem>> -> memref<1x1x128x16xf32, #tpu.memory_space<vmem>>
    %dma_wait3A_828 = tpu.memref_squeeze %dma_wait3A_827 : memref<1x1x128x16xf32, #tpu.memory_space<vmem>> -> memref<128x16xf32, #tpu.memory_space<vmem>>
    %dma_wait3A_829 = arith.constant 0 : i32
    %dma_wait3A_830 = tpu.memref_slice %arg12[%dma_wait3A_820, %dma_wait3A_821, %dma_wait3A_829] : memref<4x6x128xi32, #tpu.memory_space<vmem>> -> memref<1x1x128xi32, #tpu.memory_space<vmem>>
    %dma_wait3A_831 = tpu.memref_squeeze %dma_wait3A_830 : memref<1x1x128xi32, #tpu.memory_space<vmem>> -> memref<128xi32, #tpu.memory_space<vmem>>
    %dma_wait3A_832 = arith.constant 0 : i32
    %dma_wait3A_833 = arith.constant 0 : i32
    %dma_wait3A_834 = tpu.memref_slice %arg4[%dma_wait3A_832, %dma_wait3A_833] : memref<125000x16xf32, #tpu.memory_space<hbm>> -> memref<125000x16xf32, #tpu.memory_space<hbm>>
    %dma_wait3A_835 = tpu.memref_slice %arg19[%dma_wait3A_824] : memref<3x!tpu.dma_semaphore, #tpu.memory_space<semaphore_mem>> -> memref<1x!tpu.dma_semaphore, #tpu.memory_space<semaphore_mem>>
    %dma_wait3A_836 = tpu.memref_squeeze %dma_wait3A_835 : memref<1x!tpu.dma_semaphore, #tpu.memory_space<semaphore_mem>> -> memref<!tpu.dma_semaphore, #tpu.memory_space<semaphore_mem>>
    tpu.wait_indirect_dma semaphore(%dma_wait3A_836 : memref<!tpu.dma_semaphore, #tpu.memory_space<semaphore_mem>>) src(%dma_wait3A_834 : memref<125000x16xf32, #tpu.memory_space<hbm>>) dst(%dma_wait3A_828 : memref<128x16xf32, #tpu.memory_space<vmem>>)
    %dma_wait3A_837 = arith.constant 2 : i32
    %dma_wait3A_838 = arith.constant 2 : i32
    %dma_wait3A_839 = arith.constant 2 : i32
    %dma_wait3A_840 = arith.constant 2 : i32
    %dma_wait3A_841 = arith.constant 2 : i32
    %dma_wait3A_842 = arith.constant 0 : i32
    %dma_wait3A_843 = arith.constant 0 : i32
    %dma_wait3A_844 = tpu.memref_slice %arg13[%dma_wait3A_839, %dma_wait3A_840, %dma_wait3A_842, %dma_wait3A_843] : memref<3x6x128x16xf32, #tpu.memory_space<vmem>> -> memref<1x1x128x16xf32, #tpu.memory_space<vmem>>
    %dma_wait3A_845 = tpu.memref_squeeze %dma_wait3A_844 : memref<1x1x128x16xf32, #tpu.memory_space<vmem>> -> memref<128x16xf32, #tpu.memory_space<vmem>>
    %dma_wait3A_846 = arith.constant 0 : i32
    %dma_wait3A_847 = tpu.memref_slice %arg12[%dma_wait3A_837, %dma_wait3A_838, %dma_wait3A_846] : memref<4x6x128xi32, #tpu.memory_space<vmem>> -> memref<1x1x128xi32, #tpu.memory_space<vmem>>
    %dma_wait3A_848 = tpu.memref_squeeze %dma_wait3A_847 : memref<1x1x128xi32, #tpu.memory_space<vmem>> -> memref<128xi32, #tpu.memory_space<vmem>>
    %dma_wait3A_849 = arith.constant 0 : i32
    %dma_wait3A_850 = arith.constant 0 : i32
    %dma_wait3A_851 = tpu.memref_slice %arg5[%dma_wait3A_849, %dma_wait3A_850] : memref<250000x16xf32, #tpu.memory_space<hbm>> -> memref<250000x16xf32, #tpu.memory_space<hbm>>
    %dma_wait3A_852 = tpu.memref_slice %arg19[%dma_wait3A_841] : memref<3x!tpu.dma_semaphore, #tpu.memory_space<semaphore_mem>> -> memref<1x!tpu.dma_semaphore, #tpu.memory_space<semaphore_mem>>
    %dma_wait3A_853 = tpu.memref_squeeze %dma_wait3A_852 : memref<1x!tpu.dma_semaphore, #tpu.memory_space<semaphore_mem>> -> memref<!tpu.dma_semaphore, #tpu.memory_space<semaphore_mem>>
    tpu.wait_indirect_dma semaphore(%dma_wait3A_853 : memref<!tpu.dma_semaphore, #tpu.memory_space<semaphore_mem>>) src(%dma_wait3A_851 : memref<250000x16xf32, #tpu.memory_space<hbm>>) dst(%dma_wait3A_845 : memref<128x16xf32, #tpu.memory_space<vmem>>)
    %dma_wait3A_854 = arith.constant 2 : i32
    %dma_wait3A_855 = arith.constant 3 : i32
    %dma_wait3A_856 = arith.constant 2 : i32
    %dma_wait3A_857 = arith.constant 3 : i32
    %dma_wait3A_858 = arith.constant 2 : i32
    %dma_wait3A_859 = arith.constant 0 : i32
    %dma_wait3A_860 = arith.constant 0 : i32
    %dma_wait3A_861 = tpu.memref_slice %arg13[%dma_wait3A_856, %dma_wait3A_857, %dma_wait3A_859, %dma_wait3A_860] : memref<3x6x128x16xf32, #tpu.memory_space<vmem>> -> memref<1x1x128x16xf32, #tpu.memory_space<vmem>>
    %dma_wait3A_862 = tpu.memref_squeeze %dma_wait3A_861 : memref<1x1x128x16xf32, #tpu.memory_space<vmem>> -> memref<128x16xf32, #tpu.memory_space<vmem>>
    %dma_wait3A_863 = arith.constant 0 : i32
    %dma_wait3A_864 = tpu.memref_slice %arg12[%dma_wait3A_854, %dma_wait3A_855, %dma_wait3A_863] : memref<4x6x128xi32, #tpu.memory_space<vmem>> -> memref<1x1x128xi32, #tpu.memory_space<vmem>>
    %dma_wait3A_865 = tpu.memref_squeeze %dma_wait3A_864 : memref<1x1x128xi32, #tpu.memory_space<vmem>> -> memref<128xi32, #tpu.memory_space<vmem>>
    %dma_wait3A_866 = arith.constant 0 : i32
    %dma_wait3A_867 = arith.constant 0 : i32
    %dma_wait3A_868 = tpu.memref_slice %arg5[%dma_wait3A_866, %dma_wait3A_867] : memref<250000x16xf32, #tpu.memory_space<hbm>> -> memref<250000x16xf32, #tpu.memory_space<hbm>>
    %dma_wait3A_869 = tpu.memref_slice %arg19[%dma_wait3A_858] : memref<3x!tpu.dma_semaphore, #tpu.memory_space<semaphore_mem>> -> memref<1x!tpu.dma_semaphore, #tpu.memory_space<semaphore_mem>>
    %dma_wait3A_870 = tpu.memref_squeeze %dma_wait3A_869 : memref<1x!tpu.dma_semaphore, #tpu.memory_space<semaphore_mem>> -> memref<!tpu.dma_semaphore, #tpu.memory_space<semaphore_mem>>
    tpu.wait_indirect_dma semaphore(%dma_wait3A_870 : memref<!tpu.dma_semaphore, #tpu.memory_space<semaphore_mem>>) src(%dma_wait3A_868 : memref<250000x16xf32, #tpu.memory_space<hbm>>) dst(%dma_wait3A_862 : memref<128x16xf32, #tpu.memory_space<vmem>>)
    %dma_wait3A_871 = arith.constant 2 : i32
    %dma_wait3A_872 = arith.constant 4 : i32
    %dma_wait3A_873 = arith.constant 2 : i32
    %dma_wait3A_874 = arith.constant 4 : i32
    %dma_wait3A_875 = arith.constant 2 : i32
    %dma_wait3A_876 = arith.constant 0 : i32
    %dma_wait3A_877 = arith.constant 0 : i32
    %dma_wait3A_878 = tpu.memref_slice %arg13[%dma_wait3A_873, %dma_wait3A_874, %dma_wait3A_876, %dma_wait3A_877] : memref<3x6x128x16xf32, #tpu.memory_space<vmem>> -> memref<1x1x128x16xf32, #tpu.memory_space<vmem>>
    %dma_wait3A_879 = tpu.memref_squeeze %dma_wait3A_878 : memref<1x1x128x16xf32, #tpu.memory_space<vmem>> -> memref<128x16xf32, #tpu.memory_space<vmem>>
    %dma_wait3A_880 = arith.constant 0 : i32
    %dma_wait3A_881 = tpu.memref_slice %arg12[%dma_wait3A_871, %dma_wait3A_872, %dma_wait3A_880] : memref<4x6x128xi32, #tpu.memory_space<vmem>> -> memref<1x1x128xi32, #tpu.memory_space<vmem>>
    %dma_wait3A_882 = tpu.memref_squeeze %dma_wait3A_881 : memref<1x1x128xi32, #tpu.memory_space<vmem>> -> memref<128xi32, #tpu.memory_space<vmem>>
    %dma_wait3A_883 = arith.constant 0 : i32
    %dma_wait3A_884 = arith.constant 0 : i32
    %dma_wait3A_885 = tpu.memref_slice %arg5[%dma_wait3A_883, %dma_wait3A_884] : memref<250000x16xf32, #tpu.memory_space<hbm>> -> memref<250000x16xf32, #tpu.memory_space<hbm>>
    %dma_wait3A_886 = tpu.memref_slice %arg19[%dma_wait3A_875] : memref<3x!tpu.dma_semaphore, #tpu.memory_space<semaphore_mem>> -> memref<1x!tpu.dma_semaphore, #tpu.memory_space<semaphore_mem>>
    %dma_wait3A_887 = tpu.memref_squeeze %dma_wait3A_886 : memref<1x!tpu.dma_semaphore, #tpu.memory_space<semaphore_mem>> -> memref<!tpu.dma_semaphore, #tpu.memory_space<semaphore_mem>>
    tpu.wait_indirect_dma semaphore(%dma_wait3A_887 : memref<!tpu.dma_semaphore, #tpu.memory_space<semaphore_mem>>) src(%dma_wait3A_885 : memref<250000x16xf32, #tpu.memory_space<hbm>>) dst(%dma_wait3A_879 : memref<128x16xf32, #tpu.memory_space<vmem>>)
    %dma_wait3A_888 = arith.constant 2 : i32
    %dma_wait3A_889 = arith.constant 5 : i32
    %dma_wait3A_890 = arith.constant 2 : i32
    %dma_wait3A_891 = arith.constant 5 : i32
    %dma_wait3A_892 = arith.constant 2 : i32
    %dma_wait3A_893 = arith.constant 0 : i32
    %dma_wait3A_894 = arith.constant 0 : i32
    %dma_wait3A_895 = tpu.memref_slice %arg13[%dma_wait3A_890, %dma_wait3A_891, %dma_wait3A_893, %dma_wait3A_894] : memref<3x6x128x16xf32, #tpu.memory_space<vmem>> -> memref<1x1x128x16xf32, #tpu.memory_space<vmem>>
    %dma_wait3A_896 = tpu.memref_squeeze %dma_wait3A_895 : memref<1x1x128x16xf32, #tpu.memory_space<vmem>> -> memref<128x16xf32, #tpu.memory_space<vmem>>
    %dma_wait3A_897 = arith.constant 0 : i32
    %dma_wait3A_898 = tpu.memref_slice %arg12[%dma_wait3A_888, %dma_wait3A_889, %dma_wait3A_897] : memref<4x6x128xi32, #tpu.memory_space<vmem>> -> memref<1x1x128xi32, #tpu.memory_space<vmem>>
    %dma_wait3A_899 = tpu.memref_squeeze %dma_wait3A_898 : memref<1x1x128xi32, #tpu.memory_space<vmem>> -> memref<128xi32, #tpu.memory_space<vmem>>
    %dma_wait3A_900 = arith.constant 0 : i32
    %dma_wait3A_901 = arith.constant 0 : i32
    %dma_wait3A_902 = tpu.memref_slice %arg5[%dma_wait3A_900, %dma_wait3A_901] : memref<250000x16xf32, #tpu.memory_space<hbm>> -> memref<250000x16xf32, #tpu.memory_space<hbm>>
    %dma_wait3A_903 = tpu.memref_slice %arg19[%dma_wait3A_892] : memref<3x!tpu.dma_semaphore, #tpu.memory_space<semaphore_mem>> -> memref<1x!tpu.dma_semaphore, #tpu.memory_space<semaphore_mem>>
    %dma_wait3A_904 = tpu.memref_squeeze %dma_wait3A_903 : memref<1x!tpu.dma_semaphore, #tpu.memory_space<semaphore_mem>> -> memref<!tpu.dma_semaphore, #tpu.memory_space<semaphore_mem>>
    tpu.wait_indirect_dma semaphore(%dma_wait3A_904 : memref<!tpu.dma_semaphore, #tpu.memory_space<semaphore_mem>>) src(%dma_wait3A_902 : memref<250000x16xf32, #tpu.memory_space<hbm>>) dst(%dma_wait3A_896 : memref<128x16xf32, #tpu.memory_space<vmem>>)
    %scan3A_905 = arith.constant 0 : i32
    %scan3A_906 = arith.constant 0 : i32
    %scan3A_907 = arith.constant 16 : i32
    %scan3A_908 = arith.addi %scan3A_906, %scan3A_907 : i32
    %scan3A_909 = arith.constant 1 : i32
    scf.for %scan3A_1090 = %scan3A_906 to %scan3A_908 step %scan3A_909  : i32 {
      %mul3A_1091 = arith.constant 16 : i32
      %mul3A_1092 = arith.muli %scan3A_1090, %mul3A_1091 : i32
      %add3A_1093 = vector.broadcast %mul3A_1092 : i32 to vector<16xi32>
      %add3A_1094 = arith.addi %add3A_1093, %iota3A : vector<16xi32>
      %and3A = arith.constant 127 : i32
      %and3A_1095 = vector.broadcast %and3A : i32 to vector<16xi32>
      %and3A_1096 = arith.andi %add3A_1094, %and3A_1095 : vector<16xi32>
      %shift_right_logical3A = arith.constant 7 : i32
      %shift_right_logical3A_1097 = vector.broadcast %shift_right_logical3A : i32 to vector<16xi32>
      %shift_right_logical3A_1098 = arith.shrui %add3A_1094, %shift_right_logical3A_1097 : vector<16xi32>
      %broadcast_in_dim3A_1099 = arith.constant 2 : i32
      %broadcast_in_dim3A_1100 = vector.broadcast %broadcast_in_dim3A_1099 : i32 to vector<16xi32>
      %broadcast_in_dim3A_1101 = arith.constant 2 : i32
      %broadcast_in_dim3A_1102 = vector.broadcast %broadcast_in_dim3A_1101 : i32 to vector<16xi32>
      %gather3A = tpu.vector_load_idx %arg10[%broadcast_in_dim3A_1100, %and3A_1096] : memref<4x128xi32, #tpu.memory_space<vmem>>[vector<16xi32>, vector<16xi32>], vector<16xi32>,
      %and3A_1103 = arith.constant 15 : i32
      %and3A_1104 = vector.broadcast %and3A_1103 : i32 to vector<16xi32>
      %and3A_1105 = arith.andi %gather3A, %and3A_1104 : vector<16xi32>
      %gather3A_1106 = tpu.vector_load_idx %arg13[%broadcast_in_dim3A_1102, %shift_right_logical3A_1098, %and3A_1096, %and3A_1105] : memref<3x6x128x16xf32, #tpu.memory_space<vmem>>[vector<16xi32>, vector<16xi32>, vector<16xi32>, vector<16xi32>], vector<16xf32>,
      %abs3A = math.absf %gather3A_1106 : vector<16xf32>
      %neg3A = arith.constant 0.000000e+00 : f32
      %neg3A_1107 = vector.broadcast %neg3A : f32 to vector<16xf32>
      %neg3A_1108 = arith.subf %neg3A_1107, %abs3A : vector<16xf32>
      %exp3A = math.exp %neg3A_1108 : vector<16xf32>
      %min3A = arith.constant 0.000000e+00 : f32
      %min3A_1109 = vector.broadcast %min3A : f32 to vector<16xf32>
      %min3A_1110 = arith.minimumf %gather3A_1106, %min3A_1109 : vector<16xf32>
      %broadcast_in_dim3A_1111 = arith.constant 0.0102438284 : f32
      %broadcast_in_dim3A_1112 = vector.broadcast %broadcast_in_dim3A_1111 : f32 to vector<16xf32>
      %mul3A_1113 = arith.mulf %broadcast_in_dim3A_1112, %exp3A : vector<16xf32>
      %add3A_1114 = arith.constant -0.0532674789 : f32
      %add3A_1115 = vector.broadcast %add3A_1114 : f32 to vector<16xf32>
      %add3A_1116 = arith.addf %mul3A_1113, %add3A_1115 : vector<16xf32>
      %mul3A_1117 = arith.mulf %add3A_1116, %exp3A : vector<16xf32>
      %add3A_1118 = arith.constant 0.131989658 : f32
      %add3A_1119 = vector.broadcast %add3A_1118 : f32 to vector<16xf32>
      %add3A_1120 = arith.addf %mul3A_1117, %add3A_1119 : vector<16xf32>
      %mul3A_1121 = arith.mulf %add3A_1120, %exp3A : vector<16xf32>
      %add3A_1122 = arith.constant -0.223966897 : f32
      %add3A_1123 = vector.broadcast %add3A_1122 : f32 to vector<16xf32>
      %add3A_1124 = arith.addf %mul3A_1121, %add3A_1123 : vector<16xf32>
      %mul3A_1125 = arith.mulf %add3A_1124, %exp3A : vector<16xf32>
      %add3A_1126 = arith.constant 0.327511728 : f32
      %add3A_1127 = vector.broadcast %add3A_1126 : f32 to vector<16xf32>
      %add3A_1128 = arith.addf %mul3A_1125, %add3A_1127 : vector<16xf32>
      %mul3A_1129 = arith.mulf %add3A_1128, %exp3A : vector<16xf32>
      %add3A_1130 = arith.constant -0.499333948 : f32
      %add3A_1131 = vector.broadcast %add3A_1130 : f32 to vector<16xf32>
      %add3A_1132 = arith.addf %mul3A_1129, %add3A_1131 : vector<16xf32>
      %mul3A_1133 = arith.mulf %add3A_1132, %exp3A : vector<16xf32>
      %add3A_1134 = arith.constant 0.999970257 : f32
      %add3A_1135 = vector.broadcast %add3A_1134 : f32 to vector<16xf32>
      %add3A_1136 = arith.addf %mul3A_1133, %add3A_1135 : vector<16xf32>
      %mul3A_1137 = arith.mulf %add3A_1136, %exp3A : vector<16xf32>
      %add3A_1138 = arith.constant 2.21597645E-7 : f32
      %add3A_1139 = vector.broadcast %add3A_1138 : f32 to vector<16xf32>
      %add3A_1140 = arith.addf %mul3A_1137, %add3A_1139 : vector<16xf32>
      %sub3A = arith.subf %min3A_1110, %add3A_1140 : vector<16xf32>
      %mul3A_1141 = arith.constant 16 : i32
      %mul3A_1142 = arith.muli %scan3A_1090, %mul3A_1141 : i32
      %add3A_1143 = arith.constant 512 : i32
      %add3A_1144 = arith.addi %add3A_1143, %mul3A_1142 : i32
      %multiple_of3A = tpu.assume_multiple %add3A_1144, 16 : i32
      %swap3A_1145 = arith.index_cast %multiple_of3A : i32 to index
      %swap3A_1146 = tpu.vector_load %arg15[%swap3A_1145] {strides = array<i32>} : memref<1024xf32, #tpu.memory_space<vmem>>, vector<16xf32>,
      tpu.vector_store %arg15[%swap3A_1145], %sub3A {strides = array<i32>} : memref<1024xf32, #tpu.memory_space<vmem>>, vector<16xf32>,
    }
    %scan3A_910 = arith.constant 16 : i32
    %scan3A_911 = arith.constant 0 : i32
    %scan3A_912 = arith.constant 32 : i32
    %scan3A_913 = arith.addi %scan3A_911, %scan3A_912 : i32
    %scan3A_914 = arith.constant 1 : i32
    %scan3A_915:2 = scf.for %scan3A_1090 = %scan3A_911 to %scan3A_913 step %scan3A_914 iter_args(%scan3A_1091 = %scan3A_801#0, %scan3A_1092 = %scan3A_801#1) -> (vector<16xf32>, vector<16xf32>)  : i32 {
      %mul3A_1093 = arith.constant 16 : i32
      %mul3A_1094 = arith.muli %scan3A_1090, %mul3A_1093 : i32
      %add3A_1095 = vector.broadcast %mul3A_1094 : i32 to vector<16xi32>
      %add3A_1096 = arith.addi %add3A_1095, %iota3A : vector<16xi32>
      %and3A = arith.constant 127 : i32
      %and3A_1097 = vector.broadcast %and3A : i32 to vector<16xi32>
      %and3A_1098 = arith.andi %add3A_1096, %and3A_1097 : vector<16xi32>
      %shift_right_logical3A = arith.constant 7 : i32
      %shift_right_logical3A_1099 = vector.broadcast %shift_right_logical3A : i32 to vector<16xi32>
      %shift_right_logical3A_1100 = arith.shrui %add3A_1096, %shift_right_logical3A_1099 : vector<16xi32>
      %xor3A = arith.constant 1 : i32
      %xor3A_1101 = vector.broadcast %xor3A : i32 to vector<16xi32>
      %xor3A_1102 = arith.xori %shift_right_logical3A_1100, %xor3A_1101 : vector<16xi32>
      %broadcast_in_dim3A_1103 = arith.constant 2 : i32
      %broadcast_in_dim3A_1104 = vector.broadcast %broadcast_in_dim3A_1103 : i32 to vector<16xi32>
      %broadcast_in_dim3A_1105 = arith.constant 2 : i32
      %broadcast_in_dim3A_1106 = vector.broadcast %broadcast_in_dim3A_1105 : i32 to vector<16xi32>
      %gather3A = tpu.vector_load_idx %arg10[%broadcast_in_dim3A_1104, %and3A_1098] : memref<4x128xi32, #tpu.memory_space<vmem>>[vector<16xi32>, vector<16xi32>], vector<16xi32>,
      %gather3A_1107 = tpu.vector_load_idx %arg11[%broadcast_in_dim3A_1104, %and3A_1098] : memref<4x128xi32, #tpu.memory_space<vmem>>[vector<16xi32>, vector<16xi32>], vector<16xi32>,
      %and3A_1108 = arith.constant 15 : i32
      %and3A_1109 = vector.broadcast %and3A_1108 : i32 to vector<16xi32>
      %and3A_1110 = arith.andi %gather3A, %and3A_1109 : vector<16xi32>
      %add3A_1111 = arith.constant 2 : i32
      %add3A_1112 = vector.broadcast %add3A_1111 : i32 to vector<16xi32>
      %add3A_1113 = arith.addi %add3A_1112, %shift_right_logical3A_1100 : vector<16xi32>
      %gather3A_1114 = tpu.vector_load_idx %arg13[%broadcast_in_dim3A_1106, %add3A_1113, %and3A_1098, %and3A_1110] : memref<3x6x128x16xf32, #tpu.memory_space<vmem>>[vector<16xi32>, vector<16xi32>, vector<16xi32>, vector<16xi32>], vector<16xf32>,
      %add3A_1115 = arith.constant 2 : i32
      %add3A_1116 = vector.broadcast %add3A_1115 : i32 to vector<16xi32>
      %add3A_1117 = arith.addi %add3A_1116, %xor3A_1102 : vector<16xi32>
      %gather3A_1118 = tpu.vector_load_idx %arg13[%broadcast_in_dim3A_1106, %add3A_1117, %and3A_1098, %and3A_1110] : memref<3x6x128x16xf32, #tpu.memory_space<vmem>>[vector<16xi32>, vector<16xi32>, vector<16xi32>, vector<16xi32>], vector<16xf32>,
      %mul3A_1119 = arith.constant 4 : i32
      %mul3A_1120 = vector.broadcast %mul3A_1119 : i32 to vector<16xi32>
      %mul3A_1121 = arith.muli %gather3A_1107, %mul3A_1120 : vector<16xi32>
      %add3A_1122 = arith.addi %mul3A_1121, %shift_right_logical3A_1100 : vector<16xi32>
      %shift_right_logical3A_1123 = arith.constant 4 : i32
      %shift_right_logical3A_1124 = vector.broadcast %shift_right_logical3A_1123 : i32 to vector<16xi32>
      %shift_right_logical3A_1125 = arith.shrui %add3A_1122, %shift_right_logical3A_1124 : vector<16xi32>
      %and3A_1126 = arith.constant 15 : i32
      %and3A_1127 = vector.broadcast %and3A_1126 : i32 to vector<16xi32>
      %and3A_1128 = arith.andi %add3A_1122, %and3A_1127 : vector<16xi32>
      %gather3A_1129 = tpu.vector_load_idx %arg14[%shift_right_logical3A_1125, %and3A_1128] : memref<250x16xf32, #tpu.memory_space<vmem>>[vector<16xi32>, vector<16xi32>], vector<16xf32>,
      %xor3A_1130 = arith.constant 1 : i32
      %xor3A_1131 = vector.broadcast %xor3A_1130 : i32 to vector<16xi32>
      %xor3A_1132 = arith.xori %add3A_1122, %xor3A_1131 : vector<16xi32>
      %shift_right_logical3A_1133 = arith.constant 4 : i32
      %shift_right_logical3A_1134 = vector.broadcast %shift_right_logical3A_1133 : i32 to vector<16xi32>
      %shift_right_logical3A_1135 = arith.shrui %xor3A_1132, %shift_right_logical3A_1134 : vector<16xi32>
      %and3A_1136 = arith.constant 15 : i32
      %and3A_1137 = vector.broadcast %and3A_1136 : i32 to vector<16xi32>
      %and3A_1138 = arith.andi %xor3A_1132, %and3A_1137 : vector<16xi32>
      %gather3A_1139 = tpu.vector_load_idx %arg14[%shift_right_logical3A_1135, %and3A_1138] : memref<250x16xf32, #tpu.memory_space<vmem>>[vector<16xi32>, vector<16xi32>], vector<16xf32>,
      %add3A_1140 = arith.addf %gather3A_1114, %gather3A_1129 : vector<16xf32>
      %add3A_1141 = arith.addf %gather3A_1118, %gather3A_1139 : vector<16xf32>
      %max3A = arith.maximumf %add3A_1140, %add3A_1141 : vector<16xf32>
      %sub3A = arith.subf %add3A_1140, %add3A_1141 : vector<16xf32>
      %abs3A = math.absf %sub3A : vector<16xf32>
      %neg3A = arith.constant 0.000000e+00 : f32
      %neg3A_1142 = vector.broadcast %neg3A : f32 to vector<16xf32>
      %neg3A_1143 = arith.subf %neg3A_1142, %abs3A : vector<16xf32>
      %exp3A = math.exp %neg3A_1143 : vector<16xf32>
      %mul3A_1144 = arith.constant 16 : i32
      %mul3A_1145 = arith.muli %scan3A_1090, %mul3A_1144 : i32
      %add3A_1146 = arith.constant 512 : i32
      %add3A_1147 = arith.addi %add3A_1146, %mul3A_1145 : i32
      %shift_right_logical3A_1148 = arith.constant 4 : i32
      %shift_right_logical3A_1149 = arith.shrui %scan3A_1090, %shift_right_logical3A_1148 : i32
      %mul3A_1150 = arith.constant 768 : i32
      %mul3A_1151 = arith.muli %shift_right_logical3A_1149, %mul3A_1150 : i32
      %add3A_1152 = arith.addi %add3A_1147, %mul3A_1151 : i32
      %sub3A_1153 = arith.subf %add3A_1140, %max3A : vector<16xf32>
      %broadcast_in_dim3A_1154 = arith.constant 0.0102438284 : f32
      %broadcast_in_dim3A_1155 = vector.broadcast %broadcast_in_dim3A_1154 : f32 to vector<16xf32>
      %mul3A_1156 = arith.mulf %broadcast_in_dim3A_1155, %exp3A : vector<16xf32>
      %add3A_1157 = arith.constant -0.0532674789 : f32
      %add3A_1158 = vector.broadcast %add3A_1157 : f32 to vector<16xf32>
      %add3A_1159 = arith.addf %mul3A_1156, %add3A_1158 : vector<16xf32>
      %mul3A_1160 = arith.mulf %add3A_1159, %exp3A : vector<16xf32>
      %add3A_1161 = arith.constant 0.131989658 : f32
      %add3A_1162 = vector.broadcast %add3A_1161 : f32 to vector<16xf32>
      %add3A_1163 = arith.addf %mul3A_1160, %add3A_1162 : vector<16xf32>
      %mul3A_1164 = arith.mulf %add3A_1163, %exp3A : vector<16xf32>
      %add3A_1165 = arith.constant -0.223966897 : f32
      %add3A_1166 = vector.broadcast %add3A_1165 : f32 to vector<16xf32>
      %add3A_1167 = arith.addf %mul3A_1164, %add3A_1166 : vector<16xf32>
      %mul3A_1168 = arith.mulf %add3A_1167, %exp3A : vector<16xf32>
      %add3A_1169 = arith.constant 0.327511728 : f32
      %add3A_1170 = vector.broadcast %add3A_1169 : f32 to vector<16xf32>
      %add3A_1171 = arith.addf %mul3A_1168, %add3A_1170 : vector<16xf32>
      %mul3A_1172 = arith.mulf %add3A_1171, %exp3A : vector<16xf32>
      %add3A_1173 = arith.constant -0.499333948 : f32
      %add3A_1174 = vector.broadcast %add3A_1173 : f32 to vector<16xf32>
      %add3A_1175 = arith.addf %mul3A_1172, %add3A_1174 : vector<16xf32>
      %mul3A_1176 = arith.mulf %add3A_1175, %exp3A : vector<16xf32>
      %add3A_1177 = arith.constant 0.999970257 : f32
      %add3A_1178 = vector.broadcast %add3A_1177 : f32 to vector<16xf32>
      %add3A_1179 = arith.addf %mul3A_1176, %add3A_1178 : vector<16xf32>
      %mul3A_1180 = arith.mulf %add3A_1179, %exp3A : vector<16xf32>
      %add3A_1181 = arith.constant 2.21597645E-7 : f32
      %add3A_1182 = vector.broadcast %add3A_1181 : f32 to vector<16xf32>
      %add3A_1183 = arith.addf %mul3A_1180, %add3A_1182 : vector<16xf32>
      %sub3A_1184 = arith.subf %sub3A_1153, %add3A_1183 : vector<16xf32>
      %multiple_of3A = tpu.assume_multiple %add3A_1152, 16 : i32
      %swap3A_1185 = arith.index_cast %multiple_of3A : i32 to index
      %swap3A_1186 = tpu.vector_load %arg16[%swap3A_1185] {strides = array<i32>} : memref<2048xf32, #tpu.memory_space<vmem>>, vector<16xf32>,
      tpu.vector_store %arg16[%swap3A_1185], %sub3A_1184 {strides = array<i32>} : memref<2048xf32, #tpu.memory_space<vmem>>, vector<16xf32>,
      %mul3A_1187 = arith.mulf %gather3A_1114, %gather3A_1114 : vector<16xf32>
      %add3A_1188 = arith.addf %scan3A_1091, %mul3A_1187 : vector<16xf32>
      %mul3A_1189 = arith.mulf %gather3A_1129, %gather3A_1129 : vector<16xf32>
      %add3A_1190 = arith.addf %scan3A_1092, %mul3A_1189 : vector<16xf32>
      scf.yield %add3A_1188, %add3A_1190 : vector<16xf32>, vector<16xf32>
    }
    %scan3A_916 = arith.constant 32 : i32
    %dma_wait3A_917 = arith.constant 3 : i32
    %dma_wait3A_918 = arith.constant 0 : i32
    %dma_wait3A_919 = arith.constant 0 : i32
    %dma_wait3A_920 = arith.constant 0 : i32
    %dma_wait3A_921 = arith.constant 0 : i32
    %dma_wait3A_922 = arith.constant 0 : i32
    %dma_wait3A_923 = arith.constant 0 : i32
    %dma_wait3A_924 = tpu.memref_slice %arg13[%dma_wait3A_919, %dma_wait3A_920, %dma_wait3A_922, %dma_wait3A_923] : memref<3x6x128x16xf32, #tpu.memory_space<vmem>> -> memref<1x1x128x16xf32, #tpu.memory_space<vmem>>
    %dma_wait3A_925 = tpu.memref_squeeze %dma_wait3A_924 : memref<1x1x128x16xf32, #tpu.memory_space<vmem>> -> memref<128x16xf32, #tpu.memory_space<vmem>>
    %dma_wait3A_926 = arith.constant 0 : i32
    %dma_wait3A_927 = tpu.memref_slice %arg12[%dma_wait3A_917, %dma_wait3A_918, %dma_wait3A_926] : memref<4x6x128xi32, #tpu.memory_space<vmem>> -> memref<1x1x128xi32, #tpu.memory_space<vmem>>
    %dma_wait3A_928 = tpu.memref_squeeze %dma_wait3A_927 : memref<1x1x128xi32, #tpu.memory_space<vmem>> -> memref<128xi32, #tpu.memory_space<vmem>>
    %dma_wait3A_929 = arith.constant 0 : i32
    %dma_wait3A_930 = arith.constant 0 : i32
    %dma_wait3A_931 = tpu.memref_slice %arg4[%dma_wait3A_929, %dma_wait3A_930] : memref<125000x16xf32, #tpu.memory_space<hbm>> -> memref<125000x16xf32, #tpu.memory_space<hbm>>
    %dma_wait3A_932 = tpu.memref_slice %arg19[%dma_wait3A_921] : memref<3x!tpu.dma_semaphore, #tpu.memory_space<semaphore_mem>> -> memref<1x!tpu.dma_semaphore, #tpu.memory_space<semaphore_mem>>
    %dma_wait3A_933 = tpu.memref_squeeze %dma_wait3A_932 : memref<1x!tpu.dma_semaphore, #tpu.memory_space<semaphore_mem>> -> memref<!tpu.dma_semaphore, #tpu.memory_space<semaphore_mem>>
    tpu.wait_indirect_dma semaphore(%dma_wait3A_933 : memref<!tpu.dma_semaphore, #tpu.memory_space<semaphore_mem>>) src(%dma_wait3A_931 : memref<125000x16xf32, #tpu.memory_space<hbm>>) dst(%dma_wait3A_925 : memref<128x16xf32, #tpu.memory_space<vmem>>)
    %dma_wait3A_934 = arith.constant 3 : i32
    %dma_wait3A_935 = arith.constant 1 : i32
    %dma_wait3A_936 = arith.constant 0 : i32
    %dma_wait3A_937 = arith.constant 1 : i32
    %dma_wait3A_938 = arith.constant 0 : i32
    %dma_wait3A_939 = arith.constant 0 : i32
    %dma_wait3A_940 = arith.constant 0 : i32
    %dma_wait3A_941 = tpu.memref_slice %arg13[%dma_wait3A_936, %dma_wait3A_937, %dma_wait3A_939, %dma_wait3A_940] : memref<3x6x128x16xf32, #tpu.memory_space<vmem>> -> memref<1x1x128x16xf32, #tpu.memory_space<vmem>>
    %dma_wait3A_942 = tpu.memref_squeeze %dma_wait3A_941 : memref<1x1x128x16xf32, #tpu.memory_space<vmem>> -> memref<128x16xf32, #tpu.memory_space<vmem>>
    %dma_wait3A_943 = arith.constant 0 : i32
    %dma_wait3A_944 = tpu.memref_slice %arg12[%dma_wait3A_934, %dma_wait3A_935, %dma_wait3A_943] : memref<4x6x128xi32, #tpu.memory_space<vmem>> -> memref<1x1x128xi32, #tpu.memory_space<vmem>>
    %dma_wait3A_945 = tpu.memref_squeeze %dma_wait3A_944 : memref<1x1x128xi32, #tpu.memory_space<vmem>> -> memref<128xi32, #tpu.memory_space<vmem>>
    %dma_wait3A_946 = arith.constant 0 : i32
    %dma_wait3A_947 = arith.constant 0 : i32
    %dma_wait3A_948 = tpu.memref_slice %arg4[%dma_wait3A_946, %dma_wait3A_947] : memref<125000x16xf32, #tpu.memory_space<hbm>> -> memref<125000x16xf32, #tpu.memory_space<hbm>>
    %dma_wait3A_949 = tpu.memref_slice %arg19[%dma_wait3A_938] : memref<3x!tpu.dma_semaphore, #tpu.memory_space<semaphore_mem>> -> memref<1x!tpu.dma_semaphore, #tpu.memory_space<semaphore_mem>>
    %dma_wait3A_950 = tpu.memref_squeeze %dma_wait3A_949 : memref<1x!tpu.dma_semaphore, #tpu.memory_space<semaphore_mem>> -> memref<!tpu.dma_semaphore, #tpu.memory_space<semaphore_mem>>
    tpu.wait_indirect_dma semaphore(%dma_wait3A_950 : memref<!tpu.dma_semaphore, #tpu.memory_space<semaphore_mem>>) src(%dma_wait3A_948 : memref<125000x16xf32, #tpu.memory_space<hbm>>) dst(%dma_wait3A_942 : memref<128x16xf32, #tpu.memory_space<vmem>>)
    %dma_wait3A_951 = arith.constant 3 : i32
    %dma_wait3A_952 = arith.constant 2 : i32
    %dma_wait3A_953 = arith.constant 0 : i32
    %dma_wait3A_954 = arith.constant 2 : i32
    %dma_wait3A_955 = arith.constant 0 : i32
    %dma_wait3A_956 = arith.constant 0 : i32
    %dma_wait3A_957 = arith.constant 0 : i32
    %dma_wait3A_958 = tpu.memref_slice %arg13[%dma_wait3A_953, %dma_wait3A_954, %dma_wait3A_956, %dma_wait3A_957] : memref<3x6x128x16xf32, #tpu.memory_space<vmem>> -> memref<1x1x128x16xf32, #tpu.memory_space<vmem>>
    %dma_wait3A_959 = tpu.memref_squeeze %dma_wait3A_958 : memref<1x1x128x16xf32, #tpu.memory_space<vmem>> -> memref<128x16xf32, #tpu.memory_space<vmem>>
    %dma_wait3A_960 = arith.constant 0 : i32
    %dma_wait3A_961 = tpu.memref_slice %arg12[%dma_wait3A_951, %dma_wait3A_952, %dma_wait3A_960] : memref<4x6x128xi32, #tpu.memory_space<vmem>> -> memref<1x1x128xi32, #tpu.memory_space<vmem>>
    %dma_wait3A_962 = tpu.memref_squeeze %dma_wait3A_961 : memref<1x1x128xi32, #tpu.memory_space<vmem>> -> memref<128xi32, #tpu.memory_space<vmem>>
    %dma_wait3A_963 = arith.constant 0 : i32
    %dma_wait3A_964 = arith.constant 0 : i32
    %dma_wait3A_965 = tpu.memref_slice %arg5[%dma_wait3A_963, %dma_wait3A_964] : memref<250000x16xf32, #tpu.memory_space<hbm>> -> memref<250000x16xf32, #tpu.memory_space<hbm>>
    %dma_wait3A_966 = tpu.memref_slice %arg19[%dma_wait3A_955] : memref<3x!tpu.dma_semaphore, #tpu.memory_space<semaphore_mem>> -> memref<1x!tpu.dma_semaphore, #tpu.memory_space<semaphore_mem>>
    %dma_wait3A_967 = tpu.memref_squeeze %dma_wait3A_966 : memref<1x!tpu.dma_semaphore, #tpu.memory_space<semaphore_mem>> -> memref<!tpu.dma_semaphore, #tpu.memory_space<semaphore_mem>>
    tpu.wait_indirect_dma semaphore(%dma_wait3A_967 : memref<!tpu.dma_semaphore, #tpu.memory_space<semaphore_mem>>) src(%dma_wait3A_965 : memref<250000x16xf32, #tpu.memory_space<hbm>>) dst(%dma_wait3A_959 : memref<128x16xf32, #tpu.memory_space<vmem>>)
    %dma_wait3A_968 = arith.constant 3 : i32
    %dma_wait3A_969 = arith.constant 3 : i32
    %dma_wait3A_970 = arith.constant 0 : i32
    %dma_wait3A_971 = arith.constant 3 : i32
    %dma_wait3A_972 = arith.constant 0 : i32
    %dma_wait3A_973 = arith.constant 0 : i32
    %dma_wait3A_974 = arith.constant 0 : i32
    %dma_wait3A_975 = tpu.memref_slice %arg13[%dma_wait3A_970, %dma_wait3A_971, %dma_wait3A_973, %dma_wait3A_974] : memref<3x6x128x16xf32, #tpu.memory_space<vmem>> -> memref<1x1x128x16xf32, #tpu.memory_space<vmem>>
    %dma_wait3A_976 = tpu.memref_squeeze %dma_wait3A_975 : memref<1x1x128x16xf32, #tpu.memory_space<vmem>> -> memref<128x16xf32, #tpu.memory_space<vmem>>
    %dma_wait3A_977 = arith.constant 0 : i32
    %dma_wait3A_978 = tpu.memref_slice %arg12[%dma_wait3A_968, %dma_wait3A_969, %dma_wait3A_977] : memref<4x6x128xi32, #tpu.memory_space<vmem>> -> memref<1x1x128xi32, #tpu.memory_space<vmem>>
    %dma_wait3A_979 = tpu.memref_squeeze %dma_wait3A_978 : memref<1x1x128xi32, #tpu.memory_space<vmem>> -> memref<128xi32, #tpu.memory_space<vmem>>
    %dma_wait3A_980 = arith.constant 0 : i32
    %dma_wait3A_981 = arith.constant 0 : i32
    %dma_wait3A_982 = tpu.memref_slice %arg5[%dma_wait3A_980, %dma_wait3A_981] : memref<250000x16xf32, #tpu.memory_space<hbm>> -> memref<250000x16xf32, #tpu.memory_space<hbm>>
    %dma_wait3A_983 = tpu.memref_slice %arg19[%dma_wait3A_972] : memref<3x!tpu.dma_semaphore, #tpu.memory_space<semaphore_mem>> -> memref<1x!tpu.dma_semaphore, #tpu.memory_space<semaphore_mem>>
    %dma_wait3A_984 = tpu.memref_squeeze %dma_wait3A_983 : memref<1x!tpu.dma_semaphore, #tpu.memory_space<semaphore_mem>> -> memref<!tpu.dma_semaphore, #tpu.memory_space<semaphore_mem>>
    tpu.wait_indirect_dma semaphore(%dma_wait3A_984 : memref<!tpu.dma_semaphore, #tpu.memory_space<semaphore_mem>>) src(%dma_wait3A_982 : memref<250000x16xf32, #tpu.memory_space<hbm>>) dst(%dma_wait3A_976 : memref<128x16xf32, #tpu.memory_space<vmem>>)
    %dma_wait3A_985 = arith.constant 3 : i32
    %dma_wait3A_986 = arith.constant 4 : i32
    %dma_wait3A_987 = arith.constant 0 : i32
    %dma_wait3A_988 = arith.constant 4 : i32
    %dma_wait3A_989 = arith.constant 0 : i32
    %dma_wait3A_990 = arith.constant 0 : i32
    %dma_wait3A_991 = arith.constant 0 : i32
    %dma_wait3A_992 = tpu.memref_slice %arg13[%dma_wait3A_987, %dma_wait3A_988, %dma_wait3A_990, %dma_wait3A_991] : memref<3x6x128x16xf32, #tpu.memory_space<vmem>> -> memref<1x1x128x16xf32, #tpu.memory_space<vmem>>
    %dma_wait3A_993 = tpu.memref_squeeze %dma_wait3A_992 : memref<1x1x128x16xf32, #tpu.memory_space<vmem>> -> memref<128x16xf32, #tpu.memory_space<vmem>>
    %dma_wait3A_994 = arith.constant 0 : i32
    %dma_wait3A_995 = tpu.memref_slice %arg12[%dma_wait3A_985, %dma_wait3A_986, %dma_wait3A_994] : memref<4x6x128xi32, #tpu.memory_space<vmem>> -> memref<1x1x128xi32, #tpu.memory_space<vmem>>
    %dma_wait3A_996 = tpu.memref_squeeze %dma_wait3A_995 : memref<1x1x128xi32, #tpu.memory_space<vmem>> -> memref<128xi32, #tpu.memory_space<vmem>>
    %dma_wait3A_997 = arith.constant 0 : i32
    %dma_wait3A_998 = arith.constant 0 : i32
    %dma_wait3A_999 = tpu.memref_slice %arg5[%dma_wait3A_997, %dma_wait3A_998] : memref<250000x16xf32, #tpu.memory_space<hbm>> -> memref<250000x16xf32, #tpu.memory_space<hbm>>
    %dma_wait3A_1000 = tpu.memref_slice %arg19[%dma_wait3A_989] : memref<3x!tpu.dma_semaphore, #tpu.memory_space<semaphore_mem>> -> memref<1x!tpu.dma_semaphore, #tpu.memory_space<semaphore_mem>>
    %dma_wait3A_1001 = tpu.memref_squeeze %dma_wait3A_1000 : memref<1x!tpu.dma_semaphore, #tpu.memory_space<semaphore_mem>> -> memref<!tpu.dma_semaphore, #tpu.memory_space<semaphore_mem>>
    tpu.wait_indirect_dma semaphore(%dma_wait3A_1001 : memref<!tpu.dma_semaphore, #tpu.memory_space<semaphore_mem>>) src(%dma_wait3A_999 : memref<250000x16xf32, #tpu.memory_space<hbm>>) dst(%dma_wait3A_993 : memref<128x16xf32, #tpu.memory_space<vmem>>)
    %dma_wait3A_1002 = arith.constant 3 : i32
    %dma_wait3A_1003 = arith.constant 5 : i32
    %dma_wait3A_1004 = arith.constant 0 : i32
    %dma_wait3A_1005 = arith.constant 5 : i32
    %dma_wait3A_1006 = arith.constant 0 : i32
    %dma_wait3A_1007 = arith.constant 0 : i32
    %dma_wait3A_1008 = arith.constant 0 : i32
    %dma_wait3A_1009 = tpu.memref_slice %arg13[%dma_wait3A_1004, %dma_wait3A_1005, %dma_wait3A_1007, %dma_wait3A_1008] : memref<3x6x128x16xf32, #tpu.memory_space<vmem>> -> memref<1x1x128x16xf32, #tpu.memory_space<vmem>>
    %dma_wait3A_1010 = tpu.memref_squeeze %dma_wait3A_1009 : memref<1x1x128x16xf32, #tpu.memory_space<vmem>> -> memref<128x16xf32, #tpu.memory_space<vmem>>
    %dma_wait3A_1011 = arith.constant 0 : i32
    %dma_wait3A_1012 = tpu.memref_slice %arg12[%dma_wait3A_1002, %dma_wait3A_1003, %dma_wait3A_1011] : memref<4x6x128xi32, #tpu.memory_space<vmem>> -> memref<1x1x128xi32, #tpu.memory_space<vmem>>
    %dma_wait3A_1013 = tpu.memref_squeeze %dma_wait3A_1012 : memref<1x1x128xi32, #tpu.memory_space<vmem>> -> memref<128xi32, #tpu.memory_space<vmem>>
    %dma_wait3A_1014 = arith.constant 0 : i32
    %dma_wait3A_1015 = arith.constant 0 : i32
    %dma_wait3A_1016 = tpu.memref_slice %arg5[%dma_wait3A_1014, %dma_wait3A_1015] : memref<250000x16xf32, #tpu.memory_space<hbm>> -> memref<250000x16xf32, #tpu.memory_space<hbm>>
    %dma_wait3A_1017 = tpu.memref_slice %arg19[%dma_wait3A_1006] : memref<3x!tpu.dma_semaphore, #tpu.memory_space<semaphore_mem>> -> memref<1x!tpu.dma_semaphore, #tpu.memory_space<semaphore_mem>>
    %dma_wait3A_1018 = tpu.memref_squeeze %dma_wait3A_1017 : memref<1x!tpu.dma_semaphore, #tpu.memory_space<semaphore_mem>> -> memref<!tpu.dma_semaphore, #tpu.memory_space<semaphore_mem>>
    tpu.wait_indirect_dma semaphore(%dma_wait3A_1018 : memref<!tpu.dma_semaphore, #tpu.memory_space<semaphore_mem>>) src(%dma_wait3A_1016 : memref<250000x16xf32, #tpu.memory_space<hbm>>) dst(%dma_wait3A_1010 : memref<128x16xf32, #tpu.memory_space<vmem>>)
    %scan3A_1019 = arith.constant 0 : i32
    %scan3A_1020 = arith.constant 0 : i32
    %scan3A_1021 = arith.constant 16 : i32
    %scan3A_1022 = arith.addi %scan3A_1020, %scan3A_1021 : i32
    %scan3A_1023 = arith.constant 1 : i32
    scf.for %scan3A_1090 = %scan3A_1020 to %scan3A_1022 step %scan3A_1023  : i32 {
      %mul3A_1091 = arith.constant 16 : i32
      %mul3A_1092 = arith.muli %scan3A_1090, %mul3A_1091 : i32
      %add3A_1093 = vector.broadcast %mul3A_1092 : i32 to vector<16xi32>
      %add3A_1094 = arith.addi %add3A_1093, %iota3A : vector<16xi32>
      %and3A = arith.constant 127 : i32
      %and3A_1095 = vector.broadcast %and3A : i32 to vector<16xi32>
      %and3A_1096 = arith.andi %add3A_1094, %and3A_1095 : vector<16xi32>
      %shift_right_logical3A = arith.constant 7 : i32
      %shift_right_logical3A_1097 = vector.broadcast %shift_right_logical3A : i32 to vector<16xi32>
      %shift_right_logical3A_1098 = arith.shrui %add3A_1094, %shift_right_logical3A_1097 : vector<16xi32>
      %broadcast_in_dim3A_1099 = arith.constant 3 : i32
      %broadcast_in_dim3A_1100 = vector.broadcast %broadcast_in_dim3A_1099 : i32 to vector<16xi32>
      %broadcast_in_dim3A_1101 = arith.constant 0 : i32
      %broadcast_in_dim3A_1102 = vector.broadcast %broadcast_in_dim3A_1101 : i32 to vector<16xi32>
      %gather3A = tpu.vector_load_idx %arg10[%broadcast_in_dim3A_1100, %and3A_1096] : memref<4x128xi32, #tpu.memory_space<vmem>>[vector<16xi32>, vector<16xi32>], vector<16xi32>,
      %and3A_1103 = arith.constant 15 : i32
      %and3A_1104 = vector.broadcast %and3A_1103 : i32 to vector<16xi32>
      %and3A_1105 = arith.andi %gather3A, %and3A_1104 : vector<16xi32>
      %gather3A_1106 = tpu.vector_load_idx %arg13[%broadcast_in_dim3A_1102, %shift_right_logical3A_1098, %and3A_1096, %and3A_1105] : memref<3x6x128x16xf32, #tpu.memory_space<vmem>>[vector<16xi32>, vector<16xi32>, vector<16xi32>, vector<16xi32>], vector<16xf32>,
      %abs3A = math.absf %gather3A_1106 : vector<16xf32>
      %neg3A = arith.constant 0.000000e+00 : f32
      %neg3A_1107 = vector.broadcast %neg3A : f32 to vector<16xf32>
      %neg3A_1108 = arith.subf %neg3A_1107, %abs3A : vector<16xf32>
      %exp3A = math.exp %neg3A_1108 : vector<16xf32>
      %min3A = arith.constant 0.000000e+00 : f32
      %min3A_1109 = vector.broadcast %min3A : f32 to vector<16xf32>
      %min3A_1110 = arith.minimumf %gather3A_1106, %min3A_1109 : vector<16xf32>
      %broadcast_in_dim3A_1111 = arith.constant 0.0102438284 : f32
      %broadcast_in_dim3A_1112 = vector.broadcast %broadcast_in_dim3A_1111 : f32 to vector<16xf32>
      %mul3A_1113 = arith.mulf %broadcast_in_dim3A_1112, %exp3A : vector<16xf32>
      %add3A_1114 = arith.constant -0.0532674789 : f32
      %add3A_1115 = vector.broadcast %add3A_1114 : f32 to vector<16xf32>
      %add3A_1116 = arith.addf %mul3A_1113, %add3A_1115 : vector<16xf32>
      %mul3A_1117 = arith.mulf %add3A_1116, %exp3A : vector<16xf32>
      %add3A_1118 = arith.constant 0.131989658 : f32
      %add3A_1119 = vector.broadcast %add3A_1118 : f32 to vector<16xf32>
      %add3A_1120 = arith.addf %mul3A_1117, %add3A_1119 : vector<16xf32>
      %mul3A_1121 = arith.mulf %add3A_1120, %exp3A : vector<16xf32>
      %add3A_1122 = arith.constant -0.223966897 : f32
      %add3A_1123 = vector.broadcast %add3A_1122 : f32 to vector<16xf32>
      %add3A_1124 = arith.addf %mul3A_1121, %add3A_1123 : vector<16xf32>
      %mul3A_1125 = arith.mulf %add3A_1124, %exp3A : vector<16xf32>
      %add3A_1126 = arith.constant 0.327511728 : f32
      %add3A_1127 = vector.broadcast %add3A_1126 : f32 to vector<16xf32>
      %add3A_1128 = arith.addf %mul3A_1125, %add3A_1127 : vector<16xf32>
      %mul3A_1129 = arith.mulf %add3A_1128, %exp3A : vector<16xf32>
      %add3A_1130 = arith.constant -0.499333948 : f32
      %add3A_1131 = vector.broadcast %add3A_1130 : f32 to vector<16xf32>
      %add3A_1132 = arith.addf %mul3A_1129, %add3A_1131 : vector<16xf32>
      %mul3A_1133 = arith.mulf %add3A_1132, %exp3A : vector<16xf32>
      %add3A_1134 = arith.constant 0.999970257 : f32
      %add3A_1135 = vector.broadcast %add3A_1134 : f32 to vector<16xf32>
      %add3A_1136 = arith.addf %mul3A_1133, %add3A_1135 : vector<16xf32>
      %mul3A_1137 = arith.mulf %add3A_1136, %exp3A : vector<16xf32>
      %add3A_1138 = arith.constant 2.21597645E-7 : f32
      %add3A_1139 = vector.broadcast %add3A_1138 : f32 to vector<16xf32>
      %add3A_1140 = arith.addf %mul3A_1137, %add3A_1139 : vector<16xf32>
      %sub3A = arith.subf %min3A_1110, %add3A_1140 : vector<16xf32>
      %mul3A_1141 = arith.constant 16 : i32
      %mul3A_1142 = arith.muli %scan3A_1090, %mul3A_1141 : i32
      %add3A_1143 = arith.constant 768 : i32
      %add3A_1144 = arith.addi %add3A_1143, %mul3A_1142 : i32
      %multiple_of3A = tpu.assume_multiple %add3A_1144, 16 : i32
      %swap3A_1145 = arith.index_cast %multiple_of3A : i32 to index
      %swap3A_1146 = tpu.vector_load %arg15[%swap3A_1145] {strides = array<i32>} : memref<1024xf32, #tpu.memory_space<vmem>>, vector<16xf32>,
      tpu.vector_store %arg15[%swap3A_1145], %sub3A {strides = array<i32>} : memref<1024xf32, #tpu.memory_space<vmem>>, vector<16xf32>,
    }
    %scan3A_1024 = arith.constant 16 : i32
    %scan3A_1025 = arith.constant 0 : i32
    %scan3A_1026 = arith.constant 32 : i32
    %scan3A_1027 = arith.addi %scan3A_1025, %scan3A_1026 : i32
    %scan3A_1028 = arith.constant 1 : i32
    %scan3A_1029:2 = scf.for %scan3A_1090 = %scan3A_1025 to %scan3A_1027 step %scan3A_1028 iter_args(%scan3A_1091 = %scan3A_915#0, %scan3A_1092 = %scan3A_915#1) -> (vector<16xf32>, vector<16xf32>)  : i32 {
      %mul3A_1093 = arith.constant 16 : i32
      %mul3A_1094 = arith.muli %scan3A_1090, %mul3A_1093 : i32
      %add3A_1095 = vector.broadcast %mul3A_1094 : i32 to vector<16xi32>
      %add3A_1096 = arith.addi %add3A_1095, %iota3A : vector<16xi32>
      %and3A = arith.constant 127 : i32
      %and3A_1097 = vector.broadcast %and3A : i32 to vector<16xi32>
      %and3A_1098 = arith.andi %add3A_1096, %and3A_1097 : vector<16xi32>
      %shift_right_logical3A = arith.constant 7 : i32
      %shift_right_logical3A_1099 = vector.broadcast %shift_right_logical3A : i32 to vector<16xi32>
      %shift_right_logical3A_1100 = arith.shrui %add3A_1096, %shift_right_logical3A_1099 : vector<16xi32>
      %xor3A = arith.constant 1 : i32
      %xor3A_1101 = vector.broadcast %xor3A : i32 to vector<16xi32>
      %xor3A_1102 = arith.xori %shift_right_logical3A_1100, %xor3A_1101 : vector<16xi32>
      %broadcast_in_dim3A_1103 = arith.constant 3 : i32
      %broadcast_in_dim3A_1104 = vector.broadcast %broadcast_in_dim3A_1103 : i32 to vector<16xi32>
      %broadcast_in_dim3A_1105 = arith.constant 0 : i32
      %broadcast_in_dim3A_1106 = vector.broadcast %broadcast_in_dim3A_1105 : i32 to vector<16xi32>
      %gather3A = tpu.vector_load_idx %arg10[%broadcast_in_dim3A_1104, %and3A_1098] : memref<4x128xi32, #tpu.memory_space<vmem>>[vector<16xi32>, vector<16xi32>], vector<16xi32>,
      %gather3A_1107 = tpu.vector_load_idx %arg11[%broadcast_in_dim3A_1104, %and3A_1098] : memref<4x128xi32, #tpu.memory_space<vmem>>[vector<16xi32>, vector<16xi32>], vector<16xi32>,
      %and3A_1108 = arith.constant 15 : i32
      %and3A_1109 = vector.broadcast %and3A_1108 : i32 to vector<16xi32>
      %and3A_1110 = arith.andi %gather3A, %and3A_1109 : vector<16xi32>
      %add3A_1111 = arith.constant 2 : i32
      %add3A_1112 = vector.broadcast %add3A_1111 : i32 to vector<16xi32>
      %add3A_1113 = arith.addi %add3A_1112, %shift_right_logical3A_1100 : vector<16xi32>
      %gather3A_1114 = tpu.vector_load_idx %arg13[%broadcast_in_dim3A_1106, %add3A_1113, %and3A_1098, %and3A_1110] : memref<3x6x128x16xf32, #tpu.memory_space<vmem>>[vector<16xi32>, vector<16xi32>, vector<16xi32>, vector<16xi32>], vector<16xf32>,
      %add3A_1115 = arith.constant 2 : i32
      %add3A_1116 = vector.broadcast %add3A_1115 : i32 to vector<16xi32>
      %add3A_1117 = arith.addi %add3A_1116, %xor3A_1102 : vector<16xi32>
      %gather3A_1118 = tpu.vector_load_idx %arg13[%broadcast_in_dim3A_1106, %add3A_1117, %and3A_1098, %and3A_1110] : memref<3x6x128x16xf32, #tpu.memory_space<vmem>>[vector<16xi32>, vector<16xi32>, vector<16xi32>, vector<16xi32>], vector<16xf32>,
      %mul3A_1119 = arith.constant 4 : i32
      %mul3A_1120 = vector.broadcast %mul3A_1119 : i32 to vector<16xi32>
      %mul3A_1121 = arith.muli %gather3A_1107, %mul3A_1120 : vector<16xi32>
      %add3A_1122 = arith.addi %mul3A_1121, %shift_right_logical3A_1100 : vector<16xi32>
      %shift_right_logical3A_1123 = arith.constant 4 : i32
      %shift_right_logical3A_1124 = vector.broadcast %shift_right_logical3A_1123 : i32 to vector<16xi32>
      %shift_right_logical3A_1125 = arith.shrui %add3A_1122, %shift_right_logical3A_1124 : vector<16xi32>
      %and3A_1126 = arith.constant 15 : i32
      %and3A_1127 = vector.broadcast %and3A_1126 : i32 to vector<16xi32>
      %and3A_1128 = arith.andi %add3A_1122, %and3A_1127 : vector<16xi32>
      %gather3A_1129 = tpu.vector_load_idx %arg14[%shift_right_logical3A_1125, %and3A_1128] : memref<250x16xf32, #tpu.memory_space<vmem>>[vector<16xi32>, vector<16xi32>], vector<16xf32>,
      %xor3A_1130 = arith.constant 1 : i32
      %xor3A_1131 = vector.broadcast %xor3A_1130 : i32 to vector<16xi32>
      %xor3A_1132 = arith.xori %add3A_1122, %xor3A_1131 : vector<16xi32>
      %shift_right_logical3A_1133 = arith.constant 4 : i32
      %shift_right_logical3A_1134 = vector.broadcast %shift_right_logical3A_1133 : i32 to vector<16xi32>
      %shift_right_logical3A_1135 = arith.shrui %xor3A_1132, %shift_right_logical3A_1134 : vector<16xi32>
      %and3A_1136 = arith.constant 15 : i32
      %and3A_1137 = vector.broadcast %and3A_1136 : i32 to vector<16xi32>
      %and3A_1138 = arith.andi %xor3A_1132, %and3A_1137 : vector<16xi32>
      %gather3A_1139 = tpu.vector_load_idx %arg14[%shift_right_logical3A_1135, %and3A_1138] : memref<250x16xf32, #tpu.memory_space<vmem>>[vector<16xi32>, vector<16xi32>], vector<16xf32>,
      %add3A_1140 = arith.addf %gather3A_1114, %gather3A_1129 : vector<16xf32>
      %add3A_1141 = arith.addf %gather3A_1118, %gather3A_1139 : vector<16xf32>
      %max3A = arith.maximumf %add3A_1140, %add3A_1141 : vector<16xf32>
      %sub3A = arith.subf %add3A_1140, %add3A_1141 : vector<16xf32>
      %abs3A = math.absf %sub3A : vector<16xf32>
      %neg3A = arith.constant 0.000000e+00 : f32
      %neg3A_1142 = vector.broadcast %neg3A : f32 to vector<16xf32>
      %neg3A_1143 = arith.subf %neg3A_1142, %abs3A : vector<16xf32>
      %exp3A = math.exp %neg3A_1143 : vector<16xf32>
      %mul3A_1144 = arith.constant 16 : i32
      %mul3A_1145 = arith.muli %scan3A_1090, %mul3A_1144 : i32
      %add3A_1146 = arith.constant 768 : i32
      %add3A_1147 = arith.addi %add3A_1146, %mul3A_1145 : i32
      %shift_right_logical3A_1148 = arith.constant 4 : i32
      %shift_right_logical3A_1149 = arith.shrui %scan3A_1090, %shift_right_logical3A_1148 : i32
      %mul3A_1150 = arith.constant 768 : i32
      %mul3A_1151 = arith.muli %shift_right_logical3A_1149, %mul3A_1150 : i32
      %add3A_1152 = arith.addi %add3A_1147, %mul3A_1151 : i32
      %sub3A_1153 = arith.subf %add3A_1140, %max3A : vector<16xf32>
      %broadcast_in_dim3A_1154 = arith.constant 0.0102438284 : f32
      %broadcast_in_dim3A_1155 = vector.broadcast %broadcast_in_dim3A_1154 : f32 to vector<16xf32>
      %mul3A_1156 = arith.mulf %broadcast_in_dim3A_1155, %exp3A : vector<16xf32>
      %add3A_1157 = arith.constant -0.0532674789 : f32
      %add3A_1158 = vector.broadcast %add3A_1157 : f32 to vector<16xf32>
      %add3A_1159 = arith.addf %mul3A_1156, %add3A_1158 : vector<16xf32>
      %mul3A_1160 = arith.mulf %add3A_1159, %exp3A : vector<16xf32>
      %add3A_1161 = arith.constant 0.131989658 : f32
      %add3A_1162 = vector.broadcast %add3A_1161 : f32 to vector<16xf32>
      %add3A_1163 = arith.addf %mul3A_1160, %add3A_1162 : vector<16xf32>
      %mul3A_1164 = arith.mulf %add3A_1163, %exp3A : vector<16xf32>
      %add3A_1165 = arith.constant -0.223966897 : f32
      %add3A_1166 = vector.broadcast %add3A_1165 : f32 to vector<16xf32>
      %add3A_1167 = arith.addf %mul3A_1164, %add3A_1166 : vector<16xf32>
      %mul3A_1168 = arith.mulf %add3A_1167, %exp3A : vector<16xf32>
      %add3A_1169 = arith.constant 0.327511728 : f32
      %add3A_1170 = vector.broadcast %add3A_1169 : f32 to vector<16xf32>
      %add3A_1171 = arith.addf %mul3A_1168, %add3A_1170 : vector<16xf32>
      %mul3A_1172 = arith.mulf %add3A_1171, %exp3A : vector<16xf32>
      %add3A_1173 = arith.constant -0.499333948 : f32
      %add3A_1174 = vector.broadcast %add3A_1173 : f32 to vector<16xf32>
      %add3A_1175 = arith.addf %mul3A_1172, %add3A_1174 : vector<16xf32>
      %mul3A_1176 = arith.mulf %add3A_1175, %exp3A : vector<16xf32>
      %add3A_1177 = arith.constant 0.999970257 : f32
      %add3A_1178 = vector.broadcast %add3A_1177 : f32 to vector<16xf32>
      %add3A_1179 = arith.addf %mul3A_1176, %add3A_1178 : vector<16xf32>
      %mul3A_1180 = arith.mulf %add3A_1179, %exp3A : vector<16xf32>
      %add3A_1181 = arith.constant 2.21597645E-7 : f32
      %add3A_1182 = vector.broadcast %add3A_1181 : f32 to vector<16xf32>
      %add3A_1183 = arith.addf %mul3A_1180, %add3A_1182 : vector<16xf32>
      %sub3A_1184 = arith.subf %sub3A_1153, %add3A_1183 : vector<16xf32>
      %multiple_of3A = tpu.assume_multiple %add3A_1152, 16 : i32
      %swap3A_1185 = arith.index_cast %multiple_of3A : i32 to index
      %swap3A_1186 = tpu.vector_load %arg16[%swap3A_1185] {strides = array<i32>} : memref<2048xf32, #tpu.memory_space<vmem>>, vector<16xf32>,
      tpu.vector_store %arg16[%swap3A_1185], %sub3A_1184 {strides = array<i32>} : memref<2048xf32, #tpu.memory_space<vmem>>, vector<16xf32>,
      %mul3A_1187 = arith.mulf %gather3A_1114, %gather3A_1114 : vector<16xf32>
      %add3A_1188 = arith.addf %scan3A_1091, %mul3A_1187 : vector<16xf32>
      %mul3A_1189 = arith.mulf %gather3A_1129, %gather3A_1129 : vector<16xf32>
      %add3A_1190 = arith.addf %scan3A_1092, %mul3A_1189 : vector<16xf32>
      scf.yield %add3A_1188, %add3A_1190 : vector<16xf32>, vector<16xf32>
    }
    %scan3A_1030 = arith.constant 32 : i32
    %mul3A_1031 = arith.constant 1024 : i32
    %mul3A_1032 = arith.muli %add3A, %mul3A_1031 : i32
    %dma_start3A_1033 = tpu.memref_slice %arg7[%mul3A_1032] : memref<32768xf32, #tpu.memory_space<hbm>> -> memref<1024xf32, #tpu.memory_space<hbm>>
    %dma_start3A_1034 = tpu.memref_slice %arg7[%mul3A_1032] : memref<32768xf32, #tpu.memory_space<hbm>> -> memref<1024xf32, #tpu.memory_space<hbm>>
    tpu.enqueue_dma source(%arg15 : memref<1024xf32, #tpu.memory_space<vmem>>) target(%dma_start3A_1034 : memref<1024xf32, #tpu.memory_space<hbm>>) target_semaphore(%arg20 : memref<!tpu.dma_semaphore, #tpu.memory_space<semaphore_mem>>)
    %mul3A_1035 = arith.constant 1024 : i32
    %mul3A_1036 = arith.muli %add3A, %mul3A_1035 : i32
    %dma_start3A_1037 = arith.constant 0 : i32
    %dma_start3A_1038 = tpu.memref_slice %arg16[%dma_start3A_1037] : memref<2048xf32, #tpu.memory_space<vmem>> -> memref<1024xf32, #tpu.memory_space<vmem>>
    %dma_start3A_1039 = tpu.memref_slice %arg8[%mul3A_1036] : memref<65536xf32, #tpu.memory_space<hbm>> -> memref<1024xf32, #tpu.memory_space<hbm>>
    %dma_start3A_1040 = tpu.memref_slice %arg8[%mul3A_1036] : memref<65536xf32, #tpu.memory_space<hbm>> -> memref<1024xf32, #tpu.memory_space<hbm>>
    %dma_start3A_1041 = arith.constant 0 : i32
    %dma_start3A_1042 = tpu.memref_slice %arg16[%dma_start3A_1041] : memref<2048xf32, #tpu.memory_space<vmem>> -> memref<1024xf32, #tpu.memory_space<vmem>>
    tpu.enqueue_dma source(%dma_start3A_1042 : memref<1024xf32, #tpu.memory_space<vmem>>) target(%dma_start3A_1040 : memref<1024xf32, #tpu.memory_space<hbm>>) target_semaphore(%arg20 : memref<!tpu.dma_semaphore, #tpu.memory_space<semaphore_mem>>)
    %mul3A_1043 = arith.constant 1024 : i32
    %mul3A_1044 = arith.muli %add3A, %mul3A_1043 : i32
    %add3A_1045 = arith.constant 32768 : i32
    %add3A_1046 = arith.addi %add3A_1045, %mul3A_1044 : i32
    %dma_start3A_1047 = arith.constant 1024 : i32
    %dma_start3A_1048 = tpu.memref_slice %arg16[%dma_start3A_1047] : memref<2048xf32, #tpu.memory_space<vmem>> -> memref<1024xf32, #tpu.memory_space<vmem>>
    %dma_start3A_1049 = tpu.memref_slice %arg8[%add3A_1046] : memref<65536xf32, #tpu.memory_space<hbm>> -> memref<1024xf32, #tpu.memory_space<hbm>>
    %dma_start3A_1050 = tpu.memref_slice %arg8[%add3A_1046] : memref<65536xf32, #tpu.memory_space<hbm>> -> memref<1024xf32, #tpu.memory_space<hbm>>
    %dma_start3A_1051 = arith.constant 1024 : i32
    %dma_start3A_1052 = tpu.memref_slice %arg16[%dma_start3A_1051] : memref<2048xf32, #tpu.memory_space<vmem>> -> memref<1024xf32, #tpu.memory_space<vmem>>
    tpu.enqueue_dma source(%dma_start3A_1052 : memref<1024xf32, #tpu.memory_space<vmem>>) target(%dma_start3A_1050 : memref<1024xf32, #tpu.memory_space<hbm>>) target_semaphore(%arg20 : memref<!tpu.dma_semaphore, #tpu.memory_space<semaphore_mem>>)
    %reduce_sum3A = arith.constant true
    %reduce_sum3A_1053 = vector.broadcast %reduce_sum3A : i1 to vector<16xi1>
    %reduce_sum3A_1054 = tpu.scan <sum>, %scan3A_1029#0 masked %reduce_sum3A_1053 : vector<16xf32>, vector<16xi1> -> vector<16xf32>
    %reduce_sum3A_1055 = vector.extract %reduce_sum3A_1054[15] : f32 from vector<16xf32>
    %mul3A_1056 = arith.constant 2.000000e+02 : f32
    %mul3A_1057 = arith.mulf %reduce_sum3A_1055, %mul3A_1056 : f32
    %reduce_sum3A_1058 = arith.constant true
    %reduce_sum3A_1059 = vector.broadcast %reduce_sum3A_1058 : i1 to vector<16xi1>
    %reduce_sum3A_1060 = tpu.scan <sum>, %scan3A_1029#1 masked %reduce_sum3A_1059 : vector<16xf32>, vector<16xi1> -> vector<16xf32>
    %reduce_sum3A_1061 = vector.extract %reduce_sum3A_1060[15] : f32 from vector<16xf32>
    %mul3A_1062 = arith.constant 2.000000e+00 : f32
    %mul3A_1063 = arith.mulf %reduce_sum3A_1061, %mul3A_1062 : f32
    %eq3A = arith.constant 0 : i32
    %eq3A_1064 = vector.broadcast %eq3A : i32 to vector<16xi32>
    %eq3A_1065 = arith.cmpi eq, %iota3A, %eq3A_1064 : vector<16xi32>
    %eq3A_1066 = arith.constant 1 : i32
    %eq3A_1067 = vector.broadcast %eq3A_1066 : i32 to vector<16xi32>
    %eq3A_1068 = arith.cmpi eq, %iota3A, %eq3A_1067 : vector<16xi32>
    %jit3A = arith.constant 0.000000e+00 : f32
    %broadcast_in_dim3A_1069 = vector.broadcast %mul3A_1063 : f32 to vector<16xf32>
    %broadcast_in_dim3A_1070 = vector.broadcast %jit3A : f32 to vector<16xf32>
    %select_n3A = arith.select %eq3A_1068, %broadcast_in_dim3A_1069, %broadcast_in_dim3A_1070 : vector<16xi1>, vector<16xf32>
    %broadcast_in_dim3A_1071 = vector.broadcast %mul3A_1057 : f32 to vector<16xf32>
    %select_n3A_1072 = arith.select %eq3A_1065, %broadcast_in_dim3A_1071, %select_n3A : vector<16xi1>, vector<16xf32>
    %swap3A = arith.constant 0 : index
    %swap3A_1073 = tpu.vector_load %arg17[%swap3A] {strides = array<i32>} : memref<16xf32, #tpu.memory_space<vmem>>, vector<16xf32>,
    tpu.vector_store %arg17[%swap3A], %select_n3A_1072 {strides = array<i32>} : memref<16xf32, #tpu.memory_space<vmem>>, vector<16xf32>,
    %mul3A_1074 = arith.constant 16 : i32
    %mul3A_1075 = arith.muli %add3A, %mul3A_1074 : i32
    "tpu.region"() ({
      %run_scoped3A = tpu.sem_alloc : memref<!tpu.dma_semaphore, #tpu.memory_space<semaphore_mem>>
      %dma_start3A_1090 = tpu.memref_slice %arg9[%mul3A_1075] : memref<512xf32, #tpu.memory_space<hbm>> -> memref<16xf32, #tpu.memory_space<hbm>>
      %dma_start3A_1091 = tpu.memref_slice %arg9[%mul3A_1075] : memref<512xf32, #tpu.memory_space<hbm>> -> memref<16xf32, #tpu.memory_space<hbm>>
      tpu.enqueue_dma source(%arg17 : memref<16xf32, #tpu.memory_space<vmem>>) target(%dma_start3A_1091 : memref<16xf32, #tpu.memory_space<hbm>>) target_semaphore(%run_scoped3A : memref<!tpu.dma_semaphore, #tpu.memory_space<semaphore_mem>>)
      %dma_wait3A_1092 = tpu.memref_slice %arg9[%mul3A_1075] : memref<512xf32, #tpu.memory_space<hbm>> -> memref<16xf32, #tpu.memory_space<hbm>>
      %dma_wait3A_1093 = tpu.memref_slice %arg9[%mul3A_1075] : memref<512xf32, #tpu.memory_space<hbm>> -> memref<16xf32, #tpu.memory_space<hbm>>
      tpu.wait_dma2 semaphore(%run_scoped3A : memref<!tpu.dma_semaphore, #tpu.memory_space<semaphore_mem>>) src(%arg17 : memref<16xf32, #tpu.memory_space<vmem>>) dst(%dma_wait3A_1093 : memref<16xf32, #tpu.memory_space<hbm>>)
      tpu.yield
    }) : () -> ()
    %dma_wait3A_1076 = tpu.memref_slice %arg7[%mul3A_1032] : memref<32768xf32, #tpu.memory_space<hbm>> -> memref<1024xf32, #tpu.memory_space<hbm>>
    %dma_wait3A_1077 = tpu.memref_slice %arg7[%mul3A_1032] : memref<32768xf32, #tpu.memory_space<hbm>> -> memref<1024xf32, #tpu.memory_space<hbm>>
    tpu.wait_dma2 semaphore(%arg20 : memref<!tpu.dma_semaphore, #tpu.memory_space<semaphore_mem>>) src(%arg15 : memref<1024xf32, #tpu.memory_space<vmem>>) dst(%dma_wait3A_1077 : memref<1024xf32, #tpu.memory_space<hbm>>)
    %dma_wait3A_1078 = arith.constant 0 : i32
    %dma_wait3A_1079 = tpu.memref_slice %arg16[%dma_wait3A_1078] : memref<2048xf32, #tpu.memory_space<vmem>> -> memref<1024xf32, #tpu.memory_space<vmem>>
    %dma_wait3A_1080 = tpu.memref_slice %arg8[%mul3A_1036] : memref<65536xf32, #tpu.memory_space<hbm>> -> memref<1024xf32, #tpu.memory_space<hbm>>
    %dma_wait3A_1081 = tpu.memref_slice %arg8[%mul3A_1036] : memref<65536xf32, #tpu.memory_space<hbm>> -> memref<1024xf32, #tpu.memory_space<hbm>>
    %dma_wait3A_1082 = arith.constant 0 : i32
    %dma_wait3A_1083 = tpu.memref_slice %arg16[%dma_wait3A_1082] : memref<2048xf32, #tpu.memory_space<vmem>> -> memref<1024xf32, #tpu.memory_space<vmem>>
    tpu.wait_dma2 semaphore(%arg20 : memref<!tpu.dma_semaphore, #tpu.memory_space<semaphore_mem>>) src(%dma_wait3A_1083 : memref<1024xf32, #tpu.memory_space<vmem>>) dst(%dma_wait3A_1081 : memref<1024xf32, #tpu.memory_space<hbm>>)
    %dma_wait3A_1084 = arith.constant 1024 : i32
    %dma_wait3A_1085 = tpu.memref_slice %arg16[%dma_wait3A_1084] : memref<2048xf32, #tpu.memory_space<vmem>> -> memref<1024xf32, #tpu.memory_space<vmem>>
    %dma_wait3A_1086 = tpu.memref_slice %arg8[%add3A_1046] : memref<65536xf32, #tpu.memory_space<hbm>> -> memref<1024xf32, #tpu.memory_space<hbm>>
    %dma_wait3A_1087 = tpu.memref_slice %arg8[%add3A_1046] : memref<65536xf32, #tpu.memory_space<hbm>> -> memref<1024xf32, #tpu.memory_space<hbm>>
    %dma_wait3A_1088 = arith.constant 1024 : i32
    %dma_wait3A_1089 = tpu.memref_slice %arg16[%dma_wait3A_1088] : memref<2048xf32, #tpu.memory_space<vmem>> -> memref<1024xf32, #tpu.memory_space<vmem>>
    tpu.wait_dma2 semaphore(%arg20 : memref<!tpu.dma_semaphore, #tpu.memory_space<semaphore_mem>>) src(%dma_wait3A_1089 : memref<1024xf32, #tpu.memory_space<vmem>>) dst(%dma_wait3A_1087 : memref<1024xf32, #tpu.memory_space<hbm>>)
    return
  }
}

</mosaic_0001>

<sc_bundles>
// kernel: kernel.3.cloned.1.call-start
scs
__scs_entry_jumppad:
0x0: {  	(pc) =	sbr.rel $0x88, $3  }
0x1: {  	(tag) =	ssettag $0x0;
	lr =	simm.s32 $0x1  }
0x2: {  	[smem:$0x3F9C] =	sst lr;
	_ =	strace $0xD0000000  }
0x3: {  	_ = 	snop  }
0x4: {  	_ = 	snop  }
0x5: {  	_ = 	snop  }
0x6: {  	_ = 	snop  }
0x7: {  	_ = 	snop  }
__scs_overlays_trampoline_lowered:
0x8: {  	[smem:$0x3FAB] =	sst s0  }
0x9: {  	[smem:$0x3FAC] =	sst s1  }
0xa: {  	[smem:$0x3FAD] =	sst s2  }
0xb: {  	[smem:$0x3FAE] =	sst s3  }
0xc: {  	[smem:$0x3FAF] =	sst s4  }
0xd: {  	[smem:$0x3FB0] =	sst s5  }
0xe: {  	[smem:$0x3FB1] =	sst s6  }
0xf: {  	[smem:$0x3FB2] =	sst s7  }
0x10: {  	[smem:$0x3FB3] =	sst s8  }
0x11: {  	[smem:$0x3FB4] =	sst s9;
	s0 =	simm.s32 @!p0 $0x0  }
0x12: {  	s1 =	sld [smem:$0x3F9A];
	s0 =	simm.s32 @p0 $0x1  }
0x13: {  	[smem:$0x3FB5] =	sst s0;
	s0 =	simm.s32 @!p1 $0x0  }
0x14: {  	s2 =	sld [smem:$0x3F99];
	s0 =	simm.s32 @p1 $0x1  }
0x15: {  	[smem:$0x3FB6] =	sst s0;
	s0 =	simm.s32 @!p2 $0x0  }
0x16: {  	s3 =	sld [smem:$0x3FDB];
	s0 =	simm.s32 @p2 $0x1  }
0x17: {  	s4 =	simm.s32 $0x1BF5;
	[smem:$0x3FB8] =	sst s0  }
0x18: {  	s0 =	sld [smem:$0x3F9B];
	_ =	swait.ge [sflag:s4], $0x0  }
0x19: {  	s7 =	sld [smem:$0x3F9C]  }
0x1a: {  	s8 =	sadd.s32 $0xFFFFE003, lr  }
0x1b: {  	s9 =	sadd.s32 $0xFFFFFEF7, lr;
	s5 =	simm.s32 $0xFFFFFFFF;
	p2 =	slt.u32 s8, $0xFFFFF086  }
0x1c: {  	p1 =	slt.u32 s9, $0xF7A;
	s5 =	simm.s32 @!p2 $0x0  }
0x1d: {  	s5 =	simm.s32 @p1 $0x1;
	p0 =	seq.s32 s7, s2  }
0x1e: {  	s7 =	smul.u32 @!p0 $0xF7A, s2;
	p2 =	seq.s32 @!p0 s5, $0x0  }
0x1f: {  	s9 =	smul.u32 $0xF7A, s1;
	s8 =	simm.s32 @!p0 $0x1BF5;
	p2 =	por !p2, p0  }
0x20: {  	[sflag:s8] =	ssyncset.s32 @!p0 $0xFFFFF086;
	s6 =	sadd.s32 @!p0 s3, s7;
	s7 =	simm.s32 @!p0 $0x108  }
0x21: {  	s3 =	sadd.s32 s3, s9;
	s6 =	sadd.s32 @!p0 $0x88, s6;
	s7 =	simm.s32 @p2 $0x1082  }
0x22: {  	[simem:s7], [sflag:s8] =	dma.local @!p0 [hbm:s6], $0xF7A  }
0x23: {  	s9 =	sor.u32 $0xD0000000, s2;
	s6 =	simm.s32 $0x108;
	_ =	swait.ge @!p0 [sflag:s8], $0x0  }
0x24: {  	s3 =	sadd.s32 $0x88, s3;
	s6 =	simm.s32 @!p1 $0x1082;
	[sflag:s4] =	ssyncset.s32 $0xFFFFF086  }
0x25: {  	[simem:s6], [sflag:s4] =	dma.local [hbm:s3], $0xF7A  }
0x26: {  	[smem:$0x3F9C] =	sst s1;
	(tag) =	ssettag s2;
	_ =	strace s9  }
0x27: {  	s1 =	sld [smem:$0x3FAC]  }
0x28: {  	s2 =	sld [smem:$0x3FAD]  }
0x29: {  	s4 =	sld [smem:$0x3FAF]  }
0x2a: {  	p0 =	seq.s32 s5, $0x0;
	s5 =	sld [smem:$0x3FB0]  }
0x2b: {  	s6 =	sld [smem:$0x3FB1]  }
0x2c: {  	s7 =	sld [smem:$0x3FB2]  }
0x2d: {  	s3 =	simm.s32 $0x108;
	s8 =	sld [smem:$0x3FB3]  }
0x2e: {  	s3 =	simm.s32 @!p0 $0x1082;
	s9 =	sld [smem:$0x3FB4]  }
0x2f: {  	lr =	sadd.s32 s0, s3;
	s0 =	sld [smem:$0x3FAB]  }
0x30: {  	s3 =	sld [smem:$0x3FAE]  }
0x31: {  	[smem:$0x3FB7] =	sst s10  }
0x32: {  	s10 =	sld [smem:$0x3FB5];
	_ =	sdelay $0x3  }
0x33: {  	p0 =	seq.s32 s10, $0x1;
	s10 =	sld [smem:$0x3FB7];
	_ =	sdelay $0x3  }
0x34: {  	[smem:$0x3FB7] =	sst s10  }
0x35: {  	s10 =	sld [smem:$0x3FB6];
	_ =	sdelay $0x3  }
0x36: {  	p1 =	seq.s32 s10, $0x1;
	s10 =	sld [smem:$0x3FB7];
	_ =	sdelay $0x3  }
0x37: {  	[smem:$0x3FB7] =	sst s10  }
0x38: {  	s10 =	sld [smem:$0x3FB8]  }
0x39: {  	_ = 	snop;
	(pc) =	sbr.ind lr, $3  }
0x3a: {  	_ = 	snop  }
0x3b: {  	_ = 	snop  }
0x3c: {  	p2 =	seq.s32 s10, $0x1;
	s10 =	sld [smem:$0x3FB7]  }
0x3d: {  	_ =	shalt  }
0x3e: {  	_ =	shalt  }
0x3f: {  	_ =	shalt  }
0x40: {  	_ =	shalt  }
0x41: {  	_ =	shalt  }
0x42: {  	_ =	shalt  }
0x43: {  	_ =	shalt  }
0x44: {  	_ =	shalt  }
0x45: {  	_ =	shalt  }
0x46: {  	_ =	shalt  }
0x47: {  	_ =	shalt  }
0x48: {  	_ =	shalt  }
0x49: {  	_ =	shalt  }
0x4a: {  	_ =	shalt  }
0x4b: {  	_ =	shalt  }
0x4c: {  	_ =	shalt  }
0x4d: {  	_ =	shalt  }
0x4e: {  	_ =	shalt  }
0x4f: {  	_ =	shalt  }
0x50: {  	_ =	shalt  }
0x51: {  	_ =	shalt  }
0x52: {  	_ =	shalt  }
0x53: {  	_ =	shalt  }
0x54: {  	_ =	shalt  }
0x55: {  	_ =	shalt  }
0x56: {  	_ =	shalt  }
0x57: {  	_ =	shalt  }
0x58: {  	_ =	shalt  }
0x59: {  	_ =	shalt  }
0x5a: {  	_ =	shalt  }
0x5b: {  	_ =	shalt  }
0x5c: {  	_ =	shalt  }
0x5d: {  	_ =	shalt  }
0x5e: {  	_ =	shalt  }
0x5f: {  	_ =	shalt  }
0x60: {  	_ =	shalt  }
0x61: {  	_ =	shalt  }
0x62: {  	_ =	shalt  }
0x63: {  	_ =	shalt  }
0x64: {  	_ =	shalt  }
0x65: {  	_ =	shalt  }
0x66: {  	_ =	shalt  }
0x67: {  	_ =	shalt  }
0x68: {  	_ =	shalt  }
0x69: {  	_ =	shalt  }
0x6a: {  	_ =	shalt  }
0x6b: {  	_ =	shalt  }
0x6c: {  	_ =	shalt  }
0x6d: {  	_ =	shalt  }
0x6e: {  	_ =	shalt  }
0x6f: {  	_ =	shalt  }
0x70: {  	_ =	shalt  }
0x71: {  	_ =	shalt  }
0x72: {  	_ =	shalt  }
0x73: {  	_ =	shalt  }
0x74: {  	_ =	shalt  }
0x75: {  	_ =	shalt  }
0x76: {  	_ =	shalt  }
0x77: {  	_ =	shalt  }
0x78: {  	_ =	shalt  }
0x79: {  	_ =	shalt  }
0x7a: {  	_ =	shalt  }
0x7b: {  	_ =	shalt  }
0x7c: {  	_ =	shalt  }
0x7d: {  	_ =	shalt  }
0x7e: {  	_ =	shalt  }
0x7f: {  	_ =	shalt  }
0x80: {  	_ =	shalt  }
0x81: {  	_ =	shalt  }
0x82: {  	_ =	shalt  }
0x83: {  	_ =	shalt  }
0x84: {  	_ =	shalt  }
0x85: {  	_ =	shalt  }
0x86: {  	_ =	shalt  }
0x87: {  	_ =	shalt  }
.Lfunc_end0:
.L_simem_size_0:
called_computation_lowered:
.L_overlay_start_0:
0x88: {  	s2 =	sld [smem:$0x3FD9]  }
0x89: {  	s3 =	sld [smem:$0x3FFE];
	_ =	sdelay $0x1  }
0x8a: {  	s1 =	srdreg.scid  }
0x8b: {  	s0 =	sand.u32 $0x1, s1  }
0x8c: {  	s14 =	sshll.u32 s0, $0xA;
	s2 =	sadd.s32 s3, s2  }
0x8d: {  	s2 =	sadd.s32 s2, s14  }
0x8e: {  	[smem:$0x3FC3] =	sst s2  }
0x8f: {  	_ = 	snop  }
0x90: {  	s2 =	sld [smem:$0x3FD0];
	_ =	sdelay $0x1  }
0x91: {  	s15 =	sld [smem:$0x3FC9]  }
0x92: {  	s5 =	simm.s32 $0xA;
	s6 =	simm.s32 $0x10;
	s4 =	sld [smem:$0x3FC8]  }
0x93: {  	[smem:s6], [sflag:s5] =	dma.local [hbm:s2], $0x1  }
0x94: {  	_ =	swait.eq [sflag:s5], $0x1  }
0x95: {  	[sflag:s5] =	ssyncset.done $0x0  }
0x96: {  	s16 =	sld [smem:$0x10];
	[sflag:s5] =	ssyncadd.s32 $0xFFFFFFFF  }
0x97: {  	s17 =	sld [smem:$0x11];
	(tm) =	ssettm $0x1  }
0x98: {  	s18 =	sld [smem:$0x3FFB];
	_ =	sdelay $0x3  }
0x99: {  	_ =	strace s18  }
0x9a: {  	s6 =	sld [smem:$0x3FFC];
	_ =	sdelay $0x3  }
0x9b: {  	_ =	strace s6  }
0x9c: {  	s6 =	sld [smem:$0x3FFD];
	_ =	sdelay $0x3  }
0x9d: {  	_ =	strace s6  }
0x9e: {  	_ =	strace $0x8FFFFFFF  }
0x9f: {  	s19 =	sld [smem:$0x3FDB];
	_ =	sdelay $0x1  }
0xa0: {  	s7 =	simm.s32 $_scs_section_size  }
0xa1: {  	s8 =	simm.s32 $_size__tile_overlayer_lowered;
	s9 =	simm.s32 $_tile_overlayer_lowered  }
0xa2: {  	s22 =	simm.s32 $0x1BFF;
	s21 =	sshll.u32 s9, $0x1;
	s6 =	sadd.s32 s7, s19  }
0xa3: {  	s10 =	simm.s32 $0x0;
	s20 =	sshll.u32 s8, $0x1;
	s8 =	sadd.s32 s21, s6  }
0xa4: {  	[timem:s10], [sflag:s22] =	dma.local [hbm:s8], s20  }
0xa5: {  	_ =	swait.ge [sflag:s22], s20  }
0xa6: {  	s7 =	ssub.s32 $0x0, s20;
	[sflag:s22] =	ssyncset.done $0x0  }
0xa7: {  	[sflag:s22] =	ssyncadd.s32 s7;
	_ =	sdelay $0x1  }
0xa8: {  	s23 =	simm.s32 $0x1B8B  }
0xa9: {  	_ =	swait.ge [sflag:s23], $0x1  }
0xaa: {  	[sflag:s23] =	ssyncset.done $0x0  }
0xab: {  	s25 =	simm.s32 $0x1B8E;
	s24 =	sld [smem:$0x3FFE];
	[sflag:s23] =	ssyncadd.s32 $0xFFFFFFFF  }
0xac: {  	s26 =	simm.s32 $execute0_lowered;
	[smem:$0x3FD2] =	sst s25  }
0xad: {  	s8 =	sshll.u32 s26, $0x1;
	_ =	strace $0x80000046;
	[dreg:$0x1] =	wrdreg $0xFFFFFFFF  }
0xae: {  	s28 =	simm.s32 $_size_execute0_lowered;
	s6 =	sadd.s32 s6, s8;
	[dreg:$0x0] =	wrdreg $0x0  }
0xaf: {  	s8 =	sshll.u32 s28, $0x1;
	[dreg:$0x2] =	wrdreg s6  }
0xb0: {  	[dreg:$0x3] =	wrdreg s8  }
0xb1: {  	[dreg:$0x4] =	wrdreg $0xC0  }
0xb2: {  	_ =	task [dreg:s10], $0x5FFFF  }
0xb3: {  	[dreg:$0x1] =	wrdreg $0xFFFFFFFF  }
0xb4: {  	[dreg:$0x0] =	wrdreg $0x60  }
0xb5: {  	[dreg:$0x2] =	wrdreg s15  }
0xb6: {  	[dreg:$0x3] =	wrdreg s4  }
0xb7: {  	[dreg:$0x4] =	wrdreg s24  }
0xb8: {  	[dreg:$0x5] =	wrdreg s16  }
0xb9: {  	[dreg:$0x6] =	wrdreg s17  }
0xba: {  	[dreg:$0x7] =	wrdreg $0x9  }
0xbb: {  	_ =	task.clear_ibuf [dreg:s10], $0x8FFFF;
	_ =	strace $0x90000046  }
0xbc: {  	s29 =	simm.s32 $0x9;
	_ =	strace $0x80000048  }
0xbd: {  	_ =	swait.ge [sflag:s29], $0x1  }
0xbe: {  	[sflag:s29] =	ssyncadd.s32 $0xFFFFFFFF  }
0xbf: {  	_ =	strace $0x90000048  }
0xc0: {  	_ =	sfence  }
0xc1: {  	s30 =	sld [smem:$0x0];
	_ =	sdelay $0x2  }
0xc2: {  	s31 =	sshll.u32 s1, $0xD;
	s1 =	sshrl.u32 s1, $0x2  }
0xc3: {  	s3 =	sand.u32 $0x4000, s31;
	s1 =	sadd.s32 s1, s30  }
0xc4: {  	s0 =	sor.u32 s3, s0;
	s1 =	sshll.u32 s1, $0x11  }
0xc5: {  	s0 =	sor.u32 s1, s0  }
0xc6: {  	s0 =	sadd.s32 $0x8F2B, s0  }
0xc7: {  	[sflag:s0] =	ssyncadd.remote.s32 $0x1  }
0xc8: {  	_ =	sfence.sel $0xFFFF  }
0xc9: {  	[dreg:$0x0] =	wrdreg $0xFFFFFFFF;
	(pc) =	sbr.abs _section_cstart, $3  }
0xca: {  	[dreg:$0x1] =	wrdreg $0xFFFFFFFF  }
0xcb: {  	_ =	task.clear_ibuf [dreg:s10], $0x2FFFF;
	_ =	strace $0x9FFFFFFF  }
0xcc: {  	(tm) =	ssettm $0x7FFFFFFF  }
0xcd: {  	_ =	shalt  }
tec
execute0_lowered:
.L_overlay_start_1:
0x0: {  	(tag) =	ssettag $0x1  }
0x1: {  	s0 =	rddreg [dreg:$0x0]  }
0x2: {  	s2 =	rddreg [dreg:$0x1]  }
0x3: {  	s5 =	rddreg [dreg:$0x2]  }
0x4: {  	s6 =	rddreg [dreg:$0x3]  }
0x5: {  	s7 =	rddreg [dreg:$0x4];
	s1 =	simm.s32 $0x0;
	s3 =	srdreg.scid  }
0x6: {  	s10 =	stileid.u32;
	s19 =	simm.s32 $0xA000;
	s28 =	simm.s32 $0x1  }
0x7: {  	s29 =	simm.s32 $0x400;
	s30 =	simm.s32 $0x1000;
	s31 =	simm.s32 $0x4  }
0x8: {  	[smem:$0x7FF] =	sst s1;
	s8 =	sand.u32 $0x1, s3;
	s3 =	sadd.s32 $0x400, s5  }
0x9: {  	s4 =	sadd.s32 $0x3D600, s5;
	s20 =	sadd.s32 $0x200, s5;
	_ =	strace $0x80000047  }
0xa: {  	s9 =	sshll.u32 s8, $0x4;
	s8 =	ssub.s32 $0x2, s8;
	[dreg:$0x6] =	wrdreg s20  }
0xb: {  	s20 =	simm.s32 $0x200;
	s9 =	sor.u32 s10, s9;
	s11 =	sshrl.u32 s8, $0x1  }
0xc: {  	s21 =	sshll.u32 s9, $0x1;
	s8 =	ssub.s32 s8, s11;
	s22 =	sshll.u32 s9, $0x6  }
0xd: {  	s9 =	sshll.u32 s9, $0x7;
	s5 =	sadd.s32 s21, s5;
	s23 =	sadd.s32 s0, s22  }
0xe: {  	s24 =	sadd.s32 s2, s22;
	s25 =	sor.u32 $0x10, s22;
	s26 =	sor.u32 $0x20, s22  }
0xf: {  	s14 =	sor.u32 $0x30, s22;
	s13 =	sadd.s32 s7, s9;
	s15 =	sadd.s32 s6, s9  }
0x10: {  	s18 =	smax.u32 s8, $0x1;
	s21 =	simm.s32 $0x80;
	[dreg:$0x7] =	wrdreg s23  }
0x11: {  	s6 =	simm.s32 $0x5;
	[dreg:$0x8] =	wrdreg s24;
	s12 =	sadd.s32 s0, s25  }
0x12: {  	s10 =	sadd.s32 s2, s25;
	s11 =	sadd.s32 s2, s26;
	s16 =	sadd.s32 $0x1000, s13  }
0x13: {  	v0 =	vlaneseq.u32;
	vm0 =	vcmask $0x300;
	vm1 =	vcmask $0x704;
	s17 =	sadd.s32 $0xB7800, s5;
	s23 =	simm.s32 $0x2;
	[dreg:$0x9] =	wrdreg s12  }
0x14: {  	v2 =	vshrl.u32 v0, $0x3;
	v1 =	vand.u32 $0x7, v0;
	v8 =	vor.u32 $0x78, v0;
	s25 =	simm.s32 $0x3;
	s5 =	simm.s32 $0x6;
	[dreg:$0xa] =	wrdreg s10  }
0x15: {  	v2 =	vmul.u32 $0x8, v2;
	v3 =	vor.u32 $0x80, v1;
	v4 =	vor.u32 $0x100, v1;
	s10 =	sadd.s32 s0, s26;
	s12 =	sadd.s32 s0, s14;
	s14 =	sadd.s32 s2, s14  }
0x16: {  	v5 =	vor.u32 $0x180, v1;
	v6 =	vor.u32 $0x200, v1;
	v7 =	vor.u32 $0x280, v1;
	s26 =	simm.s32 $0x3000;
	s2 =	simm.s32 $0x3800;
	s0 =	simm.s32 $0x0  }
.LBB2_1:
0x17: {  	s7 =	rddreg [dreg:$0x6]  }
0x18: {  	[tilespmem:s19], [sflag:$0x1] =	stream.linear.gather [hbm4b:s7+s1], $0xFA0, $0x38;
	[tilespmem:$0xBBB0] =	vst v63  }
0x19: {  	s8 =	rddreg [dreg:$0x7]  }
0x1a: {  	[tilespmem:s1], [sflag:$0x1] =	stream.linear.gather [hbm4b:s8+s1], $0x80, $0x38;
	[tilespmem:$0xBBB0] =	vst v63  }
0x1b: {  	s9 =	rddreg [dreg:$0x8]  }
0x1c: {  	[tilespmem:s20], [sflag:$0x1] =	stream.linear.gather [hbm4b:s9+s1], $0x80, $0x38;
	[tilespmem:$0xBBB0] =	vst v63  }
0x1d: {  	s22 =	rddreg [dreg:$0x9]  }
0x1e: {  	[tilespmem:s21], [sflag:$0x1] =	stream.linear.gather [hbm4b:s22+s1], $0x80, $0x38;
	[tilespmem:$0xBBB0] =	vst v63  }
0x1f: {  	s24 =	rddreg [dreg:$0xa];
	s8 =	simm.s32 $0x280  }
0x20: {  	[tilespmem:s8], [sflag:$0x1] =	stream.linear.gather [hbm4b:s24+s1], $0x80, $0x38;
	[tilespmem:$0xBBB0] =	vst v63  }
0x21: {  	s9 =	simm.s32 $0x100  }
0x22: {  	[tilespmem:s9], [sflag:$0x1] =	stream.linear.gather [hbm4b:s10+s1], $0x80, $0x38;
	[tilespmem:$0xBBB0] =	vst v63  }
0x23: {  	s22 =	simm.s32 $0x300  }
0x24: {  	[tilespmem:s22], [sflag:$0x1] =	stream.linear.gather [hbm4b:s11+s1], $0x80, $0x38;
	[tilespmem:$0xBBB0] =	vst v63  }
0x25: {  	s24 =	simm.s32 $0x180  }
0x26: {  	[tilespmem:s24], [sflag:$0x1] =	stream.linear.gather [hbm4b:s12+s1], $0x80, $0x38;
	[tilespmem:$0xBBB0] =	vst v63  }
0x27: {  	s8 =	simm.s32 $0x380  }
0x28: {  	[tilespmem:s8], [sflag:$0x1] =	stream.linear.gather [hbm4b:s14+s1], $0x80, $0x38;
	[tilespmem:$0xBBB0] =	vst v63  }
0x29: {  	_ =	swait.ge [sflag:s28], $0xFA0  }
0x2a: {  	[sflag:s28] =	ssyncset.done $0x0  }
0x2b: {  	[sflag:s28] =	ssyncadd.s32 $0xFFFFF060  }
0x2c: {  	_ =	swait.ge [sflag:s28], $0x80  }
0x2d: {  	[sflag:s28] =	ssyncset.done $0x0  }
0x2e: {  	[sflag:s28] =	ssyncadd.s32 $0xFFFFFF80  }
0x2f: {  	_ =	swait.ge [sflag:s28], $0x80  }
0x30: {  	[sflag:s28] =	ssyncset.done $0x0  }
0x31: {  	[sflag:s28] =	ssyncadd.s32 $0xFFFFFF80  }
0x32: {  	_ =	swait.ge [sflag:s28], $0x80  }
0x33: {  	[sflag:s28] =	ssyncset.done $0x0  }
0x34: {  	[sflag:s28] =	ssyncadd.s32 $0xFFFFFF80  }
0x35: {  	_ =	swait.ge [sflag:s28], $0x80  }
0x36: {  	[sflag:s28] =	ssyncset.done $0x0  }
0x37: {  	[sflag:s28] =	ssyncadd.s32 $0xFFFFFF80  }
0x38: {  	_ =	swait.ge [sflag:s28], $0x80  }
0x39: {  	[sflag:s28] =	ssyncset.done $0x0  }
0x3a: {  	[sflag:s28] =	ssyncadd.s32 $0xFFFFFF80  }
0x3b: {  	s9 =	simm.s32 $0x0;
	_ =	swait.ge [sflag:s28], $0x80  }
0x3c: {  	v9 =	vmov s9;
	s22 =	sand.u32 $0x70, s1;
	[sflag:s28] =	ssyncset.done $0x0  }
0x3d: {  	v11 =	vshll.u32 v9, $0x7;
	v10 =	vor.u32 s22, v2;
	[sflag:s28] =	ssyncadd.s32 $0xFFFFFF80  }
0x3e: {  	v11 =	vor.u32 v11, v10;
	_ =	swait.ge [sflag:s28], $0x80  }
0x3f: {  	v11 =	vor.u32 v1, v11;
	[sflag:s28] =	ssyncset.done $0x0  }
0x40: {  	[sflag:s28] =	ssyncadd.s32 $0xFFFFFF80  }
0x41: {  	_ =	swait.ge [sflag:s28], $0x80  }
0x42: {  	v9 =	vmul.u32 $0x300, v9;
	[sflag:s28] =	ssyncset.done $0x0  }
0x43: {  	[sflag:s28] =	ssyncadd.s32 $0xFFFFFF80  }
0x44: {  	v12 =	vor.u32 s22, v9;
	v11 =	vld.idx.msk [tilespmem:v11+s1+$0x0], $0xffff  }
0x45: {  	v9 =	vor.u32 v9, v10;
	v10 =	vor.u32 v0, v12  }
0x46: {  	s7 =	simm.s32 $0x10;
	v12 =	vor.u32 v3, v9  }
0x47: {  	s9 =	sand.u32 $0x70, s7  }
0x48: {  	v17 =	vor.u32 s9, v2;
	s24 =	simm.s32 $0x0;
	v13 =	vadd.s32 v4, v9  }
0x49: {  	v14 =	vadd.s32 v5, v9;
	v16 =	vshrl.u32 v11, $0x4;
	v11 =	vmov s24  }
0x4a: {  	v15 =	vadd.s32 v6, v9;
	[tilespmem:v10+s29+$0x0] =	vst.idx.msk $0xffff, v16;
	v10 =	vadd.s32 $0xF424, v16;
	v18 =	vshll.u32 v11, $0x7  }
0x4b: {  	v9 =	vadd.s32 v7, v9;
	[tilespmem:v12+s29+$0x0] =	vst.idx.msk $0xffff, v10;
	v12 =	vor.u32 v18, v17  }
0x4c: {  	v63 =	vmul.u32 $0x300, v11;
	v11 =	vor.u32 v1, v12  }
0x4d: {  	[tilespmem:v13+s29+$0x0] =	vst.idx.msk $0xffff, v16  }
0x4e: {  	v13 =	vadd.s32 $0x1E848, v16;
	[tilespmem:v14+s29+$0x0] =	vst.idx.msk $0xffff, v10  }
0x4f: {  	s8 =	simm.s32 $0x2;
	v12 =	vor.u32 s9, v63;
	v10 =	vor.u32 v63, v17;
	[tilespmem:v15+s29+$0x0] =	vst.idx.msk $0xffff, v13;
	v13 =	vadd.s32 $0x2DC6C, v16  }
.LBB2_2:
0x50: {  	p0 =	sne.s32 s8, $0x1F;
	[tilespmem:v9+s29+$0x0] =	vst.idx.msk $0xffff, v13;
	s9 =	smov.u32 s8;
	s8 =	sadd.s32 $0x1, s8  }
0x51: {  	v11 =	vld.idx.msk [tilespmem:v11+s1+$0x0], $0xffff;
	_ =	sdelay $0x1  }
0x52: {  	v12 =	vor.u32 v0, v12  }
0x53: {  	v13 =	vor.u32 v3, v10  }
0x54: {  	v14 =	vadd.s32 v4, v10;
	v9 =	vadd.s32 v7, v10;
	s7 =	sadd.s32 $0x10, s7;
	s9 =	sshrl.u32 s9, $0x3  }
0x55: {  	v16 =	vadd.s32 v5, v10;
	v17 =	vadd.s32 v6, v10;
	v15 =	vmov s9;
	s9 =	sand.u32 $0x70, s7  }
0x56: {  	v10 =	vor.u32 s9, v2;
	v18 =	vshll.u32 v15, $0x7;
	v19 =	vshrl.u32 v11, $0x4  }
.Ltmp0:
0x57: {  	v15 =	vmul.u32 $0x300, v15;
	v11 =	vor.u32 v18, v10;
	v18 =	vadd.s32 $0xF424, v19;
	[tilespmem:v12+s29+$0x0] =	vst.idx.msk $0xffff, v19;
	(pc) =	sbr.rel @p0 .LBB2_2-.Ltmp0, $4  }
0x58: {  	v11 =	vor.u32 v1, v11;
	[tilespmem:v13+s29+$0x0] =	vst.idx.msk $0xffff, v18  }
0x59: {  	v10 =	vor.u32 v15, v10;
	v12 =	vor.u32 s9, v15;
	[tilespmem:v14+s29+$0x0] =	vst.idx.msk $0xffff, v19  }
0x5a: {  	v13 =	vadd.s32 $0x1E848, v19;
	[tilespmem:v16+s29+$0x0] =	vst.idx.msk $0xffff, v18  }
0x5b: {  	[tilespmem:v17+s29+$0x0] =	vst.idx.msk $0xffff, v13;
	v13 =	vadd.s32 $0x2DC6C, v19  }
0x5c: {  	_ =	sdelay $0x3  }
0x5d: {  	[tilespmem:v9+s29+$0x0] =	vst.idx.msk $0xffff, v13  }
0x5e: {  	v9 =	vld.idx.msk [tilespmem:v11+s1+$0x0], $0xffff  }
0x5f: {  	v11 =	vor.u32 v0, v12  }
0x60: {  	v62 =	vor.u32 v3, v10  }
0x61: {  	v63 =	vadd.s32 v4, v10  }
0x62: {  	v14 =	vadd.s32 v5, v10  }
0x63: {  	v15 =	vadd.s32 v6, v10;
	v9 =	vshrl.u32 v9, $0x4  }
0x64: {  	v10 =	vadd.s32 v7, v10;
	[tilespmem:v11+s29+$0x0] =	vst.idx.msk $0xffff, v9;
	v11 =	vadd.s32 $0xF424, v9  }
0x65: {  	[tilespmem:v62+s29+$0x0] =	vst.idx.msk $0xffff, v11  }
0x66: {  	[tilespmem:v63+s29+$0x0] =	vst.idx.msk $0xffff, v9  }
0x67: {  	[tilespmem:v14+s29+$0x0] =	vst.idx.msk $0xffff, v11;
	v11 =	vadd.s32 $0x1E848, v9  }
0x68: {  	v9 =	vadd.s32 $0x2DC6C, v9;
	[tilespmem:v15+s29+$0x0] =	vst.idx.msk $0xffff, v11  }
0x69: {  	[tilespmem:v10+s29+$0x0] =	vst.idx.msk $0xffff, v9  }
0x6a: {  	[tilespmem:s30], [sflag:$0x2] =	stream.indirect.gather [hbm4b:s3+s21], $0x10, s29, s21, $0xb8;
	[tilespmem:$0xBBB0] =	vst v63  }
0x6b: {  	s7 =	simm.s32 $0x480;
	s8 =	simm.s32 $0x1800  }
0x6c: {  	[tilespmem:s8], [sflag:$0x2] =	stream.indirect.gather [hbm4b:s3+s21], $0x10, s7, s21, $0xb8;
	[tilespmem:$0xBBB0] =	vst v63  }
0x6d: {  	s22 =	simm.s32 $0x500;
	s24 =	simm.s32 $0x2000  }
0x6e: {  	[tilespmem:s24], [sflag:$0x2] =	stream.indirect.gather [hbm4b:s4+s21], $0x10, s22, s21, $0xb8;
	[tilespmem:$0xBBB0] =	vst v63  }
0x6f: {  	s9 =	simm.s32 $0x2800;
	s8 =	simm.s32 $0x580  }
0x70: {  	[tilespmem:s9], [sflag:$0x2] =	stream.indirect.gather [hbm4b:s4+s21], $0x10, s8, s21, $0xb8;
	[tilespmem:$0xBBB0] =	vst v63  }
0x71: {  	s22 =	simm.s32 $0x600  }
0x72: {  	[tilespmem:s26], [sflag:$0x2] =	stream.indirect.gather [hbm4b:s4+s21], $0x10, s22, s21, $0xb8;
	[tilespmem:$0xBBB0] =	vst v63  }
0x73: {  	s24 =	simm.s32 $0x680  }
0x74: {  	[tilespmem:s2], [sflag:$0x2] =	stream.indirect.gather [hbm4b:s4+s21], $0x10, s24, s21, $0xb8;
	[tilespmem:$0xBBB0] =	vst v63  }
0x75: {  	s8 =	simm.s32 $0x700;
	s9 =	simm.s32 $0x4000  }
0x76: {  	[tilespmem:s9], [sflag:$0x3] =	stream.indirect.gather [hbm4b:s3+s21], $0x10, s8, s21, $0xb8;
	[tilespmem:$0xBBB0] =	vst v63  }
0x77: {  	s22 =	simm.s32 $0x780;
	s24 =	simm.s32 $0x4800  }
0x78: {  	[tilespmem:s24], [sflag:$0x3] =	stream.indirect.gather [hbm4b:s3+s21], $0x10, s22, s21, $0xb8;
	[tilespmem:$0xBBB0] =	vst v63  }
0x79: {  	s8 =	simm.s32 $0x800;
	s9 =	simm.s32 $0x5000  }
0x7a: {  	[tilespmem:s9], [sflag:$0x3] =	stream.indirect.gather [hbm4b:s4+s21], $0x10, s8, s21, $0xb8;
	[tilespmem:$0xBBB0] =	vst v63  }
0x7b: {  	s22 =	simm.s32 $0x880;
	s24 =	simm.s32 $0x5800  }
0x7c: {  	[tilespmem:s24], [sflag:$0x3] =	stream.indirect.gather [hbm4b:s4+s21], $0x10, s22, s21, $0xb8;
	[tilespmem:$0xBBB0] =	vst v63  }
0x7d: {  	s8 =	simm.s32 $0x900;
	s9 =	simm.s32 $0x6000  }
0x7e: {  	[tilespmem:s9], [sflag:$0x3] =	stream.indirect.gather [hbm4b:s4+s21], $0x10, s8, s21, $0xb8;
	[tilespmem:$0xBBB0] =	vst v63  }
0x7f: {  	s22 =	simm.s32 $0x980;
	s24 =	simm.s32 $0x6800  }
0x80: {  	[tilespmem:s24], [sflag:$0x3] =	stream.indirect.gather [hbm4b:s4+s21], $0x10, s22, s21, $0xb8;
	[tilespmem:$0xBBB0] =	vst v63  }
0x81: {  	s8 =	simm.s32 $0xA00;
	s9 =	simm.s32 $0x7000  }
0x82: {  	[tilespmem:s9], [sflag:$0x4] =	stream.indirect.gather [hbm4b:s3+s21], $0x10, s8, s21, $0xb8;
	[tilespmem:$0xBBB0] =	vst v63  }
0x83: {  	s22 =	simm.s32 $0xA80;
	s24 =	simm.s32 $0x7800  }
0x84: {  	[tilespmem:s24], [sflag:$0x4] =	stream.indirect.gather [hbm4b:s3+s21], $0x10, s22, s21, $0xb8;
	[tilespmem:$0xBBB0] =	vst v63  }
0x85: {  	s8 =	simm.s32 $0xB00;
	s9 =	simm.s32 $0x8000  }
0x86: {  	[tilespmem:s9], [sflag:$0x4] =	stream.indirect.gather [hbm4b:s4+s21], $0x10, s8, s21, $0xb8;
	[tilespmem:$0xBBB0] =	vst v63  }
0x87: {  	s22 =	simm.s32 $0xB80;
	s24 =	simm.s32 $0x8800  }
0x88: {  	[tilespmem:s24], [sflag:$0x4] =	stream.indirect.gather [hbm4b:s4+s21], $0x10, s22, s21, $0xb8;
	[tilespmem:$0xBBB0] =	vst v63  }
0x89: {  	s8 =	simm.s32 $0xC00;
	s9 =	simm.s32 $0x9000  }
0x8a: {  	[tilespmem:s9], [sflag:$0x4] =	stream.indirect.gather [hbm4b:s4+s21], $0x10, s8, s21, $0xb8;
	[tilespmem:$0xBBB0] =	vst v63  }
0x8b: {  	s22 =	simm.s32 $0xC80;
	s24 =	simm.s32 $0x9800  }
0x8c: {  	[tilespmem:s24], [sflag:$0x4] =	stream.indirect.gather [hbm4b:s4+s21], $0x10, s22, s21, $0xb8;
	[tilespmem:$0xBBB0] =	vst v63  }
0x8d: {  	_ =	swait.ge [sflag:s23], $0x800  }
0x8e: {  	[sflag:s23] =	ssyncset.done $0x0  }
0x8f: {  	[sflag:s23] =	ssyncadd.s32 $0xFFFFF800  }
0x90: {  	_ =	swait.ge [sflag:s23], $0x800  }
0x91: {  	[sflag:s23] =	ssyncset.done $0x0  }
0x92: {  	[sflag:s23] =	ssyncadd.s32 $0xFFFFF800  }
0x93: {  	_ =	swait.ge [sflag:s23], $0x800  }
0x94: {  	[sflag:s23] =	ssyncset.done $0x0  }
0x95: {  	[sflag:s23] =	ssyncadd.s32 $0xFFFFF800  }
0x96: {  	_ =	swait.ge [sflag:s23], $0x800  }
0x97: {  	[sflag:s23] =	ssyncset.done $0x0  }
0x98: {  	[sflag:s23] =	ssyncadd.s32 $0xFFFFF800  }
0x99: {  	_ =	swait.ge [sflag:s23], $0x800  }
0x9a: {  	[sflag:s23] =	ssyncset.done $0x0  }
0x9b: {  	[sflag:s23] =	ssyncadd.s32 $0xFFFFF800  }
0x9c: {  	_ =	swait.ge [sflag:s23], $0x800  }
0x9d: {  	s7 =	simm.s32 $0x0;
	[sflag:s23] =	ssyncset.done $0x0  }
0x9e: {  	s8 =	simm.s32 $0xAFA0;
	s9 =	simm.s32 $0x0;
	[sflag:s23] =	ssyncadd.s32 $0xFFFFF800  }
.LBB2_4:
0x9f: {  	v9 =	vor.u32 s9, v0  }
0xa0: {  	v10 =	vand.u32 v8, v9;
	_ =	sdelay $0x4  }
0xa1: {  	v10 =	vld.idx.msk [tilespmem:v10+s7+$0x0], $0xffff;
	_ =	sdelay $0x1  }
0xa2: {  	v11 =	vmov s9  }
0xa3: {  	v11 =	vshll.u32 v11, $0x4;
	v9 =	vshll.u32 v9, $0x4  }
0xa4: {  	v11 =	vand.u32 $0x800, v11;
	v9 =	vand.u32 $0x7F0, v9  }
0xa5: {  	v9 =	vor.u32 v11, v9;
	v10 =	vand.u32 $0xF, v10  }
0xa6: {  	v9 =	vor.u32 v10, v9;
	_ =	sdelay $0x4  }
0xa7: {  	v9 =	vld.idx.msk [tilespmem:v9+s30+$0x0], $0xffff;
	_ =	sdelay $0x4  }
0xa8: {  	v10 =	vand.u32 $0x7FFFFFFF, v9  }
0xa9: {  	v10 =	vsub.f32 $0.0e+00, v10;
	_ =	sdelay $0x1  }
0xaa: {  	v10 =	vmul.f32 $1.442695020e+00, v10;
	_ =	sdelay $0x1  }
0xab: {  	(erf) = vpow2.f32 v10;
	_ =	sdelay $0x8  }
0xac: {  	v10 =	vpop (erf)  }
0xad: {  	v11 =	vmul.f32 $1.024382840e-02, v10;
	_ =	sdelay $0x1  }
0xae: {  	v11 =	vadd.f32 $-5.326747890e-02, v11;
	_ =	sdelay $0x1  }
0xaf: {  	v11 =	vmul.f32 v11, v10;
	_ =	sdelay $0x1  }
0xb0: {  	v11 =	vadd.f32 $1.319896580e-01, v11;
	_ =	sdelay $0x1  }
0xb1: {  	v11 =	vmul.f32 v11, v10;
	_ =	sdelay $0x1  }
0xb2: {  	v11 =	vadd.f32 $-2.239668970e-01, v11;
	_ =	sdelay $0x1  }
0xb3: {  	v11 =	vmul.f32 v11, v10;
	_ =	sdelay $0x1  }
0xb4: {  	v11 =	vadd.f32 $3.275117280e-01, v11;
	_ =	sdelay $0x1  }
0xb5: {  	v11 =	vmul.f32 v11, v10;
	_ =	sdelay $0x1  }
0xb6: {  	v11 =	vadd.f32 $-4.993339480e-01, v11;
	_ =	sdelay $0x1  }
0xb7: {  	v11 =	vmul.f32 v11, v10;
	_ =	sdelay $0x1  }
0xb8: {  	v11 =	vadd.f32 $9.999702570e-01, v11;
	_ =	sdelay $0x1  }
0xb9: {  	v10 =	vmul.f32 v11, v10  }
0xba: {  	p0 =	sne.s32 s9, $0xF0  }
.Ltmp1:
0xbb: {  	v10 =	vadd.f32 $2.215976450e-07, v10;
	(pc) =	sbr.rel @p0 .LBB2_4-.Ltmp1, $3  }
0xbc: {  	v9 =	vmin.f32 v9, $0.0e+00  }
0xbd: {  	v9 =	vsub.f32 v9, v10;
	_ =	sdelay $0x1  }
0xbe: {  	s9 =	sadd.s32 $0x10, s9;
	[tilespmem:s8+$0x0] =	vst v9;
	s8 =	sadd.s32 $0x10, s8  }
0xbf: {  	v9 =	vor.u32 s7, v0  }
0xc0: {  	v10 =	vand.u32 v8, v9;
	_ =	sdelay $0x4  }
0xc1: {  	v11 =	vld.idx.msk [tilespmem:v10+s20+$0x0], $0xffff  }
0xc2: {  	v10 =	vld.idx.msk [tilespmem:v10+s1+$0x0], $0xffff  }
0xc3: {  	v12 =	vmov s7  }
0xc4: {  	v12 =	vshrl.u32 v12, $0x7;
	v9 =	vshll.u32 v9, $0x4  }
0xc5: {  	v13 =	vshll.u32 v12, $0xB;
	v9 =	vand.u32 $0x7F0, v9  }
0xc6: {  	v14 =	vor.u32 v9, v13;
	v13 =	vxor.u32 $0x800, v13  }
0xc7: {  	v9 =	vor.u32 v9, v13;
	v15 =	vand.u32 $0x8, v10;
	v11 =	vshll.u32 v11, $0x2  }
0xc8: {  	v10 =	vand.u32 $0x7, v10;
	v13 =	vor.u32 v15, v14;
	v11 =	vadd.s32 v12, v11  }
0xc9: {  	v9 =	vor.u32 v15, v9;
	v12 =	vor.u32 v10, v13;
	v13 =	vxor.u32 $0x1, v11  }
0xca: {  	v9 =	vor.u32 v10, v9;
	v12 =	vadd.s32 $0x1000, v12  }
0xcb: {  	v9 =	vadd.s32 $0x1000, v9;
	_ =	sdelay $0x1  }
0xcc: {  	v10 =	vld.idx.msk [tilespmem:v11+s19+$0x0], $0xffff  }
0xcd: {  	v11 =	vld.idx.msk [tilespmem:v13+s19+$0x0], $0xffff  }
0xce: {  	v12 =	vld.idx.msk [tilespmem:v12+s30+$0x0], $0xffff  }
0xcf: {  	v9 =	vld.idx.msk [tilespmem:v9+s30+$0x0], $0xffff;
	_ =	sdelay $0x4  }
0xd0: {  	v13 =	vadd.f32 v10, v12;
	v9 =	vadd.f32 v11, v9;
	_ =	sdelay $0x1  }
0xd1: {  	v11 =	vsub.f32 v13, v9;
	_ =	sdelay $0x1  }
0xd2: {  	v11 =	vand.u32 $0x7FFFFFFF, v11  }
0xd3: {  	v11 =	vsub.f32 $0.0e+00, v11;
	_ =	sdelay $0x1  }
0xd4: {  	v11 =	vmul.f32 $1.442695020e+00, v11;
	_ =	sdelay $0x1  }
0xd5: {  	(erf) = vpow2.f32 v11;
	_ =	sdelay $0x8  }
0xd6: {  	v11 =	vpop (erf)  }
0xd7: {  	v14 =	vmul.f32 $1.024382840e-02, v11;
	_ =	sdelay $0x1  }
0xd8: {  	v14 =	vadd.f32 $-5.326747890e-02, v14;
	_ =	sdelay $0x1  }
0xd9: {  	v14 =	vmul.f32 v14, v11;
	_ =	sdelay $0x1  }
0xda: {  	v14 =	vadd.f32 $1.319896580e-01, v14;
	_ =	sdelay $0x1  }
0xdb: {  	v14 =	vmul.f32 v14, v11;
	_ =	sdelay $0x1  }
0xdc: {  	v14 =	vadd.f32 $-2.239668970e-01, v14;
	_ =	sdelay $0x1  }
0xdd: {  	v14 =	vmul.f32 v14, v11;
	_ =	sdelay $0x1  }
0xde: {  	v14 =	vadd.f32 $3.275117280e-01, v14;
	_ =	sdelay $0x1  }
0xdf: {  	v14 =	vmul.f32 v14, v11;
	_ =	sdelay $0x1  }
0xe0: {  	v14 =	vadd.f32 $-4.993339480e-01, v14;
	_ =	sdelay $0x1  }
0xe1: {  	v14 =	vmul.f32 v14, v11;
	_ =	sdelay $0x1  }
0xe2: {  	v14 =	vadd.f32 $9.999702570e-01, v14;
	_ =	sdelay $0x1  }
0xe3: {  	s24 =	simm.s32 $0x10;
	v11 =	vmul.f32 v14, v11  }
0xe4: {  	s8 =	simm.s32 $0x0;
	v9 =	vmax.f32 v13, v9;
	v14 =	vor.u32 s24, v0  }
0xe5: {  	s8 =	smul.u32 $0xC00, s8;
	v9 =	vsub.f32 v13, v9;
	v15 =	vand.u32 v8, v14;
	v11 =	vadd.f32 $2.215976450e-07, v11;
	_ =	sdelay $0x1  }
0xe6: {  	s8 =	sshra.s32 s8, $0x2;
	v9 =	vsub.f32 v9, v11  }
0xe7: {  	s8 =	sadd.s32 $0xB3A0, s8  }
0xe8: {  	[tilespmem:s8+$0x0] =	vst v9  }
0xe9: {  	v9 =	vld.idx.msk [tilespmem:v15+s20+$0x0], $0xffff  }
0xea: {  	v11 =	vld.idx.msk [tilespmem:v15+s1+$0x0], $0xffff  }
0xeb: {  	v13 =	vmov s24  }
0xec: {  	v13 =	vshrl.u32 v13, $0x7;
	v14 =	vshll.u32 v14, $0x4  }
0xed: {  	v14 =	vand.u32 $0x7F0, v14;
	v15 =	vshll.u32 v13, $0xB  }
0xee: {  	v16 =	vor.u32 v14, v15;
	v15 =	vxor.u32 $0x800, v15  }
0xef: {  	v14 =	vor.u32 v14, v15;
	v17 =	vand.u32 $0x8, v11;
	v9 =	vshll.u32 v9, $0x2  }
0xf0: {  	v11 =	vand.u32 $0x7, v11;
	v15 =	vor.u32 v17, v16;
	v9 =	vadd.s32 v13, v9  }
0xf1: {  	v14 =	vor.u32 v17, v14;
	v13 =	vor.u32 v11, v15;
	v15 =	vxor.u32 $0x1, v9  }
0xf2: {  	v11 =	vor.u32 v11, v14;
	v13 =	vadd.s32 $0x1000, v13  }
0xf3: {  	v11 =	vadd.s32 $0x1000, v11;
	_ =	sdelay $0x1  }
0xf4: {  	v9 =	vld.idx.msk [tilespmem:v9+s19+$0x0], $0xffff  }
0xf5: {  	v14 =	vld.idx.msk [tilespmem:v15+s19+$0x0], $0xffff  }
0xf6: {  	v13 =	vld.idx.msk [tilespmem:v13+s30+$0x0], $0xffff  }
0xf7: {  	v11 =	vld.idx.msk [tilespmem:v11+s30+$0x0], $0xffff;
	_ =	sdelay $0x4  }
0xf8: {  	v15 =	vadd.f32 v9, v13;
	v14 =	vadd.f32 v14, v11;
	_ =	sdelay $0x1  }
0xf9: {  	v11 =	vsub.f32 v15, v14;
	_ =	sdelay $0x1  }
0xfa: {  	v11 =	vand.u32 $0x7FFFFFFF, v11  }
0xfb: {  	v11 =	vsub.f32 $0.0e+00, v11;
	_ =	sdelay $0x1  }
0xfc: {  	v11 =	vmul.f32 $1.442695020e+00, v11;
	_ =	sdelay $0x1  }
0xfd: {  	(erf) = vpow2.f32 v11;
	_ =	sdelay $0x8  }
0xfe: {  	v11 =	vpop (erf)  }
0xff: {  	v62 =	vmul.f32 $1.024382840e-02, v11;
	_ =	sdelay $0x1  }
0x100: {  	v16 =	vadd.f32 $-5.326747890e-02, v62;
	_ =	sdelay $0x1  }
0x101: {  	v16 =	vmul.f32 v16, v11;
	_ =	sdelay $0x1  }
0x102: {  	v16 =	vadd.f32 $1.319896580e-01, v16;
	_ =	sdelay $0x1  }
0x103: {  	v16 =	vmul.f32 v16, v11;
	_ =	sdelay $0x1  }
0x104: {  	v16 =	vadd.f32 $-2.239668970e-01, v16;
	_ =	sdelay $0x1  }
0x105: {  	v16 =	vmul.f32 v16, v11;
	_ =	sdelay $0x1  }
0x106: {  	v16 =	vadd.f32 $3.275117280e-01, v16;
	_ =	sdelay $0x1  }
0x107: {  	v16 =	vmul.f32 v16, v11;
	_ =	sdelay $0x1  }
0x108: {  	v16 =	vadd.f32 $-4.993339480e-01, v16;
	_ =	sdelay $0x1  }
0x109: {  	v10 =	vmul.f32 v10, v10;
	v16 =	vmul.f32 v16, v11  }
0x10a: {  	v63 =	vimm.f32 $0.0e+00;
	v12 =	vmul.f32 v12, v12  }
0x10b: {  	v10 =	vadd.f32 v10, v63;
	v9 =	vmul.f32 v9, v9;
	v16 =	vadd.f32 $9.999702570e-01, v16  }
0x10c: {  	v12 =	vadd.f32 v12, v63;
	v13 =	vmul.f32 v13, v13  }
0x10d: {  	s22 =	simm.s32 $0x20;
	v9 =	vadd.f32 v9, v10;
	v16 =	vmul.f32 v16, v11  }
0x10e: {  	s9 =	simm.s32 $0x0;
	v10 =	vadd.f32 v13, v12;
	v13 =	vmax.f32 v15, v14;
	v11 =	vor.u32 s22, v0  }
0x10f: {  	s24 =	smul.u32 $0xC00, s9;
	v13 =	vsub.f32 v15, v13;
	v12 =	vand.u32 v8, v11;
	v14 =	vadd.f32 $2.215976450e-07, v16  }
0x110: {  	s7 =	simm.s32 $0x2;
	s9 =	simm.s32 $0x3;
	s8 =	simm.s32 $0xB3A0  }
.LBB2_6:
0x111: {  	p0 =	sne.s32 s9, $0x1F;
	s24 =	sshra.s32 s24, $0x2;
	v13 =	vsub.f32 v13, v14;
	s8 =	sadd.s32 $0x10, s8  }
0x112: {  	s24 =	sadd.s32 s24, s8  }
0x113: {  	[tilespmem:s24+$0x0] =	vst v13  }
0x114: {  	v13 =	vld.idx.msk [tilespmem:v12+s20+$0x0], $0xffff  }
0x115: {  	v12 =	vld.idx.msk [tilespmem:v12+s1+$0x0], $0xffff;
	_ =	sdelay $0x1  }
0x116: {  	v14 =	vmov s22  }
0x117: {  	v11 =	vshll.u32 v11, $0x4;
	v14 =	vshrl.u32 v14, $0x7  }
0x118: {  	v11 =	vand.u32 $0x7F0, v11;
	v15 =	vshll.u32 v14, $0xB  }
0x119: {  	v16 =	vor.u32 v11, v15;
	v15 =	vxor.u32 $0x800, v15  }
0x11a: {  	v11 =	vor.u32 v11, v15;
	v13 =	vshll.u32 v13, $0x2;
	v17 =	vand.u32 $0x8, v12  }
0x11b: {  	v12 =	vand.u32 $0x7, v12;
	v13 =	vadd.s32 v14, v13;
	v15 =	vor.u32 v17, v16  }
0x11c: {  	v11 =	vor.u32 v17, v11;
	v14 =	vor.u32 v12, v15;
	v15 =	vxor.u32 $0x1, v13  }
0x11d: {  	v11 =	vor.u32 v12, v11;
	v14 =	vadd.s32 $0x1000, v14  }
0x11e: {  	v11 =	vadd.s32 $0x1000, v11;
	_ =	sdelay $0x1  }
0x11f: {  	v12 =	vld.idx.msk [tilespmem:v13+s19+$0x0], $0xffff  }
0x120: {  	v13 =	vld.idx.msk [tilespmem:v15+s19+$0x0], $0xffff  }
0x121: {  	v14 =	vld.idx.msk [tilespmem:v14+s30+$0x0], $0xffff  }
0x122: {  	v11 =	vld.idx.msk [tilespmem:v11+s30+$0x0], $0xffff;
	_ =	sdelay $0x2  }
0x123: {  	v15 =	vmul.f32 v12, v12;
	_ =	sdelay $0x1  }
0x124: {  	v16 =	vmul.f32 v14, v14;
	v9 =	vadd.f32 v15, v9  }
0x125: {  	v14 =	vadd.f32 v12, v14;
	v12 =	vadd.f32 v13, v11  }
0x126: {  	v10 =	vadd.f32 v16, v10  }
0x127: {  	v11 =	vsub.f32 v14, v12;
	_ =	sdelay $0x1  }
0x128: {  	v11 =	vand.u32 $0x7FFFFFFF, v11  }
0x129: {  	v11 =	vsub.f32 $0.0e+00, v11;
	_ =	sdelay $0x1  }
0x12a: {  	v11 =	vmul.f32 $1.442695020e+00, v11;
	_ =	sdelay $0x1  }
0x12b: {  	(erf) = vpow2.f32 v11;
	_ =	sdelay $0x8  }
0x12c: {  	v11 =	vpop (erf)  }
0x12d: {  	v13 =	vmul.f32 $1.024382840e-02, v11;
	_ =	sdelay $0x1  }
0x12e: {  	v13 =	vadd.f32 $-5.326747890e-02, v13;
	_ =	sdelay $0x1  }
0x12f: {  	v13 =	vmul.f32 v13, v11;
	_ =	sdelay $0x1  }
0x130: {  	v13 =	vadd.f32 $1.319896580e-01, v13;
	_ =	sdelay $0x1  }
0x131: {  	v13 =	vmul.f32 v13, v11;
	_ =	sdelay $0x1  }
0x132: {  	v13 =	vadd.f32 $-2.239668970e-01, v13;
	_ =	sdelay $0x1  }
0x133: {  	v13 =	vmul.f32 v13, v11;
	_ =	sdelay $0x1  }
0x134: {  	v13 =	vadd.f32 $3.275117280e-01, v13;
	_ =	sdelay $0x1  }
0x135: {  	v13 =	vmul.f32 v13, v11;
	_ =	sdelay $0x1  }
0x136: {  	v13 =	vadd.f32 $-4.993339480e-01, v13;
	_ =	sdelay $0x1  }
0x137: {  	v13 =	vmul.f32 v13, v11;
	_ =	sdelay $0x1  }
0x138: {  	v13 =	vadd.f32 $9.999702570e-01, v13  }
.Ltmp2:
0x139: {  	(pc) =	sbr.rel @p0 .LBB2_6-.Ltmp2, $4  }
0x13a: {  	s22 =	sadd.s32 $0x10, s22;
	v15 =	vmul.f32 v13, v11  }
0x13b: {  	s24 =	sshrl.u32 s7, $0x4;
	s7 =	smov.u32 s9;
	v11 =	vor.u32 s22, v0;
	v13 =	vmax.f32 v14, v12  }
0x13c: {  	s24 =	smul.u32 $0xC00, s24;
	v12 =	vand.u32 v8, v11;
	v13 =	vsub.f32 v14, v13;
	v14 =	vadd.f32 $2.215976450e-07, v15  }
0x13d: {  	s9 =	sadd.s32 $0x1, s9  }
0x13e: {  	_ = 	snop  }
0x13f: {  	s9 =	sshra.s32 s24, $0x2;
	v13 =	vsub.f32 v13, v14;
	s8 =	sadd.s32 $0x10, s8  }
0x140: {  	s9 =	sadd.s32 s9, s8  }
0x141: {  	[tilespmem:s9+$0x0] =	vst v13  }
0x142: {  	v13 =	vld.idx.msk [tilespmem:v12+s20+$0x0], $0xffff  }
0x143: {  	v54 =	vld.idx.msk [tilespmem:v12+s1+$0x0], $0xffff  }
0x144: {  	v55 =	vmov s22  }
0x145: {  	v11 =	vshll.u32 v11, $0x4;
	v14 =	vshrl.u32 v55, $0x7  }
0x146: {  	v11 =	vand.u32 $0x7F0, v11;
	v15 =	vshll.u32 v14, $0xB  }
0x147: {  	v16 =	vor.u32 v11, v15;
	v15 =	vxor.u32 $0x800, v15  }
0x148: {  	v11 =	vor.u32 v11, v15;
	v17 =	vand.u32 $0x8, v54;
	v13 =	vshll.u32 v13, $0x2  }
0x149: {  	v12 =	vand.u32 $0x7, v54;
	v56 =	vor.u32 v17, v16;
	v13 =	vadd.s32 v14, v13  }
0x14a: {  	v11 =	vor.u32 v17, v11;
	v57 =	vor.u32 v12, v56;
	v58 =	vxor.u32 $0x1, v13  }
0x14b: {  	v11 =	vor.u32 v12, v11;
	v14 =	vadd.s32 $0x1000, v57  }
0x14c: {  	v11 =	vadd.s32 $0x1000, v11;
	_ =	sdelay $0x1  }
0x14d: {  	v59 =	vld.idx.msk [tilespmem:v13+s19+$0x0], $0xffff  }
0x14e: {  	v60 =	vld.idx.msk [tilespmem:v58+s19+$0x0], $0xffff  }
0x14f: {  	v14 =	vld.idx.msk [tilespmem:v14+s30+$0x0], $0xffff  }
0x150: {  	v11 =	vld.idx.msk [tilespmem:v11+s30+$0x0], $0xffff;
	_ =	sdelay $0x4  }
0x151: {  	v61 =	vadd.f32 v59, v14;
	v11 =	vadd.f32 v60, v11;
	_ =	sdelay $0x1  }
0x152: {  	v13 =	vsub.f32 v61, v11;
	_ =	sdelay $0x1  }
0x153: {  	v13 =	vand.u32 $0x7FFFFFFF, v13  }
0x154: {  	v13 =	vsub.f32 $0.0e+00, v13;
	_ =	sdelay $0x1  }
0x155: {  	v13 =	vmul.f32 $1.442695020e+00, v13;
	_ =	sdelay $0x1  }
0x156: {  	(erf) = vpow2.f32 v13;
	_ =	sdelay $0x8  }
0x157: {  	v13 =	vpop (erf)  }
0x158: {  	v62 =	vmul.f32 $1.024382840e-02, v13;
	_ =	sdelay $0x1  }
0x159: {  	v16 =	vadd.f32 $-5.326747890e-02, v62;
	_ =	sdelay $0x1  }
0x15a: {  	v16 =	vmul.f32 v16, v13;
	_ =	sdelay $0x1  }
0x15b: {  	v16 =	vadd.f32 $1.319896580e-01, v16;
	_ =	sdelay $0x1  }
0x15c: {  	v16 =	vmul.f32 v16, v13;
	_ =	sdelay $0x1  }
0x15d: {  	v16 =	vadd.f32 $-2.239668970e-01, v16;
	_ =	sdelay $0x1  }
0x15e: {  	v16 =	vmul.f32 v16, v13;
	_ =	sdelay $0x1  }
0x15f: {  	v16 =	vadd.f32 $3.275117280e-01, v16;
	_ =	sdelay $0x1  }
0x160: {  	v16 =	vmul.f32 v16, v13;
	_ =	sdelay $0x1  }
0x161: {  	v16 =	vadd.f32 $-4.993339480e-01, v16;
	_ =	sdelay $0x1  }
0x162: {  	v16 =	vmul.f32 v16, v13;
	_ =	sdelay $0x1  }
0x163: {  	v16 =	vadd.f32 $9.999702570e-01, v16;
	_ =	sdelay $0x1  }
0x164: {  	v13 =	vmul.f32 v16, v13  }
0x165: {  	s7 =	sshrl.u32 s7, $0x4;
	v11 =	vmax.f32 v61, v11  }
0x166: {  	s7 =	smul.u32 $0xC00, s7;
	v11 =	vsub.f32 v61, v11;
	v13 =	vadd.f32 $2.215976450e-07, v13;
	_ =	sdelay $0x1  }
0x167: {  	s8 =	sadd.s32 $0x10, s8;
	s7 =	sshra.s32 s7, $0x2;
	v11 =	vsub.f32 v11, v13  }
0x168: {  	s7 =	sadd.s32 s7, s8  }
0x169: {  	s24 =	simm.s32 $0xD00;
	[tilespmem:s7+$0x0] =	vst v11  }
0x16a: {  	[tilespmem:s30], [sflag:$0x2] =	stream.indirect.gather [hbm4b:s3+s21], $0x10, s24, s21, $0xb8;
	[tilespmem:$0xBBB0] =	vst v63  }
0x16b: {  	s9 =	simm.s32 $0xD80;
	s8 =	simm.s32 $0x1800  }
0x16c: {  	[tilespmem:s8], [sflag:$0x2] =	stream.indirect.gather [hbm4b:s3+s21], $0x10, s9, s21, $0xb8;
	[tilespmem:$0xBBB0] =	vst v63  }
0x16d: {  	s22 =	simm.s32 $0x2000;
	s24 =	simm.s32 $0xE00  }
0x16e: {  	[tilespmem:s22], [sflag:$0x2] =	stream.indirect.gather [hbm4b:s4+s21], $0x10, s24, s21, $0xb8;
	[tilespmem:$0xBBB0] =	vst v63  }
0x16f: {  	s8 =	simm.s32 $0x2800;
	s9 =	simm.s32 $0xE80  }
0x170: {  	[tilespmem:s8], [sflag:$0x2] =	stream.indirect.gather [hbm4b:s4+s21], $0x10, s9, s21, $0xb8;
	[tilespmem:$0xBBB0] =	vst v63  }
0x171: {  	s22 =	simm.s32 $0xF00  }
0x172: {  	[tilespmem:s26], [sflag:$0x2] =	stream.indirect.gather [hbm4b:s4+s21], $0x10, s22, s21, $0xb8;
	[tilespmem:$0xBBB0] =	vst v63  }
0x173: {  	s24 =	simm.s32 $0xF80  }
0x174: {  	[tilespmem:s2], [sflag:$0x2] =	stream.indirect.gather [hbm4b:s4+s21], $0x10, s24, s21, $0xb8;
	[tilespmem:$0xBBB0] =	vst v63  }
0x175: {  	_ =	swait.ge [sflag:s25], $0x800  }
0x176: {  	[sflag:s25] =	ssyncset.done $0x0  }
0x177: {  	[sflag:s25] =	ssyncadd.s32 $0xFFFFF800  }
0x178: {  	_ =	swait.ge [sflag:s25], $0x800  }
0x179: {  	[sflag:s25] =	ssyncset.done $0x0  }
0x17a: {  	[sflag:s25] =	ssyncadd.s32 $0xFFFFF800  }
0x17b: {  	_ =	swait.ge [sflag:s25], $0x800  }
0x17c: {  	[sflag:s25] =	ssyncset.done $0x0  }
0x17d: {  	[sflag:s25] =	ssyncadd.s32 $0xFFFFF800  }
0x17e: {  	_ =	swait.ge [sflag:s25], $0x800  }
0x17f: {  	[sflag:s25] =	ssyncset.done $0x0  }
0x180: {  	[sflag:s25] =	ssyncadd.s32 $0xFFFFF800  }
0x181: {  	_ =	swait.ge [sflag:s25], $0x800  }
0x182: {  	[sflag:s25] =	ssyncset.done $0x0  }
0x183: {  	[sflag:s25] =	ssyncadd.s32 $0xFFFFF800  }
0x184: {  	v63 =	vmul.f32 v14, v14;
	v11 =	vmul.f32 v59, v59;
	_ =	swait.ge [sflag:s25], $0x800  }
0x185: {  	s7 =	simm.s32 $0x0;
	[sflag:s25] =	ssyncset.done $0x0  }
0x186: {  	v11 =	vadd.f32 v11, v9;
	v9 =	vadd.f32 v63, v10;
	s8 =	simm.s32 $0xB0A0;
	s9 =	simm.s32 $0x0;
	[sflag:s25] =	ssyncadd.s32 $0xFFFFF800  }
.LBB2_8:
0x187: {  	v10 =	vor.u32 s9, v0  }
0x188: {  	v12 =	vand.u32 $0x78, v10  }
0x189: {  	v12 =	vor.u32 v3, v12;
	_ =	sdelay $0x4  }
0x18a: {  	v12 =	vld.idx.msk [tilespmem:v12+s7+$0x0], $0xffff;
	_ =	sdelay $0x1  }
0x18b: {  	v13 =	vmov s9  }
0x18c: {  	v13 =	vshll.u32 v13, $0x4;
	v10 =	vshll.u32 v10, $0x4  }
0x18d: {  	v13 =	vand.u32 $0x800, v13;
	v10 =	vand.u32 $0x7F0, v10  }
0x18e: {  	v10 =	vor.u32 v10, v13;
	v12 =	vand.u32 $0xF, v12  }
0x18f: {  	v10 =	vor.u32 v12, v10  }
0x190: {  	v10 =	vor.u32 $0x3000, v10;
	_ =	sdelay $0x4  }
0x191: {  	v10 =	vld.idx.msk [tilespmem:v10+s30+$0x0], $0xffff;
	_ =	sdelay $0x4  }
0x192: {  	v62 =	vand.u32 $0x7FFFFFFF, v10  }
0x193: {  	v12 =	vsub.f32 $0.0e+00, v62;
	_ =	sdelay $0x1  }
0x194: {  	v12 =	vmul.f32 $1.442695020e+00, v12;
	_ =	sdelay $0x1  }
0x195: {  	(erf) = vpow2.f32 v12;
	_ =	sdelay $0x8  }
0x196: {  	v12 =	vpop (erf)  }
0x197: {  	v63 =	vmul.f32 $1.024382840e-02, v12;
	_ =	sdelay $0x1  }
0x198: {  	v13 =	vadd.f32 $-5.326747890e-02, v63;
	_ =	sdelay $0x1  }
0x199: {  	v13 =	vmul.f32 v13, v12;
	_ =	sdelay $0x1  }
0x19a: {  	v13 =	vadd.f32 $1.319896580e-01, v13;
	_ =	sdelay $0x1  }
0x19b: {  	v13 =	vmul.f32 v13, v12;
	_ =	sdelay $0x1  }
0x19c: {  	v13 =	vadd.f32 $-2.239668970e-01, v13;
	_ =	sdelay $0x1  }
0x19d: {  	v13 =	vmul.f32 v13, v12;
	_ =	sdelay $0x1  }
0x19e: {  	v13 =	vadd.f32 $3.275117280e-01, v13;
	_ =	sdelay $0x1  }
0x19f: {  	v13 =	vmul.f32 v13, v12;
	_ =	sdelay $0x1  }
0x1a0: {  	v13 =	vadd.f32 $-4.993339480e-01, v13;
	_ =	sdelay $0x1  }
0x1a1: {  	v13 =	vmul.f32 v13, v12;
	_ =	sdelay $0x1  }
0x1a2: {  	v13 =	vadd.f32 $9.999702570e-01, v13;
	_ =	sdelay $0x1  }
0x1a3: {  	v12 =	vmul.f32 v13, v12  }
0x1a4: {  	p0 =	sne.s32 s9, $0xF0  }
.Ltmp3:
0x1a5: {  	v12 =	vadd.f32 $2.215976450e-07, v12;
	(pc) =	sbr.rel @p0 .LBB2_8-.Ltmp3, $3  }
0x1a6: {  	v10 =	vmin.f32 v10, $0.0e+00  }
0x1a7: {  	v10 =	vsub.f32 v10, v12;
	_ =	sdelay $0x1  }
0x1a8: {  	s9 =	sadd.s32 $0x10, s9;
	[tilespmem:s8+$0x0] =	vst v10;
	s8 =	sadd.s32 $0x10, s8  }
0x1a9: {  	v10 =	vor.u32 s7, v0  }
0x1aa: {  	v12 =	vand.u32 $0x78, v10  }
0x1ab: {  	v12 =	vor.u32 v3, v12;
	_ =	sdelay $0x4  }
0x1ac: {  	v13 =	vld.idx.msk [tilespmem:v12+s20+$0x0], $0xffff  }
0x1ad: {  	v12 =	vld.idx.msk [tilespmem:v12+s1+$0x0], $0xffff;
	_ =	sdelay $0x1  }
0x1ae: {  	v14 =	vmov s7  }
0x1af: {  	v14 =	vshrl.u32 v14, $0x7;
	v10 =	vshll.u32 v10, $0x4  }
0x1b0: {  	v15 =	vshll.u32 v14, $0xB;
	v10 =	vand.u32 $0x7F0, v10  }
0x1b1: {  	v10 =	vor.u32 v15, v10;
	v16 =	vand.u32 $0x8, v12;
	v13 =	vshll.u32 v13, $0x2  }
0x1b2: {  	v12 =	vand.u32 $0x7, v12;
	v10 =	vor.u32 v16, v10;
	v13 =	vadd.s32 v14, v13  }
0x1b3: {  	v10 =	vor.u32 v12, v10;
	v12 =	vxor.u32 $0x1, v13  }
0x1b4: {  	v14 =	vor.u32 $0x4000, v10  }
0x1b5: {  	v10 =	vxor.u32 $0x4800, v10;
	_ =	sdelay $0x1  }
0x1b6: {  	v13 =	vld.idx.msk [tilespmem:v13+s19+$0x0], $0xffff  }
0x1b7: {  	v12 =	vld.idx.msk [tilespmem:v12+s19+$0x0], $0xffff  }
0x1b8: {  	v14 =	vld.idx.msk [tilespmem:v14+s30+$0x0], $0xffff  }
0x1b9: {  	v10 =	vld.idx.msk [tilespmem:v10+s30+$0x0], $0xffff;
	_ =	sdelay $0x4  }
0x1ba: {  	v15 =	vadd.f32 v13, v14;
	v10 =	vadd.f32 v12, v10;
	_ =	sdelay $0x1  }
0x1bb: {  	v12 =	vsub.f32 v15, v10;
	_ =	sdelay $0x1  }
0x1bc: {  	v12 =	vand.u32 $0x7FFFFFFF, v12  }
0x1bd: {  	v12 =	vsub.f32 $0.0e+00, v12;
	_ =	sdelay $0x1  }
0x1be: {  	v12 =	vmul.f32 $1.442695020e+00, v12;
	_ =	sdelay $0x1  }
0x1bf: {  	(erf) = vpow2.f32 v12;
	_ =	sdelay $0x8  }
0x1c0: {  	v12 =	vpop (erf)  }
0x1c1: {  	v58 =	vmul.f32 $1.024382840e-02, v12;
	_ =	sdelay $0x1  }
0x1c2: {  	v16 =	vadd.f32 $-5.326747890e-02, v58;
	_ =	sdelay $0x1  }
0x1c3: {  	v16 =	vmul.f32 v16, v12;
	_ =	sdelay $0x1  }
0x1c4: {  	v16 =	vadd.f32 $1.319896580e-01, v16;
	_ =	sdelay $0x1  }
0x1c5: {  	v16 =	vmul.f32 v16, v12;
	_ =	sdelay $0x1  }
0x1c6: {  	v16 =	vadd.f32 $-2.239668970e-01, v16;
	_ =	sdelay $0x1  }
0x1c7: {  	v16 =	vmul.f32 v16, v12;
	_ =	sdelay $0x1  }
0x1c8: {  	v16 =	vadd.f32 $3.275117280e-01, v16;
	_ =	sdelay $0x1  }
0x1c9: {  	v16 =	vmul.f32 v16, v12;
	_ =	sdelay $0x1  }
0x1ca: {  	v16 =	vadd.f32 $-4.993339480e-01, v16;
	_ =	sdelay $0x1  }
0x1cb: {  	v16 =	vmul.f32 v16, v12;
	_ =	sdelay $0x1  }
0x1cc: {  	v16 =	vadd.f32 $9.999702570e-01, v16  }
0x1cd: {  	s24 =	simm.s32 $0x10  }
0x1ce: {  	v17 =	vor.u32 s24, v0;
	v12 =	vmul.f32 v16, v12  }
0x1cf: {  	s8 =	simm.s32 $0x0;
	v59 =	vand.u32 $0x78, v17;
	v10 =	vmax.f32 v15, v10  }
0x1d0: {  	s8 =	smul.u32 $0xC00, s8;
	v10 =	vsub.f32 v15, v10;
	v16 =	vor.u32 v3, v59;
	v12 =	vadd.f32 $2.215976450e-07, v12;
	_ =	sdelay $0x1  }
0x1d1: {  	s8 =	sshra.s32 s8, $0x2;
	v10 =	vsub.f32 v10, v12  }
0x1d2: {  	s8 =	sadd.s32 $0xB4A0, s8  }
0x1d3: {  	[tilespmem:s8+$0x0] =	vst v10  }
0x1d4: {  	v10 =	vld.idx.msk [tilespmem:v16+s20+$0x0], $0xffff  }
0x1d5: {  	v12 =	vld.idx.msk [tilespmem:v16+s1+$0x0], $0xffff;
	_ =	sdelay $0x1  }
0x1d6: {  	v15 =	vmov s24  }
0x1d7: {  	v60 =	vshll.u32 v17, $0x4;
	v15 =	vshrl.u32 v15, $0x7  }
0x1d8: {  	v61 =	vshll.u32 v15, $0xB;
	v16 =	vand.u32 $0x7F0, v60  }
0x1d9: {  	v16 =	vor.u32 v61, v16;
	v18 =	vand.u32 $0x8, v12;
	v10 =	vshll.u32 v10, $0x2  }
0x1da: {  	v12 =	vand.u32 $0x7, v12;
	v16 =	vor.u32 v18, v16;
	v10 =	vadd.s32 v15, v10  }
0x1db: {  	v12 =	vor.u32 v12, v16;
	v15 =	vxor.u32 $0x1, v10  }
0x1dc: {  	v16 =	vor.u32 $0x4000, v12  }
0x1dd: {  	v12 =	vxor.u32 $0x4800, v12;
	_ =	sdelay $0x1  }
0x1de: {  	v10 =	vld.idx.msk [tilespmem:v10+s19+$0x0], $0xffff  }
0x1df: {  	v15 =	vld.idx.msk [tilespmem:v15+s19+$0x0], $0xffff  }
0x1e0: {  	v16 =	vld.idx.msk [tilespmem:v16+s30+$0x0], $0xffff  }
0x1e1: {  	v12 =	vld.idx.msk [tilespmem:v12+s30+$0x0], $0xffff;
	_ =	sdelay $0x4  }
0x1e2: {  	v62 =	vadd.f32 v10, v16;
	v12 =	vadd.f32 v15, v12;
	_ =	sdelay $0x1  }
0x1e3: {  	v15 =	vsub.f32 v62, v12;
	_ =	sdelay $0x1  }
0x1e4: {  	v15 =	vand.u32 $0x7FFFFFFF, v15  }
0x1e5: {  	v15 =	vsub.f32 $0.0e+00, v15;
	_ =	sdelay $0x1  }
0x1e6: {  	v15 =	vmul.f32 $1.442695020e+00, v15;
	_ =	sdelay $0x1  }
0x1e7: {  	(erf) = vpow2.f32 v15;
	_ =	sdelay $0x8  }
0x1e8: {  	v15 =	vpop (erf)  }
0x1e9: {  	v63 =	vmul.f32 $1.024382840e-02, v15;
	_ =	sdelay $0x1  }
0x1ea: {  	v18 =	vadd.f32 $-5.326747890e-02, v63;
	_ =	sdelay $0x1  }
0x1eb: {  	v18 =	vmul.f32 v18, v15;
	_ =	sdelay $0x1  }
0x1ec: {  	v18 =	vadd.f32 $1.319896580e-01, v18;
	_ =	sdelay $0x1  }
0x1ed: {  	v18 =	vmul.f32 v18, v15;
	_ =	sdelay $0x1  }
0x1ee: {  	v18 =	vadd.f32 $-2.239668970e-01, v18;
	_ =	sdelay $0x1  }
0x1ef: {  	v18 =	vmul.f32 v18, v15;
	_ =	sdelay $0x1  }
0x1f0: {  	v18 =	vadd.f32 $3.275117280e-01, v18;
	_ =	sdelay $0x1  }
0x1f1: {  	v18 =	vmul.f32 v18, v15;
	_ =	sdelay $0x1  }
0x1f2: {  	v18 =	vadd.f32 $-4.993339480e-01, v18;
	_ =	sdelay $0x1  }
0x1f3: {  	v13 =	vmul.f32 v13, v13;
	v18 =	vmul.f32 v18, v15  }
0x1f4: {  	v14 =	vmul.f32 v14, v14  }
0x1f5: {  	v11 =	vadd.f32 v13, v11;
	v10 =	vmul.f32 v10, v10;
	v13 =	vadd.f32 $9.999702570e-01, v18  }
0x1f6: {  	s22 =	simm.s32 $0x20;
	v14 =	vadd.f32 v14, v9;
	v16 =	vmul.f32 v16, v16  }
0x1f7: {  	v9 =	vadd.f32 v10, v11;
	v11 =	vor.u32 s22, v0;
	v15 =	vmul.f32 v13, v15  }
0x1f8: {  	s7 =	simm.s32 $0x2;
	s24 =	simm.s32 $0x0;
	v10 =	vadd.f32 v16, v14;
	v14 =	vmax.f32 v62, v12;
	v13 =	vand.u32 $0x78, v11  }
0x1f9: {  	s9 =	simm.s32 $0x3;
	s24 =	smul.u32 $0xC00, s24;
	s8 =	simm.s32 $0xB4A0;
	v12 =	vor.u32 v3, v13;
	v13 =	vsub.f32 v62, v14;
	v14 =	vadd.f32 $2.215976450e-07, v15  }
.LBB2_10:
0x1fa: {  	p0 =	sne.s32 s9, $0x1F  }
0x1fb: {  	s8 =	sadd.s32 $0x10, s8;
	s24 =	sshra.s32 s24, $0x2;
	v13 =	vsub.f32 v13, v14  }
0x1fc: {  	s24 =	sadd.s32 s24, s8  }
0x1fd: {  	[tilespmem:s24+$0x0] =	vst v13  }
0x1fe: {  	v13 =	vld.idx.msk [tilespmem:v12+s20+$0x0], $0xffff  }
0x1ff: {  	v12 =	vld.idx.msk [tilespmem:v12+s1+$0x0], $0xffff;
	_ =	sdelay $0x2  }
0x200: {  	v14 =	vmov s22  }
0x201: {  	v11 =	vshll.u32 v11, $0x4;
	v14 =	vshrl.u32 v14, $0x7  }
0x202: {  	v11 =	vand.u32 $0x7F0, v11;
	v15 =	vshll.u32 v14, $0xB  }
0x203: {  	v11 =	vor.u32 v15, v11;
	v13 =	vshll.u32 v13, $0x2;
	v16 =	vand.u32 $0x8, v12  }
0x204: {  	v12 =	vand.u32 $0x7, v12;
	v13 =	vadd.s32 v14, v13;
	v11 =	vor.u32 v16, v11  }
0x205: {  	v11 =	vor.u32 v12, v11;
	v12 =	vxor.u32 $0x1, v13  }
0x206: {  	v14 =	vor.u32 $0x4000, v11  }
0x207: {  	v11 =	vxor.u32 $0x4800, v11;
	_ =	sdelay $0x1  }
0x208: {  	v13 =	vld.idx.msk [tilespmem:v13+s19+$0x0], $0xffff  }
0x209: {  	v12 =	vld.idx.msk [tilespmem:v12+s19+$0x0], $0xffff  }
0x20a: {  	v14 =	vld.idx.msk [tilespmem:v14+s30+$0x0], $0xffff  }
0x20b: {  	v11 =	vld.idx.msk [tilespmem:v11+s30+$0x0], $0xffff;
	_ =	sdelay $0x2  }
0x20c: {  	v15 =	vmul.f32 v13, v13;
	_ =	sdelay $0x1  }
0x20d: {  	v16 =	vmul.f32 v14, v14;
	v9 =	vadd.f32 v15, v9  }
0x20e: {  	v13 =	vadd.f32 v13, v14;
	v12 =	vadd.f32 v12, v11  }
0x20f: {  	v10 =	vadd.f32 v16, v10  }
0x210: {  	v11 =	vsub.f32 v13, v12;
	_ =	sdelay $0x1  }
0x211: {  	v11 =	vand.u32 $0x7FFFFFFF, v11  }
0x212: {  	v11 =	vsub.f32 $0.0e+00, v11;
	_ =	sdelay $0x1  }
0x213: {  	v11 =	vmul.f32 $1.442695020e+00, v11;
	_ =	sdelay $0x1  }
0x214: {  	(erf) = vpow2.f32 v11;
	_ =	sdelay $0x8  }
0x215: {  	v14 =	vpop (erf)  }
0x216: {  	v11 =	vmul.f32 $1.024382840e-02, v14;
	_ =	sdelay $0x1  }
0x217: {  	v11 =	vadd.f32 $-5.326747890e-02, v11;
	_ =	sdelay $0x1  }
0x218: {  	v11 =	vmul.f32 v11, v14;
	_ =	sdelay $0x1  }
0x219: {  	v11 =	vadd.f32 $1.319896580e-01, v11;
	_ =	sdelay $0x1  }
0x21a: {  	v11 =	vmul.f32 v11, v14;
	_ =	sdelay $0x1  }
0x21b: {  	v11 =	vadd.f32 $-2.239668970e-01, v11;
	_ =	sdelay $0x1  }
0x21c: {  	v11 =	vmul.f32 v11, v14;
	_ =	sdelay $0x1  }
0x21d: {  	v11 =	vadd.f32 $3.275117280e-01, v11;
	_ =	sdelay $0x1  }
0x21e: {  	v11 =	vmul.f32 v11, v14;
	_ =	sdelay $0x1  }
0x21f: {  	v11 =	vadd.f32 $-4.993339480e-01, v11;
	_ =	sdelay $0x1  }
0x220: {  	v11 =	vmul.f32 v11, v14;
	_ =	sdelay $0x1  }
.Ltmp4:
0x221: {  	v15 =	vadd.f32 $9.999702570e-01, v11;
	(pc) =	sbr.rel @p0 .LBB2_10-.Ltmp4, $4  }
0x222: {  	s22 =	sadd.s32 $0x10, s22  }
0x223: {  	v11 =	vor.u32 s22, v0;
	v14 =	vmul.f32 v15, v14  }
0x224: {  	s24 =	sshrl.u32 s7, $0x4;
	s7 =	smov.u32 s9;
	v16 =	vmax.f32 v13, v12;
	v15 =	vand.u32 $0x78, v11  }
0x225: {  	s9 =	sadd.s32 $0x1, s9;
	s24 =	smul.u32 $0xC00, s24;
	v13 =	vsub.f32 v13, v16;
	v12 =	vor.u32 v3, v15;
	v14 =	vadd.f32 $2.215976450e-07, v14  }
0x226: {  	_ = 	snop  }
0x227: {  	s8 =	sadd.s32 $0x10, s8;
	s9 =	sshra.s32 s24, $0x2;
	v13 =	vsub.f32 v13, v14  }
0x228: {  	s9 =	sadd.s32 s9, s8  }
0x229: {  	[tilespmem:s9+$0x0] =	vst v13  }
0x22a: {  	v13 =	vld.idx.msk [tilespmem:v12+s20+$0x0], $0xffff  }
0x22b: {  	v57 =	vld.idx.msk [tilespmem:v12+s1+$0x0], $0xffff;
	_ =	sdelay $0x1  }
0x22c: {  	v58 =	vmov s22  }
0x22d: {  	v11 =	vshll.u32 v11, $0x4;
	v14 =	vshrl.u32 v58, $0x7  }
0x22e: {  	v11 =	vand.u32 $0x7F0, v11;
	v15 =	vshll.u32 v14, $0xB  }
0x22f: {  	v11 =	vor.u32 v15, v11;
	v16 =	vand.u32 $0x8, v57;
	v13 =	vshll.u32 v13, $0x2  }
0x230: {  	v12 =	vand.u32 $0x7, v57;
	v11 =	vor.u32 v16, v11;
	v13 =	vadd.s32 v14, v13  }
0x231: {  	v11 =	vor.u32 v12, v11;
	v59 =	vxor.u32 $0x1, v13  }
0x232: {  	v60 =	vor.u32 $0x4000, v11  }
0x233: {  	v11 =	vxor.u32 $0x4800, v11;
	_ =	sdelay $0x1  }
0x234: {  	v13 =	vld.idx.msk [tilespmem:v13+s19+$0x0], $0xffff  }
0x235: {  	v12 =	vld.idx.msk [tilespmem:v59+s19+$0x0], $0xffff  }
0x236: {  	v14 =	vld.idx.msk [tilespmem:v60+s30+$0x0], $0xffff  }
0x237: {  	v11 =	vld.idx.msk [tilespmem:v11+s30+$0x0], $0xffff;
	_ =	sdelay $0x4  }
0x238: {  	v61 =	vadd.f32 v13, v14;
	v11 =	vadd.f32 v12, v11;
	_ =	sdelay $0x1  }
0x239: {  	v12 =	vsub.f32 v61, v11;
	_ =	sdelay $0x1  }
0x23a: {  	v12 =	vand.u32 $0x7FFFFFFF, v12  }
0x23b: {  	v12 =	vsub.f32 $0.0e+00, v12;
	_ =	sdelay $0x1  }
0x23c: {  	v12 =	vmul.f32 $1.442695020e+00, v12;
	_ =	sdelay $0x1  }
0x23d: {  	(erf) = vpow2.f32 v12;
	_ =	sdelay $0x8  }
0x23e: {  	v12 =	vpop (erf)  }
0x23f: {  	v62 =	vmul.f32 $1.024382840e-02, v12;
	_ =	sdelay $0x1  }
0x240: {  	v16 =	vadd.f32 $-5.326747890e-02, v62;
	_ =	sdelay $0x1  }
0x241: {  	v16 =	vmul.f32 v16, v12;
	_ =	sdelay $0x1  }
0x242: {  	v16 =	vadd.f32 $1.319896580e-01, v16;
	_ =	sdelay $0x1  }
0x243: {  	v16 =	vmul.f32 v16, v12;
	_ =	sdelay $0x1  }
0x244: {  	v16 =	vadd.f32 $-2.239668970e-01, v16;
	_ =	sdelay $0x1  }
0x245: {  	v16 =	vmul.f32 v16, v12;
	_ =	sdelay $0x1  }
0x246: {  	v16 =	vadd.f32 $3.275117280e-01, v16;
	_ =	sdelay $0x1  }
0x247: {  	v16 =	vmul.f32 v16, v12;
	_ =	sdelay $0x1  }
0x248: {  	v16 =	vadd.f32 $-4.993339480e-01, v16;
	_ =	sdelay $0x1  }
0x249: {  	v16 =	vmul.f32 v16, v12;
	_ =	sdelay $0x1  }
0x24a: {  	v16 =	vadd.f32 $9.999702570e-01, v16;
	_ =	sdelay $0x1  }
0x24b: {  	v12 =	vmul.f32 v16, v12  }
0x24c: {  	s7 =	sshrl.u32 s7, $0x4;
	v11 =	vmax.f32 v61, v11  }
0x24d: {  	s7 =	smul.u32 $0xC00, s7;
	v11 =	vsub.f32 v61, v11;
	v12 =	vadd.f32 $2.215976450e-07, v12;
	_ =	sdelay $0x1  }
0x24e: {  	s8 =	sadd.s32 $0x10, s8;
	s7 =	sshra.s32 s7, $0x2;
	v11 =	vsub.f32 v11, v12  }
0x24f: {  	s7 =	sadd.s32 s7, s8  }
0x250: {  	[tilespmem:s7+$0x0] =	vst v11  }
0x251: {  	_ =	swait.ge [sflag:s31], $0x800  }
0x252: {  	[sflag:s31] =	ssyncset.done $0x0  }
0x253: {  	[sflag:s31] =	ssyncadd.s32 $0xFFFFF800  }
0x254: {  	_ =	swait.ge [sflag:s31], $0x800  }
0x255: {  	[sflag:s31] =	ssyncset.done $0x0  }
0x256: {  	[sflag:s31] =	ssyncadd.s32 $0xFFFFF800  }
0x257: {  	_ =	swait.ge [sflag:s31], $0x800  }
0x258: {  	[sflag:s31] =	ssyncset.done $0x0  }
0x259: {  	[sflag:s31] =	ssyncadd.s32 $0xFFFFF800  }
0x25a: {  	_ =	swait.ge [sflag:s31], $0x800  }
0x25b: {  	[sflag:s31] =	ssyncset.done $0x0  }
0x25c: {  	[sflag:s31] =	ssyncadd.s32 $0xFFFFF800  }
0x25d: {  	_ =	swait.ge [sflag:s31], $0x800  }
0x25e: {  	[sflag:s31] =	ssyncset.done $0x0  }
0x25f: {  	[sflag:s31] =	ssyncadd.s32 $0xFFFFF800  }
0x260: {  	v63 =	vmul.f32 v14, v14;
	v11 =	vmul.f32 v13, v13;
	_ =	swait.ge [sflag:s31], $0x800  }
0x261: {  	s9 =	simm.s32 $0x0;
	[sflag:s31] =	ssyncset.done $0x0  }
0x262: {  	s8 =	simm.s32 $0xB1A0;
	s7 =	simm.s32 $0x0;
	v11 =	vadd.f32 v11, v9;
	v9 =	vadd.f32 v63, v10;
	[sflag:s31] =	ssyncadd.s32 $0xFFFFF800  }
.LBB2_12:
0x263: {  	v10 =	vor.u32 s9, v0  }
0x264: {  	v12 =	vand.u32 $0x78, v10  }
0x265: {  	v12 =	vor.u32 v4, v12;
	_ =	sdelay $0x4  }
0x266: {  	v12 =	vld.idx.msk [tilespmem:v12+s7+$0x0], $0xffff;
	_ =	sdelay $0x1  }
0x267: {  	v13 =	vmov s9  }
0x268: {  	v13 =	vshll.u32 v13, $0x4;
	v10 =	vshll.u32 v10, $0x4  }
0x269: {  	v13 =	vand.u32 $0x800, v13;
	v10 =	vand.u32 $0x7F0, v10  }
0x26a: {  	v10 =	vor.u32 v10, v13;
	v12 =	vand.u32 $0xF, v12  }
0x26b: {  	v10 =	vor.u32 v12, v10  }
0x26c: {  	v10 =	vor.u32 $0x6000, v10;
	_ =	sdelay $0x4  }
0x26d: {  	v10 =	vld.idx.msk [tilespmem:v10+s30+$0x0], $0xffff;
	_ =	sdelay $0x4  }
0x26e: {  	v62 =	vand.u32 $0x7FFFFFFF, v10  }
0x26f: {  	v12 =	vsub.f32 $0.0e+00, v62;
	_ =	sdelay $0x1  }
0x270: {  	v12 =	vmul.f32 $1.442695020e+00, v12;
	_ =	sdelay $0x1  }
0x271: {  	(erf) = vpow2.f32 v12;
	_ =	sdelay $0x8  }
0x272: {  	v12 =	vpop (erf)  }
0x273: {  	v63 =	vmul.f32 $1.024382840e-02, v12;
	_ =	sdelay $0x1  }
0x274: {  	v13 =	vadd.f32 $-5.326747890e-02, v63;
	_ =	sdelay $0x1  }
0x275: {  	v13 =	vmul.f32 v13, v12;
	_ =	sdelay $0x1  }
0x276: {  	v13 =	vadd.f32 $1.319896580e-01, v13;
	_ =	sdelay $0x1  }
0x277: {  	v13 =	vmul.f32 v13, v12;
	_ =	sdelay $0x1  }
0x278: {  	v13 =	vadd.f32 $-2.239668970e-01, v13;
	_ =	sdelay $0x1  }
0x279: {  	v13 =	vmul.f32 v13, v12;
	_ =	sdelay $0x1  }
0x27a: {  	v13 =	vadd.f32 $3.275117280e-01, v13;
	_ =	sdelay $0x1  }
0x27b: {  	v13 =	vmul.f32 v13, v12;
	_ =	sdelay $0x1  }
0x27c: {  	v13 =	vadd.f32 $-4.993339480e-01, v13;
	_ =	sdelay $0x1  }
0x27d: {  	v13 =	vmul.f32 v13, v12;
	_ =	sdelay $0x1  }
0x27e: {  	v13 =	vadd.f32 $9.999702570e-01, v13;
	_ =	sdelay $0x1  }
0x27f: {  	v12 =	vmul.f32 v13, v12  }
0x280: {  	p0 =	sne.s32 s9, $0xF0  }
.Ltmp5:
0x281: {  	v12 =	vadd.f32 $2.215976450e-07, v12;
	(pc) =	sbr.rel @p0 .LBB2_12-.Ltmp5, $3  }
0x282: {  	v10 =	vmin.f32 v10, $0.0e+00  }
0x283: {  	v10 =	vsub.f32 v10, v12;
	_ =	sdelay $0x1  }
0x284: {  	s9 =	sadd.s32 $0x10, s9;
	[tilespmem:s8+$0x0] =	vst v10;
	s8 =	sadd.s32 $0x10, s8  }
0x285: {  	v10 =	vor.u32 s7, v0  }
0x286: {  	v12 =	vand.u32 $0x78, v10  }
0x287: {  	v12 =	vor.u32 v4, v12;
	_ =	sdelay $0x4  }
0x288: {  	v13 =	vld.idx.msk [tilespmem:v12+s20+$0x0], $0xffff  }
0x289: {  	v12 =	vld.idx.msk [tilespmem:v12+s1+$0x0], $0xffff  }
0x28a: {  	v14 =	vmov s7  }
0x28b: {  	v14 =	vshrl.u32 v14, $0x7;
	v10 =	vshll.u32 v10, $0x4  }
0x28c: {  	v15 =	vshll.u32 v14, $0xB;
	v10 =	vand.u32 $0x7F0, v10  }
0x28d: {  	v16 =	vor.u32 v10, v15;
	v15 =	vxor.u32 $0x800, v15  }
0x28e: {  	v10 =	vor.u32 v10, v15;
	v17 =	vand.u32 $0x8, v12;
	v13 =	vshll.u32 v13, $0x2  }
0x28f: {  	v12 =	vand.u32 $0x7, v12;
	v15 =	vor.u32 v17, v16;
	v13 =	vadd.s32 v14, v13  }
0x290: {  	v10 =	vor.u32 v17, v10;
	v14 =	vor.u32 v12, v15;
	v15 =	vxor.u32 $0x1, v13  }
0x291: {  	v10 =	vor.u32 v12, v10;
	v14 =	vadd.s32 $0x7000, v14  }
0x292: {  	v10 =	vadd.s32 $0x7000, v10;
	_ =	sdelay $0x1  }
0x293: {  	v12 =	vld.idx.msk [tilespmem:v13+s19+$0x0], $0xffff  }
0x294: {  	v13 =	vld.idx.msk [tilespmem:v15+s19+$0x0], $0xffff  }
0x295: {  	v14 =	vld.idx.msk [tilespmem:v14+s30+$0x0], $0xffff  }
0x296: {  	v10 =	vld.idx.msk [tilespmem:v10+s30+$0x0], $0xffff;
	_ =	sdelay $0x4  }
0x297: {  	v15 =	vadd.f32 v12, v14;
	v10 =	vadd.f32 v13, v10;
	_ =	sdelay $0x1  }
0x298: {  	v13 =	vsub.f32 v15, v10;
	_ =	sdelay $0x1  }
0x299: {  	v13 =	vand.u32 $0x7FFFFFFF, v13  }
0x29a: {  	v13 =	vsub.f32 $0.0e+00, v13;
	_ =	sdelay $0x1  }
0x29b: {  	v13 =	vmul.f32 $1.442695020e+00, v13;
	_ =	sdelay $0x1  }
0x29c: {  	(erf) = vpow2.f32 v13;
	_ =	sdelay $0x8  }
0x29d: {  	v13 =	vpop (erf)  }
0x29e: {  	v54 =	vmul.f32 $1.024382840e-02, v13;
	_ =	sdelay $0x1  }
0x29f: {  	v16 =	vadd.f32 $-5.326747890e-02, v54;
	_ =	sdelay $0x1  }
0x2a0: {  	v16 =	vmul.f32 v16, v13;
	_ =	sdelay $0x1  }
0x2a1: {  	v16 =	vadd.f32 $1.319896580e-01, v16;
	_ =	sdelay $0x1  }
0x2a2: {  	v16 =	vmul.f32 v16, v13;
	_ =	sdelay $0x1  }
0x2a3: {  	v16 =	vadd.f32 $-2.239668970e-01, v16;
	_ =	sdelay $0x1  }
0x2a4: {  	v16 =	vmul.f32 v16, v13;
	_ =	sdelay $0x1  }
0x2a5: {  	v16 =	vadd.f32 $3.275117280e-01, v16;
	_ =	sdelay $0x1  }
0x2a6: {  	v16 =	vmul.f32 v16, v13;
	_ =	sdelay $0x1  }
0x2a7: {  	v16 =	vadd.f32 $-4.993339480e-01, v16;
	_ =	sdelay $0x1  }
0x2a8: {  	v16 =	vmul.f32 v16, v13;
	_ =	sdelay $0x1  }
0x2a9: {  	v16 =	vadd.f32 $9.999702570e-01, v16  }
0x2aa: {  	s24 =	simm.s32 $0x10  }
0x2ab: {  	v55 =	vor.u32 s24, v0;
	v13 =	vmul.f32 v16, v13  }
0x2ac: {  	s8 =	simm.s32 $0x0;
	v56 =	vand.u32 $0x78, v55;
	v10 =	vmax.f32 v15, v10  }
0x2ad: {  	s8 =	smul.u32 $0xC00, s8;
	v10 =	vsub.f32 v15, v10;
	v16 =	vor.u32 v4, v56;
	v13 =	vadd.f32 $2.215976450e-07, v13;
	_ =	sdelay $0x1  }
0x2ae: {  	s8 =	sshra.s32 s8, $0x2;
	v10 =	vsub.f32 v10, v13  }
0x2af: {  	s8 =	sadd.s32 $0xB5A0, s8  }
0x2b0: {  	[tilespmem:s8+$0x0] =	vst v10  }
0x2b1: {  	v10 =	vld.idx.msk [tilespmem:v16+s20+$0x0], $0xffff  }
0x2b2: {  	v13 =	vld.idx.msk [tilespmem:v16+s1+$0x0], $0xffff  }
0x2b3: {  	v15 =	vmov s24  }
0x2b4: {  	v57 =	vshll.u32 v55, $0x4;
	v15 =	vshrl.u32 v15, $0x7  }
0x2b5: {  	v58 =	vshll.u32 v15, $0xB;
	v16 =	vand.u32 $0x7F0, v57  }
0x2b6: {  	v17 =	vxor.u32 $0x800, v58;
	v18 =	vor.u32 v16, v58  }
0x2b7: {  	v16 =	vor.u32 v16, v17;
	v59 =	vand.u32 $0x8, v13;
	v10 =	vshll.u32 v10, $0x2  }
0x2b8: {  	v13 =	vand.u32 $0x7, v13;
	v18 =	vor.u32 v59, v18;
	v10 =	vadd.s32 v15, v10  }
0x2b9: {  	v16 =	vor.u32 v59, v16;
	v15 =	vor.u32 v13, v18;
	v60 =	vxor.u32 $0x1, v10  }
0x2ba: {  	v13 =	vor.u32 v13, v16;
	v15 =	vadd.s32 $0x7000, v15  }
0x2bb: {  	v13 =	vadd.s32 $0x7000, v13;
	_ =	sdelay $0x1  }
0x2bc: {  	v10 =	vld.idx.msk [tilespmem:v10+s19+$0x0], $0xffff  }
0x2bd: {  	v61 =	vld.idx.msk [tilespmem:v60+s19+$0x0], $0xffff  }
0x2be: {  	v15 =	vld.idx.msk [tilespmem:v15+s30+$0x0], $0xffff  }
0x2bf: {  	v13 =	vld.idx.msk [tilespmem:v13+s30+$0x0], $0xffff;
	_ =	sdelay $0x4  }
0x2c0: {  	v62 =	vadd.f32 v10, v15;
	v13 =	vadd.f32 v61, v13;
	_ =	sdelay $0x1  }
0x2c1: {  	v16 =	vsub.f32 v62, v13;
	_ =	sdelay $0x1  }
0x2c2: {  	v16 =	vand.u32 $0x7FFFFFFF, v16  }
0x2c3: {  	v16 =	vsub.f32 $0.0e+00, v16;
	_ =	sdelay $0x1  }
0x2c4: {  	v16 =	vmul.f32 $1.442695020e+00, v16;
	_ =	sdelay $0x1  }
0x2c5: {  	(erf) = vpow2.f32 v16;
	_ =	sdelay $0x8  }
0x2c6: {  	v16 =	vpop (erf)  }
0x2c7: {  	v63 =	vmul.f32 $1.024382840e-02, v16;
	_ =	sdelay $0x1  }
0x2c8: {  	v18 =	vadd.f32 $-5.326747890e-02, v63;
	_ =	sdelay $0x1  }
0x2c9: {  	v18 =	vmul.f32 v18, v16;
	_ =	sdelay $0x1  }
0x2ca: {  	v18 =	vadd.f32 $1.319896580e-01, v18;
	_ =	sdelay $0x1  }
0x2cb: {  	v18 =	vmul.f32 v18, v16;
	_ =	sdelay $0x1  }
0x2cc: {  	v18 =	vadd.f32 $-2.239668970e-01, v18;
	_ =	sdelay $0x1  }
0x2cd: {  	v18 =	vmul.f32 v18, v16;
	_ =	sdelay $0x1  }
0x2ce: {  	v18 =	vadd.f32 $3.275117280e-01, v18;
	_ =	sdelay $0x1  }
0x2cf: {  	v18 =	vmul.f32 v18, v16;
	_ =	sdelay $0x1  }
0x2d0: {  	v18 =	vadd.f32 $-4.993339480e-01, v18;
	_ =	sdelay $0x1  }
0x2d1: {  	v12 =	vmul.f32 v12, v12;
	v18 =	vmul.f32 v18, v16  }
0x2d2: {  	v14 =	vmul.f32 v14, v14  }
0x2d3: {  	v11 =	vadd.f32 v12, v11;
	v10 =	vmul.f32 v10, v10;
	v12 =	vadd.f32 $9.999702570e-01, v18  }
0x2d4: {  	s22 =	simm.s32 $0x20;
	v14 =	vadd.f32 v14, v9;
	v15 =	vmul.f32 v15, v15  }
0x2d5: {  	v9 =	vadd.f32 v10, v11;
	v11 =	vor.u32 s22, v0;
	v16 =	vmul.f32 v12, v16  }
0x2d6: {  	s7 =	simm.s32 $0x2;
	s24 =	simm.s32 $0x0;
	v10 =	vadd.f32 v15, v14;
	v13 =	vmax.f32 v62, v13;
	v12 =	vand.u32 $0x78, v11  }
0x2d7: {  	s9 =	simm.s32 $0x3;
	s24 =	smul.u32 $0xC00, s24;
	s8 =	simm.s32 $0xB5A0;
	v13 =	vsub.f32 v62, v13;
	v12 =	vor.u32 v4, v12;
	v14 =	vadd.f32 $2.215976450e-07, v16  }
.LBB2_14:
0x2d8: {  	p0 =	sne.s32 s9, $0x1F  }
0x2d9: {  	s8 =	sadd.s32 $0x10, s8;
	s24 =	sshra.s32 s24, $0x2;
	v13 =	vsub.f32 v13, v14  }
0x2da: {  	s24 =	sadd.s32 s24, s8  }
0x2db: {  	[tilespmem:s24+$0x0] =	vst v13  }
0x2dc: {  	v13 =	vld.idx.msk [tilespmem:v12+s20+$0x0], $0xffff  }
0x2dd: {  	v12 =	vld.idx.msk [tilespmem:v12+s1+$0x0], $0xffff;
	_ =	sdelay $0x1  }
0x2de: {  	v14 =	vmov s22  }
0x2df: {  	v11 =	vshll.u32 v11, $0x4;
	v14 =	vshrl.u32 v14, $0x7  }
0x2e0: {  	v11 =	vand.u32 $0x7F0, v11;
	v15 =	vshll.u32 v14, $0xB  }
0x2e1: {  	v16 =	vor.u32 v11, v15;
	v15 =	vxor.u32 $0x800, v15  }
0x2e2: {  	v11 =	vor.u32 v11, v15;
	v13 =	vshll.u32 v13, $0x2;
	v17 =	vand.u32 $0x8, v12  }
0x2e3: {  	v12 =	vand.u32 $0x7, v12;
	v13 =	vadd.s32 v14, v13;
	v15 =	vor.u32 v17, v16  }
0x2e4: {  	v11 =	vor.u32 v17, v11;
	v14 =	vor.u32 v12, v15;
	v15 =	vxor.u32 $0x1, v13  }
0x2e5: {  	v11 =	vor.u32 v12, v11;
	v14 =	vadd.s32 $0x7000, v14  }
0x2e6: {  	v11 =	vadd.s32 $0x7000, v11;
	_ =	sdelay $0x1  }
0x2e7: {  	v12 =	vld.idx.msk [tilespmem:v13+s19+$0x0], $0xffff  }
0x2e8: {  	v13 =	vld.idx.msk [tilespmem:v15+s19+$0x0], $0xffff  }
0x2e9: {  	v14 =	vld.idx.msk [tilespmem:v14+s30+$0x0], $0xffff  }
0x2ea: {  	v11 =	vld.idx.msk [tilespmem:v11+s30+$0x0], $0xffff;
	_ =	sdelay $0x2  }
0x2eb: {  	v15 =	vmul.f32 v12, v12;
	_ =	sdelay $0x1  }
0x2ec: {  	v16 =	vmul.f32 v14, v14;
	v9 =	vadd.f32 v15, v9  }
0x2ed: {  	v14 =	vadd.f32 v12, v14;
	v12 =	vadd.f32 v13, v11  }
0x2ee: {  	v10 =	vadd.f32 v16, v10  }
0x2ef: {  	v11 =	vsub.f32 v14, v12;
	_ =	sdelay $0x1  }
0x2f0: {  	v11 =	vand.u32 $0x7FFFFFFF, v11  }
0x2f1: {  	v11 =	vsub.f32 $0.0e+00, v11;
	_ =	sdelay $0x1  }
0x2f2: {  	v11 =	vmul.f32 $1.442695020e+00, v11;
	_ =	sdelay $0x1  }
0x2f3: {  	(erf) = vpow2.f32 v11;
	_ =	sdelay $0x8  }
0x2f4: {  	v13 =	vpop (erf)  }
0x2f5: {  	v11 =	vmul.f32 $1.024382840e-02, v13;
	_ =	sdelay $0x1  }
0x2f6: {  	v11 =	vadd.f32 $-5.326747890e-02, v11;
	_ =	sdelay $0x1  }
0x2f7: {  	v11 =	vmul.f32 v11, v13;
	_ =	sdelay $0x1  }
0x2f8: {  	v11 =	vadd.f32 $1.319896580e-01, v11;
	_ =	sdelay $0x1  }
0x2f9: {  	v11 =	vmul.f32 v11, v13;
	_ =	sdelay $0x1  }
0x2fa: {  	v11 =	vadd.f32 $-2.239668970e-01, v11;
	_ =	sdelay $0x1  }
0x2fb: {  	v11 =	vmul.f32 v11, v13;
	_ =	sdelay $0x1  }
0x2fc: {  	v11 =	vadd.f32 $3.275117280e-01, v11;
	_ =	sdelay $0x1  }
0x2fd: {  	v11 =	vmul.f32 v11, v13;
	_ =	sdelay $0x1  }
0x2fe: {  	v11 =	vadd.f32 $-4.993339480e-01, v11;
	_ =	sdelay $0x1  }
0x2ff: {  	v11 =	vmul.f32 v11, v13;
	_ =	sdelay $0x1  }
.Ltmp6:
0x300: {  	v15 =	vadd.f32 $9.999702570e-01, v11;
	(pc) =	sbr.rel @p0 .LBB2_14-.Ltmp6, $4  }
0x301: {  	s22 =	sadd.s32 $0x10, s22  }
0x302: {  	v11 =	vor.u32 s22, v0;
	v15 =	vmul.f32 v15, v13  }
0x303: {  	s24 =	sshrl.u32 s7, $0x4;
	s7 =	smov.u32 s9;
	v16 =	vmax.f32 v14, v12;
	v13 =	vand.u32 $0x78, v11  }
0x304: {  	s9 =	sadd.s32 $0x1, s9;
	s24 =	smul.u32 $0xC00, s24;
	v12 =	vor.u32 v4, v13;
	v13 =	vsub.f32 v14, v16;
	v14 =	vadd.f32 $2.215976450e-07, v15  }
0x305: {  	_ = 	snop  }
0x306: {  	s8 =	sadd.s32 $0x10, s8;
	s9 =	sshra.s32 s24, $0x2;
	v13 =	vsub.f32 v13, v14  }
0x307: {  	s9 =	sadd.s32 s9, s8  }
0x308: {  	[tilespmem:s9+$0x0] =	vst v13  }
0x309: {  	v13 =	vld.idx.msk [tilespmem:v12+s20+$0x0], $0xffff  }
0x30a: {  	v54 =	vld.idx.msk [tilespmem:v12+s1+$0x0], $0xffff  }
0x30b: {  	v55 =	vmov s22  }
0x30c: {  	v11 =	vshll.u32 v11, $0x4;
	v14 =	vshrl.u32 v55, $0x7  }
0x30d: {  	v11 =	vand.u32 $0x7F0, v11;
	v15 =	vshll.u32 v14, $0xB  }
0x30e: {  	v16 =	vor.u32 v11, v15;
	v15 =	vxor.u32 $0x800, v15  }
0x30f: {  	v11 =	vor.u32 v11, v15;
	v17 =	vand.u32 $0x8, v54;
	v13 =	vshll.u32 v13, $0x2  }
0x310: {  	v12 =	vand.u32 $0x7, v54;
	v56 =	vor.u32 v17, v16;
	v13 =	vadd.s32 v14, v13  }
0x311: {  	v11 =	vor.u32 v17, v11;
	v57 =	vor.u32 v12, v56;
	v58 =	vxor.u32 $0x1, v13  }
0x312: {  	v11 =	vor.u32 v12, v11;
	v14 =	vadd.s32 $0x7000, v57  }
0x313: {  	v11 =	vadd.s32 $0x7000, v11;
	_ =	sdelay $0x1  }
0x314: {  	v59 =	vld.idx.msk [tilespmem:v13+s19+$0x0], $0xffff  }
0x315: {  	v60 =	vld.idx.msk [tilespmem:v58+s19+$0x0], $0xffff  }
0x316: {  	v14 =	vld.idx.msk [tilespmem:v14+s30+$0x0], $0xffff  }
0x317: {  	v11 =	vld.idx.msk [tilespmem:v11+s30+$0x0], $0xffff;
	_ =	sdelay $0x4  }
0x318: {  	v61 =	vadd.f32 v59, v14;
	v11 =	vadd.f32 v60, v11;
	_ =	sdelay $0x1  }
0x319: {  	v13 =	vsub.f32 v61, v11;
	_ =	sdelay $0x1  }
0x31a: {  	v13 =	vand.u32 $0x7FFFFFFF, v13  }
0x31b: {  	v13 =	vsub.f32 $0.0e+00, v13;
	_ =	sdelay $0x1  }
0x31c: {  	v13 =	vmul.f32 $1.442695020e+00, v13;
	_ =	sdelay $0x1  }
0x31d: {  	(erf) = vpow2.f32 v13;
	_ =	sdelay $0x8  }
0x31e: {  	v13 =	vpop (erf)  }
0x31f: {  	v62 =	vmul.f32 $1.024382840e-02, v13;
	_ =	sdelay $0x1  }
0x320: {  	v16 =	vadd.f32 $-5.326747890e-02, v62;
	_ =	sdelay $0x1  }
0x321: {  	v16 =	vmul.f32 v16, v13;
	_ =	sdelay $0x1  }
0x322: {  	v16 =	vadd.f32 $1.319896580e-01, v16;
	_ =	sdelay $0x1  }
0x323: {  	v16 =	vmul.f32 v16, v13;
	_ =	sdelay $0x1  }
0x324: {  	v16 =	vadd.f32 $-2.239668970e-01, v16;
	_ =	sdelay $0x1  }
0x325: {  	v16 =	vmul.f32 v16, v13;
	_ =	sdelay $0x1  }
0x326: {  	v16 =	vadd.f32 $3.275117280e-01, v16;
	_ =	sdelay $0x1  }
0x327: {  	v16 =	vmul.f32 v16, v13;
	_ =	sdelay $0x1  }
0x328: {  	v16 =	vadd.f32 $-4.993339480e-01, v16;
	_ =	sdelay $0x1  }
0x329: {  	v16 =	vmul.f32 v16, v13;
	_ =	sdelay $0x1  }
0x32a: {  	v16 =	vadd.f32 $9.999702570e-01, v16;
	_ =	sdelay $0x1  }
0x32b: {  	v13 =	vmul.f32 v16, v13  }
0x32c: {  	s7 =	sshrl.u32 s7, $0x4;
	v11 =	vmax.f32 v61, v11  }
0x32d: {  	s7 =	smul.u32 $0xC00, s7;
	v11 =	vsub.f32 v61, v11;
	v13 =	vadd.f32 $2.215976450e-07, v13;
	_ =	sdelay $0x1  }
0x32e: {  	s8 =	sadd.s32 $0x10, s8;
	s7 =	sshra.s32 s7, $0x2;
	v11 =	vsub.f32 v11, v13  }
0x32f: {  	s7 =	sadd.s32 s7, s8  }
0x330: {  	[tilespmem:s7+$0x0] =	vst v11  }
0x331: {  	_ =	swait.ge [sflag:s23], $0x800  }
0x332: {  	[sflag:s23] =	ssyncset.done $0x0  }
0x333: {  	[sflag:s23] =	ssyncadd.s32 $0xFFFFF800  }
0x334: {  	_ =	swait.ge [sflag:s23], $0x800  }
0x335: {  	[sflag:s23] =	ssyncset.done $0x0  }
0x336: {  	[sflag:s23] =	ssyncadd.s32 $0xFFFFF800  }
0x337: {  	_ =	swait.ge [sflag:s23], $0x800  }
0x338: {  	[sflag:s23] =	ssyncset.done $0x0  }
0x339: {  	[sflag:s23] =	ssyncadd.s32 $0xFFFFF800  }
0x33a: {  	_ =	swait.ge [sflag:s23], $0x800  }
0x33b: {  	[sflag:s23] =	ssyncset.done $0x0  }
0x33c: {  	[sflag:s23] =	ssyncadd.s32 $0xFFFFF800  }
0x33d: {  	_ =	swait.ge [sflag:s23], $0x800  }
0x33e: {  	[sflag:s23] =	ssyncset.done $0x0  }
0x33f: {  	[sflag:s23] =	ssyncadd.s32 $0xFFFFF800  }
0x340: {  	v63 =	vmul.f32 v14, v14;
	v11 =	vmul.f32 v59, v59;
	_ =	swait.ge [sflag:s23], $0x800  }
0x341: {  	s9 =	simm.s32 $0x0;
	[sflag:s23] =	ssyncset.done $0x0  }
0x342: {  	s8 =	simm.s32 $0xB2A0;
	s7 =	simm.s32 $0x0;
	v11 =	vadd.f32 v11, v9;
	v9 =	vadd.f32 v63, v10;
	[sflag:s23] =	ssyncadd.s32 $0xFFFFF800  }
.LBB2_16:
0x343: {  	v10 =	vor.u32 s9, v0  }
0x344: {  	v12 =	vand.u32 $0x78, v10  }
0x345: {  	v12 =	vor.u32 v5, v12;
	_ =	sdelay $0x4  }
0x346: {  	v12 =	vld.idx.msk [tilespmem:v12+s7+$0x0], $0xffff;
	_ =	sdelay $0x1  }
0x347: {  	v13 =	vmov s9  }
0x348: {  	v13 =	vshll.u32 v13, $0x4;
	v10 =	vshll.u32 v10, $0x4  }
0x349: {  	v13 =	vand.u32 $0x800, v13;
	v10 =	vand.u32 $0x7F0, v10  }
0x34a: {  	v10 =	vor.u32 v13, v10;
	v12 =	vand.u32 $0xF, v12  }
0x34b: {  	v10 =	vor.u32 v12, v10;
	_ =	sdelay $0x4  }
0x34c: {  	v10 =	vld.idx.msk [tilespmem:v10+s30+$0x0], $0xffff;
	_ =	sdelay $0x4  }
0x34d: {  	v62 =	vand.u32 $0x7FFFFFFF, v10  }
0x34e: {  	v12 =	vsub.f32 $0.0e+00, v62;
	_ =	sdelay $0x1  }
0x34f: {  	v12 =	vmul.f32 $1.442695020e+00, v12;
	_ =	sdelay $0x1  }
0x350: {  	(erf) = vpow2.f32 v12;
	_ =	sdelay $0x8  }
0x351: {  	v12 =	vpop (erf)  }
0x352: {  	v63 =	vmul.f32 $1.024382840e-02, v12;
	_ =	sdelay $0x1  }
0x353: {  	v13 =	vadd.f32 $-5.326747890e-02, v63;
	_ =	sdelay $0x1  }
0x354: {  	v13 =	vmul.f32 v13, v12;
	_ =	sdelay $0x1  }
0x355: {  	v13 =	vadd.f32 $1.319896580e-01, v13;
	_ =	sdelay $0x1  }
0x356: {  	v13 =	vmul.f32 v13, v12;
	_ =	sdelay $0x1  }
0x357: {  	v13 =	vadd.f32 $-2.239668970e-01, v13;
	_ =	sdelay $0x1  }
0x358: {  	v13 =	vmul.f32 v13, v12;
	_ =	sdelay $0x1  }
0x359: {  	v13 =	vadd.f32 $3.275117280e-01, v13;
	_ =	sdelay $0x1  }
0x35a: {  	v13 =	vmul.f32 v13, v12;
	_ =	sdelay $0x1  }
0x35b: {  	v13 =	vadd.f32 $-4.993339480e-01, v13;
	_ =	sdelay $0x1  }
0x35c: {  	v13 =	vmul.f32 v13, v12;
	_ =	sdelay $0x1  }
0x35d: {  	v13 =	vadd.f32 $9.999702570e-01, v13;
	_ =	sdelay $0x1  }
0x35e: {  	v12 =	vmul.f32 v13, v12  }
0x35f: {  	p0 =	sne.s32 s9, $0xF0  }
.Ltmp7:
0x360: {  	v12 =	vadd.f32 $2.215976450e-07, v12;
	(pc) =	sbr.rel @p0 .LBB2_16-.Ltmp7, $3  }
0x361: {  	v10 =	vmin.f32 v10, $0.0e+00  }
0x362: {  	v10 =	vsub.f32 v10, v12;
	_ =	sdelay $0x1  }
0x363: {  	s9 =	sadd.s32 $0x10, s9;
	[tilespmem:s8+$0x0] =	vst v10;
	s8 =	sadd.s32 $0x10, s8  }
0x364: {  	v10 =	vor.u32 s7, v0  }
0x365: {  	v12 =	vand.u32 $0x78, v10  }
0x366: {  	v12 =	vor.u32 v5, v12;
	_ =	sdelay $0x4  }
0x367: {  	v13 =	vld.idx.msk [tilespmem:v12+s20+$0x0], $0xffff  }
0x368: {  	v12 =	vld.idx.msk [tilespmem:v12+s1+$0x0], $0xffff  }
0x369: {  	v14 =	vmov s7  }
0x36a: {  	v14 =	vshrl.u32 v14, $0x7;
	v10 =	vshll.u32 v10, $0x4  }
0x36b: {  	v15 =	vshll.u32 v14, $0xB;
	v10 =	vand.u32 $0x7F0, v10  }
0x36c: {  	v16 =	vor.u32 v10, v15;
	v15 =	vxor.u32 $0x800, v15  }
0x36d: {  	v10 =	vor.u32 v10, v15;
	v17 =	vand.u32 $0x8, v12;
	v13 =	vshll.u32 v13, $0x2  }
0x36e: {  	v12 =	vand.u32 $0x7, v12;
	v15 =	vor.u32 v17, v16;
	v13 =	vadd.s32 v14, v13  }
0x36f: {  	v10 =	vor.u32 v17, v10;
	v14 =	vor.u32 v12, v15;
	v15 =	vxor.u32 $0x1, v13  }
0x370: {  	v10 =	vor.u32 v12, v10;
	v14 =	vadd.s32 $0x1000, v14  }
0x371: {  	v10 =	vadd.s32 $0x1000, v10;
	_ =	sdelay $0x1  }
0x372: {  	v12 =	vld.idx.msk [tilespmem:v13+s19+$0x0], $0xffff  }
0x373: {  	v13 =	vld.idx.msk [tilespmem:v15+s19+$0x0], $0xffff  }
0x374: {  	v14 =	vld.idx.msk [tilespmem:v14+s30+$0x0], $0xffff  }
0x375: {  	v10 =	vld.idx.msk [tilespmem:v10+s30+$0x0], $0xffff;
	_ =	sdelay $0x4  }
0x376: {  	v15 =	vadd.f32 v12, v14;
	v10 =	vadd.f32 v13, v10;
	_ =	sdelay $0x1  }
0x377: {  	v13 =	vsub.f32 v15, v10;
	_ =	sdelay $0x1  }
0x378: {  	v13 =	vand.u32 $0x7FFFFFFF, v13  }
0x379: {  	v13 =	vsub.f32 $0.0e+00, v13;
	_ =	sdelay $0x1  }
0x37a: {  	v13 =	vmul.f32 $1.442695020e+00, v13;
	_ =	sdelay $0x1  }
0x37b: {  	(erf) = vpow2.f32 v13;
	_ =	sdelay $0x8  }
0x37c: {  	v13 =	vpop (erf)  }
0x37d: {  	v54 =	vmul.f32 $1.024382840e-02, v13;
	_ =	sdelay $0x1  }
0x37e: {  	v16 =	vadd.f32 $-5.326747890e-02, v54;
	_ =	sdelay $0x1  }
0x37f: {  	v16 =	vmul.f32 v16, v13;
	_ =	sdelay $0x1  }
0x380: {  	v16 =	vadd.f32 $1.319896580e-01, v16;
	_ =	sdelay $0x1  }
0x381: {  	v16 =	vmul.f32 v16, v13;
	_ =	sdelay $0x1  }
0x382: {  	v16 =	vadd.f32 $-2.239668970e-01, v16;
	_ =	sdelay $0x1  }
0x383: {  	v16 =	vmul.f32 v16, v13;
	_ =	sdelay $0x1  }
0x384: {  	v16 =	vadd.f32 $3.275117280e-01, v16;
	_ =	sdelay $0x1  }
0x385: {  	v16 =	vmul.f32 v16, v13;
	_ =	sdelay $0x1  }
0x386: {  	v16 =	vadd.f32 $-4.993339480e-01, v16;
	_ =	sdelay $0x1  }
0x387: {  	v16 =	vmul.f32 v16, v13;
	_ =	sdelay $0x1  }
0x388: {  	v16 =	vadd.f32 $9.999702570e-01, v16  }
0x389: {  	s24 =	simm.s32 $0x10  }
0x38a: {  	v55 =	vor.u32 s24, v0;
	v13 =	vmul.f32 v16, v13  }
0x38b: {  	s8 =	simm.s32 $0x0;
	v56 =	vand.u32 $0x78, v55;
	v10 =	vmax.f32 v15, v10  }
0x38c: {  	s8 =	smul.u32 $0xC00, s8;
	v10 =	vsub.f32 v15, v10;
	v16 =	vor.u32 v5, v56;
	v13 =	vadd.f32 $2.215976450e-07, v13;
	_ =	sdelay $0x1  }
0x38d: {  	s8 =	sshra.s32 s8, $0x2;
	v10 =	vsub.f32 v10, v13  }
0x38e: {  	s8 =	sadd.s32 $0xB6A0, s8  }
0x38f: {  	[tilespmem:s8+$0x0] =	vst v10  }
0x390: {  	v10 =	vld.idx.msk [tilespmem:v16+s20+$0x0], $0xffff  }
0x391: {  	v13 =	vld.idx.msk [tilespmem:v16+s1+$0x0], $0xffff  }
0x392: {  	v15 =	vmov s24  }
0x393: {  	v57 =	vshll.u32 v55, $0x4;
	v15 =	vshrl.u32 v15, $0x7  }
0x394: {  	v58 =	vshll.u32 v15, $0xB;
	v16 =	vand.u32 $0x7F0, v57  }
0x395: {  	v17 =	vxor.u32 $0x800, v58;
	v18 =	vor.u32 v16, v58  }
0x396: {  	v16 =	vor.u32 v16, v17;
	v59 =	vand.u32 $0x8, v13;
	v10 =	vshll.u32 v10, $0x2  }
0x397: {  	v13 =	vand.u32 $0x7, v13;
	v18 =	vor.u32 v59, v18;
	v10 =	vadd.s32 v15, v10  }
0x398: {  	v16 =	vor.u32 v59, v16;
	v15 =	vor.u32 v13, v18;
	v60 =	vxor.u32 $0x1, v10  }
0x399: {  	v13 =	vor.u32 v13, v16;
	v15 =	vadd.s32 $0x1000, v15  }
0x39a: {  	v13 =	vadd.s32 $0x1000, v13;
	_ =	sdelay $0x1  }
0x39b: {  	v10 =	vld.idx.msk [tilespmem:v10+s19+$0x0], $0xffff  }
0x39c: {  	v61 =	vld.idx.msk [tilespmem:v60+s19+$0x0], $0xffff  }
0x39d: {  	v15 =	vld.idx.msk [tilespmem:v15+s30+$0x0], $0xffff  }
0x39e: {  	v13 =	vld.idx.msk [tilespmem:v13+s30+$0x0], $0xffff;
	_ =	sdelay $0x4  }
0x39f: {  	v62 =	vadd.f32 v10, v15;
	v13 =	vadd.f32 v61, v13;
	_ =	sdelay $0x1  }
0x3a0: {  	v16 =	vsub.f32 v62, v13;
	_ =	sdelay $0x1  }
0x3a1: {  	v16 =	vand.u32 $0x7FFFFFFF, v16  }
0x3a2: {  	v16 =	vsub.f32 $0.0e+00, v16;
	_ =	sdelay $0x1  }
0x3a3: {  	v16 =	vmul.f32 $1.442695020e+00, v16;
	_ =	sdelay $0x1  }
0x3a4: {  	(erf) = vpow2.f32 v16;
	_ =	sdelay $0x8  }
0x3a5: {  	v16 =	vpop (erf)  }
0x3a6: {  	v63 =	vmul.f32 $1.024382840e-02, v16;
	_ =	sdelay $0x1  }
0x3a7: {  	v18 =	vadd.f32 $-5.326747890e-02, v63;
	_ =	sdelay $0x1  }
0x3a8: {  	v18 =	vmul.f32 v18, v16;
	_ =	sdelay $0x1  }
0x3a9: {  	v18 =	vadd.f32 $1.319896580e-01, v18;
	_ =	sdelay $0x1  }
0x3aa: {  	v18 =	vmul.f32 v18, v16;
	_ =	sdelay $0x1  }
0x3ab: {  	v18 =	vadd.f32 $-2.239668970e-01, v18;
	_ =	sdelay $0x1  }
0x3ac: {  	v18 =	vmul.f32 v18, v16;
	_ =	sdelay $0x1  }
0x3ad: {  	v18 =	vadd.f32 $3.275117280e-01, v18;
	_ =	sdelay $0x1  }
0x3ae: {  	v18 =	vmul.f32 v18, v16;
	_ =	sdelay $0x1  }
0x3af: {  	v18 =	vadd.f32 $-4.993339480e-01, v18;
	_ =	sdelay $0x1  }
0x3b0: {  	v12 =	vmul.f32 v12, v12;
	v18 =	vmul.f32 v18, v16  }
0x3b1: {  	v14 =	vmul.f32 v14, v14  }
0x3b2: {  	v11 =	vadd.f32 v12, v11;
	v10 =	vmul.f32 v10, v10;
	v12 =	vadd.f32 $9.999702570e-01, v18  }
0x3b3: {  	s22 =	simm.s32 $0x20;
	v14 =	vadd.f32 v14, v9;
	v15 =	vmul.f32 v15, v15  }
0x3b4: {  	v9 =	vadd.f32 v10, v11;
	v11 =	vor.u32 s22, v0;
	v16 =	vmul.f32 v12, v16  }
0x3b5: {  	s7 =	simm.s32 $0x2;
	s24 =	simm.s32 $0x0;
	v10 =	vadd.f32 v15, v14;
	v13 =	vmax.f32 v62, v13;
	v12 =	vand.u32 $0x78, v11  }
0x3b6: {  	s9 =	simm.s32 $0x3;
	s24 =	smul.u32 $0xC00, s24;
	s8 =	simm.s32 $0xB6A0;
	v13 =	vsub.f32 v62, v13;
	v12 =	vor.u32 v5, v12;
	v14 =	vadd.f32 $2.215976450e-07, v16  }
.LBB2_18:
0x3b7: {  	p0 =	sne.s32 s9, $0x1F  }
0x3b8: {  	s8 =	sadd.s32 $0x10, s8;
	s24 =	sshra.s32 s24, $0x2;
	v13 =	vsub.f32 v13, v14  }
0x3b9: {  	s24 =	sadd.s32 s24, s8  }
0x3ba: {  	[tilespmem:s24+$0x0] =	vst v13  }
0x3bb: {  	v13 =	vld.idx.msk [tilespmem:v12+s20+$0x0], $0xffff  }
0x3bc: {  	v12 =	vld.idx.msk [tilespmem:v12+s1+$0x0], $0xffff;
	_ =	sdelay $0x1  }
0x3bd: {  	v14 =	vmov s22  }
0x3be: {  	v11 =	vshll.u32 v11, $0x4;
	v14 =	vshrl.u32 v14, $0x7  }
0x3bf: {  	v11 =	vand.u32 $0x7F0, v11;
	v15 =	vshll.u32 v14, $0xB  }
0x3c0: {  	v16 =	vor.u32 v11, v15;
	v15 =	vxor.u32 $0x800, v15  }
0x3c1: {  	v11 =	vor.u32 v11, v15;
	v13 =	vshll.u32 v13, $0x2;
	v17 =	vand.u32 $0x8, v12  }
0x3c2: {  	v12 =	vand.u32 $0x7, v12;
	v13 =	vadd.s32 v14, v13;
	v15 =	vor.u32 v17, v16  }
0x3c3: {  	v11 =	vor.u32 v17, v11;
	v14 =	vor.u32 v12, v15;
	v15 =	vxor.u32 $0x1, v13  }
0x3c4: {  	v11 =	vor.u32 v12, v11;
	v14 =	vadd.s32 $0x1000, v14  }
0x3c5: {  	v11 =	vadd.s32 $0x1000, v11;
	_ =	sdelay $0x1  }
0x3c6: {  	v12 =	vld.idx.msk [tilespmem:v13+s19+$0x0], $0xffff  }
0x3c7: {  	v13 =	vld.idx.msk [tilespmem:v15+s19+$0x0], $0xffff  }
0x3c8: {  	v14 =	vld.idx.msk [tilespmem:v14+s30+$0x0], $0xffff  }
0x3c9: {  	v11 =	vld.idx.msk [tilespmem:v11+s30+$0x0], $0xffff;
	_ =	sdelay $0x2  }
0x3ca: {  	v15 =	vmul.f32 v12, v12;
	_ =	sdelay $0x1  }
0x3cb: {  	v16 =	vmul.f32 v14, v14;
	v9 =	vadd.f32 v15, v9  }
0x3cc: {  	v14 =	vadd.f32 v12, v14;
	v12 =	vadd.f32 v13, v11  }
0x3cd: {  	v10 =	vadd.f32 v16, v10  }
0x3ce: {  	v11 =	vsub.f32 v14, v12;
	_ =	sdelay $0x1  }
0x3cf: {  	v11 =	vand.u32 $0x7FFFFFFF, v11  }
0x3d0: {  	v11 =	vsub.f32 $0.0e+00, v11;
	_ =	sdelay $0x1  }
0x3d1: {  	v11 =	vmul.f32 $1.442695020e+00, v11;
	_ =	sdelay $0x1  }
0x3d2: {  	(erf) = vpow2.f32 v11;
	_ =	sdelay $0x8  }
0x3d3: {  	v13 =	vpop (erf)  }
0x3d4: {  	v11 =	vmul.f32 $1.024382840e-02, v13;
	_ =	sdelay $0x1  }
0x3d5: {  	v11 =	vadd.f32 $-5.326747890e-02, v11;
	_ =	sdelay $0x1  }
0x3d6: {  	v11 =	vmul.f32 v11, v13;
	_ =	sdelay $0x1  }
0x3d7: {  	v11 =	vadd.f32 $1.319896580e-01, v11;
	_ =	sdelay $0x1  }
0x3d8: {  	v11 =	vmul.f32 v11, v13;
	_ =	sdelay $0x1  }
0x3d9: {  	v11 =	vadd.f32 $-2.239668970e-01, v11;
	_ =	sdelay $0x1  }
0x3da: {  	v11 =	vmul.f32 v11, v13;
	_ =	sdelay $0x1  }
0x3db: {  	v11 =	vadd.f32 $3.275117280e-01, v11;
	_ =	sdelay $0x1  }
0x3dc: {  	v11 =	vmul.f32 v11, v13;
	_ =	sdelay $0x1  }
0x3dd: {  	v11 =	vadd.f32 $-4.993339480e-01, v11;
	_ =	sdelay $0x1  }
0x3de: {  	v11 =	vmul.f32 v11, v13;
	_ =	sdelay $0x1  }
.Ltmp8:
0x3df: {  	v15 =	vadd.f32 $9.999702570e-01, v11;
	(pc) =	sbr.rel @p0 .LBB2_18-.Ltmp8, $4  }
0x3e0: {  	s22 =	sadd.s32 $0x10, s22  }
0x3e1: {  	v11 =	vor.u32 s22, v0;
	v15 =	vmul.f32 v15, v13  }
0x3e2: {  	s24 =	sshrl.u32 s7, $0x4;
	s7 =	smov.u32 s9;
	v16 =	vmax.f32 v14, v12;
	v13 =	vand.u32 $0x78, v11  }
0x3e3: {  	s9 =	sadd.s32 $0x1, s9;
	s24 =	smul.u32 $0xC00, s24;
	v12 =	vor.u32 v5, v13;
	v13 =	vsub.f32 v14, v16;
	v14 =	vadd.f32 $2.215976450e-07, v15  }
0x3e4: {  	_ = 	snop  }
0x3e5: {  	s8 =	sadd.s32 $0x10, s8;
	s9 =	sshra.s32 s24, $0x2;
	v13 =	vsub.f32 v13, v14  }
0x3e6: {  	s9 =	sadd.s32 s9, s8  }
0x3e7: {  	[tilespmem:s9+$0x0] =	vst v13  }
0x3e8: {  	v13 =	vld.idx.msk [tilespmem:v12+s20+$0x0], $0xffff  }
0x3e9: {  	v54 =	vld.idx.msk [tilespmem:v12+s1+$0x0], $0xffff  }
0x3ea: {  	v55 =	vmov s22  }
0x3eb: {  	v11 =	vshll.u32 v11, $0x4;
	v14 =	vshrl.u32 v55, $0x7  }
0x3ec: {  	v11 =	vand.u32 $0x7F0, v11;
	v15 =	vshll.u32 v14, $0xB  }
0x3ed: {  	v16 =	vor.u32 v11, v15;
	v15 =	vxor.u32 $0x800, v15  }
0x3ee: {  	v11 =	vor.u32 v11, v15;
	v17 =	vand.u32 $0x8, v54;
	v13 =	vshll.u32 v13, $0x2  }
0x3ef: {  	v12 =	vand.u32 $0x7, v54;
	v56 =	vor.u32 v17, v16;
	v13 =	vadd.s32 v14, v13  }
0x3f0: {  	v11 =	vor.u32 v17, v11;
	v57 =	vor.u32 v12, v56;
	v58 =	vxor.u32 $0x1, v13  }
0x3f1: {  	v11 =	vor.u32 v12, v11;
	v14 =	vadd.s32 $0x1000, v57  }
0x3f2: {  	v11 =	vadd.s32 $0x1000, v11;
	_ =	sdelay $0x1  }
0x3f3: {  	v59 =	vld.idx.msk [tilespmem:v13+s19+$0x0], $0xffff  }
0x3f4: {  	v60 =	vld.idx.msk [tilespmem:v58+s19+$0x0], $0xffff  }
0x3f5: {  	v14 =	vld.idx.msk [tilespmem:v14+s30+$0x0], $0xffff  }
0x3f6: {  	v11 =	vld.idx.msk [tilespmem:v11+s30+$0x0], $0xffff;
	_ =	sdelay $0x4  }
0x3f7: {  	v61 =	vadd.f32 v59, v14;
	v11 =	vadd.f32 v60, v11;
	_ =	sdelay $0x1  }
0x3f8: {  	v13 =	vsub.f32 v61, v11;
	_ =	sdelay $0x1  }
0x3f9: {  	v13 =	vand.u32 $0x7FFFFFFF, v13  }
0x3fa: {  	v13 =	vsub.f32 $0.0e+00, v13;
	_ =	sdelay $0x1  }
0x3fb: {  	v13 =	vmul.f32 $1.442695020e+00, v13;
	_ =	sdelay $0x1  }
0x3fc: {  	(erf) = vpow2.f32 v13;
	_ =	sdelay $0x8  }
0x3fd: {  	v13 =	vpop (erf)  }
0x3fe: {  	v14 =	vmul.f32 v14, v14;
	v62 =	vmul.f32 $1.024382840e-02, v13;
	_ =	sdelay $0x1  }
0x3ff: {  	v12 =	vmul.f32 v59, v59;
	v10 =	vadd.f32 v14, v10;
	v16 =	vadd.f32 $-5.326747890e-02, v62;
	_ =	sdelay $0x1  }
0x400: {  	v9 =	vadd.f32 v12, v9;
	(xrf2) =	vadd.scan.msk.f32 $0xffff, v10;
	v63 =	vmul.f32 v16, v13;
	_ =	sdelay $0x1  }
0x401: {  	(xrf2) =	vadd.scan.msk.f32 $0xffff, v9;
	v14 =	vadd.f32 $1.319896580e-01, v63;
	_ =	sdelay $0x1  }
0x402: {  	v10 =	vmul.f32 v14, v13;
	_ =	sdelay $0x1  }
0x403: {  	v9 =	vadd.f32 $-2.239668970e-01, v10;
	_ =	sdelay $0x1  }
0x404: {  	v9 =	vmul.f32 v9, v13;
	_ =	sdelay $0x1  }
0x405: {  	v10, _, _ =	vpop (xrf2);
	v9 =	vadd.f32 $3.275117280e-01, v9  }
0x406: {  	(v2sf) =	vpush v10, $0xF  }
0x407: {  	v10, _, _ =	vpop (xrf2);
	v9 =	vmul.f32 v9, v13  }
0x408: {  	(v2sf) =	vpush v10, $0xF  }
0x409: {  	v9 =	vadd.f32 $-4.993339480e-01, v9;
	_ =	sdelay $0x1  }
0x40a: {  	v9 =	vmul.f32 v9, v13;
	_ =	sdelay $0x1  }
0x40b: {  	v9 =	vadd.f32 $9.999702570e-01, v9;
	_ =	sdelay $0x1  }
0x40c: {  	v9 =	vmul.f32 v9, v13  }
0x40d: {  	s7 =	sshrl.u32 s7, $0x4;
	v10 =	vmax.f32 v61, v11  }
0x40e: {  	s7 =	smul.u32 $0xC00, s7;
	v10 =	vsub.f32 v61, v10;
	v9 =	vadd.f32 $2.215976450e-07, v9;
	_ =	sdelay $0x1  }
0x40f: {  	s8 =	sadd.s32 $0x10, s8;
	s7 =	sshra.s32 s7, $0x2;
	v9 =	vsub.f32 v10, v9  }
0x410: {  	s7 =	sadd.s32 s7, s8  }
0x411: {  	s9 =	simm.s32 $0xAFA0;
	s22 =	spop (v2sf);
	[tilespmem:s7+$0x0] =	vst v9  }
0x412: {  	[hbm4b:s15+s1] =	stream.linear.scatter [tilespmem:s9], [sflag:$0x5], $0x400, $0x38;
	[tilespmem:$0xBBB0] =	vst v63  }
0x413: {  	s7 =	smul.f32 $2.000000000e+02, s22;
	s9 =	spop (v2sf)  }
0x414: {  	s24 =	simm.s32 $0xB3A0;
	s8 =	sadd.f32 s9, s9  }
0x415: {  	v9 =	vmov s7;
	[hbm4b:s13+s1] =	stream.linear.scatter [tilespmem:s24], [sflag:$0x5], $0x400, $0x38;
	[tilespmem:$0xBBB0] =	vst v63  }
0x416: {  	s22 =	simm.s32 $0xB7A0;
	v9 =	vnsel vm0, $0x0, v9  }
0x417: {  	v9 =	vsel vm1, s8, v9;
	[hbm4b:s16+s1] =	stream.linear.scatter [tilespmem:s22], [sflag:$0x5], $0x400, $0x38;
	[tilespmem:$0xBBB0] =	vst v63  }
0x418: {  	s24 =	simm.s32 $0xBBA0;
	[tilespmem:$0xBBA0] =	vst v9  }
0x419: {  	[hbm4b:s17+s1] =	stream.linear.scatter [tilespmem:s24], [sflag:$0x6], $0x10, $0x38;
	[tilespmem:$0xBBB0] =	vst v63  }
0x41a: {  	_ =	swait.ge [sflag:s5], $0x10  }
0x41b: {  	[sflag:s5] =	ssyncset.done $0x0  }
0x41c: {  	[sflag:s5] =	ssyncadd.s32 $0xFFFFFFF0  }
0x41d: {  	_ =	swait.ge [sflag:s6], $0x400  }
0x41e: {  	[sflag:s6] =	ssyncset.done $0x0  }
0x41f: {  	s0 =	sadd.s32 $0x1, s0;
	[sflag:s6] =	ssyncadd.s32 $0xFFFFFC00  }
0x420: {  	p0 =	sne.s32 s0, s18;
	_ =	swait.ge [sflag:s6], $0x400  }
.Ltmp9:
0x421: {  	[sflag:s6] =	ssyncset.done $0x0;
	(pc) =	sbr.rel @p0 .LBB2_1-.Ltmp9, $4  }
0x422: {  	[sflag:s6] =	ssyncadd.s32 $0xFFFFFC00  }
0x423: {  	_ =	swait.ge [sflag:s6], $0x400  }
0x424: {  	[sflag:s6] =	ssyncset.done $0x0  }
0x425: {  	[sflag:s6] =	ssyncadd.s32 $0xFFFFFC00  }
0x426: {  	_ =	sfence.sel $0x180000  }
0x427: {  	[bflag:$0x0] =	sbarrier.arrive $0xFFFF  }
0x428: {  	_ =	strace $0x90000047  }
0x429: {  	s0 =	stileid.u32;
	[bflag:$0x2] =	sbarrier.arrive $0xFFFF  }
0x42a: {  	p0 =	sne.s32 s0, $0x0;
	s0 =	rddreg [dreg:$0x5]  }
0x42b: {  	s0 =	sadd.s32 @!p0 $0x100000, s0  }
0x42c: {  	[sflag:s0] =	ssyncadd.tile.s32 @!p0 $0x1;
	_ =	shalt  }
.Lfunc_end2:
_tile_overlayer_lowered:
.L_overlay_start_2:
0x42d: {  	(tag) =	ssettag $0x2  }
0x42e: {  	s0 =	rddreg [dreg:$0x0];
	s2 =	stileid.u32  }
0x42f: {  	s1 =	rddreg [dreg:$0x1];
	p0 =	sne.s32 s2, $0x0  }
0x430: {  	s3 =	rddreg [dreg:$0x2];
	[bflag:$0x3] =	sbarrier.arrive $0xFFFF;
	s2 =	simm.s32 @!p0 $0x1C06  }
0x431: {  	[timem:s3], [sflag:s2] =	dma.local @!p0 [hbm:s0], s1  }
0x432: {  	s0 =	simm.s32 @!p0 $0x6  }
0x433: {  	_ =	swait.ge @!p0 [sflag:s0], s1  }
0x434: {  	s1 =	ssub.s32 @!p0 $0x0, s1;
	[sflag:s0] =	ssyncset.done @!p0 $0x0  }
0x435: {  	[sflag:s0] =	ssyncadd.s32 @!p0 s1  }
0x436: {  	[bflag:$0x3] =	sbarrier.arrive $0xFFFF  }
0x437: {  	_ =	shalt  }

</sc_bundles>
